<compile_context>
chip_gen: v7x
topology: tpu7x:2x2x1
jax: 0.10.2.dev20260603
libtpu: 0.0.44.dev20260713+nightly
codegen_flags: <defaults>
</compile_context>

<pallas_src>
import functools

import jax
import jax.numpy as jnp
from jax import lax
from jax.experimental import pallas as pl
from jax.experimental.pallas import tpu as pltpu
from jax.experimental.pallas import tpu_sc as plsc


def _logits_body(x_ref, gw_ref, out_ref):
    out_ref[...] = jax.lax.dot_general(
        gw_ref[...], x_ref[...], (((1,), (1,)), ((), ())),
        preferred_element_type=jnp.float32)


def _make_sc_route(BS, S, B, E):
    info = plsc.get_sparse_core_info()
    NC, NS, L = info.num_cores, info.num_subcores, info.num_lanes
    NW = NC * NS
    TOK = BS // NW
    mesh = plsc.VectorSubcoreMesh(core_axis_name="c", subcore_axis_name="s")

    @functools.partial(
        pl.kernel, mesh=mesh,
        out_type=jax.ShapeDtypeStruct((E, BS), jnp.float32),
        scratch_types=[
            pltpu.VMEM((E, TOK), jnp.float32),
            pltpu.VMEM((E, TOK), jnp.float32),
        ],
    )
    def route_kernel(lt_hbm, out_hbm, lbuf, obuf):
        wid = lax.axis_index("s") * NC + lax.axis_index("c")
        base = wid * TOK
        pltpu.sync_copy(lt_hbm.at[:, pl.ds(base, TOK)], lbuf)
        for c in range(TOK // L):
            sl = pl.ds(c * L, L)
            ls = [lbuf[e, sl] for e in range(E)]
            m1 = ls[0]
            for e in range(1, E):
                m1 = jnp.maximum(m1, ls[e])
            i1 = jnp.full((L,), float(E), jnp.float32)
            for e in range(E - 1, -1, -1):
                i1 = jnp.where(ls[e] >= m1, float(e), i1)
            ms = [jnp.where(i1 == float(e), -1e30, ls[e]) for e in range(E)]
            m2 = ms[0]
            for e in range(1, E):
                m2 = jnp.maximum(m2, ms[e])
            i2 = jnp.full((L,), float(E), jnp.float32)
            for e in range(E - 1, -1, -1):
                i2 = jnp.where(ms[e] >= m2, float(e), i2)
            z = jnp.exp(m2 - m1)
            w1 = 1.0 / (1.0 + z)
            w2 = z / (1.0 + z)
            gi = lax.iota(jnp.int32, L) + (base + c * L)
            mrow = jnp.ones((L,), jnp.float32)
            for k in range(1, B):
                mrow = jnp.where(gi == k * S, 0.0, mrow)
            obuf[0, sl] = w1
            obuf[1, sl] = w2
            obuf[2, sl] = i1
            obuf[3, sl] = i2
            obuf[4, sl] = mrow
            obuf[5, sl] = w1
            obuf[6, sl] = w1
            obuf[7, sl] = w1
        pltpu.sync_copy(obuf, out_hbm.at[:, pl.ds(base, TOK)])

    return route_kernel


def _moe_mingru_body(x_ref, wg_ref, bg_ref, wv_ref, bv_ref,
                     wd_ref, bd_ref, route_ref, out_ref, *, B, S, E, BLK):
    e_idx = pl.program_id(1)
    BS = B * S

    xflat = x_ref[...]

    def proj(w_ref, b_ref):
        y = jax.lax.dot_general(
            xflat, w_ref[0], (((1,), (1,)), ((), ())),
            preferred_element_type=jnp.float32)
        return y + b_ref[0, pl.ds(e_idx, 1), :]

    g = proj(wg_ref, bg_ref)
    v = proj(wv_ref, bv_ref)
    d = proj(wd_ref, bd_ref)

    xs = (jax.nn.sigmoid(g) * jnp.tanh(v)).astype(jnp.bfloat16)
    a = ((0.001 + 0.998 * jax.nn.sigmoid(d)) * route_ref[:, 4:5]
         ).astype(jnp.bfloat16)

    off = 1
    while off < S:
        a_sh = jnp.concatenate(
            [jnp.ones((off, BLK), jnp.bfloat16), a[:BS - off, :]], axis=0)
        x_sh = jnp.concatenate(
            [jnp.zeros((off, BLK), jnp.bfloat16), xs[:BS - off, :]], axis=0)
        xs = xs + a * x_sh
        if off * 2 < S:
            a = a * a_sh
        off *= 2
    h = xs.astype(jnp.float32)

    r = route_ref[...]
    ef = e_idx.astype(jnp.float32)
    w_e = (r[:, 0:1] * jnp.where(r[:, 2:3] == ef, 1.0, 0.0)
           + r[:, 1:2] * jnp.where(r[:, 3:4] == ef, 1.0, 0.0))
    contrib = h * w_e

    @pl.when(e_idx == 0)
    def _():
        out_ref[...] = contrib

    @pl.when(e_idx != 0)
    def _():
        out_ref[...] = out_ref[...] + contrib


@jax.jit
def kernel(x, gate_W, Wg, bg, Wv, bv, Wd, bd):
    B, S, D = x.shape
    E = gate_W.shape[0]
    BS = B * S
    BLK = min(256, D)
    nblk = D // BLK

    bg = bg.reshape(E, nblk, BLK).swapaxes(0, 1)
    bv = bv.reshape(E, nblk, BLK).swapaxes(0, 1)
    bd = bd.reshape(E, nblk, BLK).swapaxes(0, 1)
    x2 = x.reshape(BS, D)

    logitsT = pl.pallas_call(
        _logits_body,
        out_shape=jax.ShapeDtypeStruct((E, BS), jnp.float32),
    )(x2, gate_W)

    route = _make_sc_route(BS, S, B, E)(logitsT).T

    body = functools.partial(_moe_mingru_body, B=B, S=S, E=E, BLK=BLK)
    out = pl.pallas_call(
        body,
        grid=(nblk, E),
        in_specs=[
            pl.BlockSpec((BS, D), lambda d, e: (0, 0)),
            pl.BlockSpec((1, BLK, D), lambda d, e: (e, d, 0)),
            pl.BlockSpec((1, E, BLK), lambda d, e: (d, 0, 0)),
            pl.BlockSpec((1, BLK, D), lambda d, e: (e, d, 0)),
            pl.BlockSpec((1, E, BLK), lambda d, e: (d, 0, 0)),
            pl.BlockSpec((1, BLK, D), lambda d, e: (e, d, 0)),
            pl.BlockSpec((1, E, BLK), lambda d, e: (d, 0, 0)),
            pl.BlockSpec((BS, E), lambda d, e: (0, 0)),
        ],
        out_specs=pl.BlockSpec((BS, BLK), lambda d, e: (0, d)),
        out_shape=jax.ShapeDtypeStruct((BS, D), jnp.float32),
    )(x2, Wg, bg, Wv, bv, Wd, bd, route)
    return out.reshape(B, S, D)

# --- scband reference (transcript-rebuilt; emitter-appended) ---
"""Pipeline reference for scband-mo-emin-grulayer-35459249996091 (READ-ONLY COPY).

The authoritative reference and input builder live on the scoring server;
editing this copy changes nothing except your own understanding.
"""

import jax, jax.numpy as jnp
import numpy as np

B, S, D, E, K = 2, 2048, 768, 8, 2


def setup_inputs(seed: int = 0) -> dict:
    key = jax.random.key(seed)
    ks = jax.random.split(key, 9)
    lim = 1.0 / np.sqrt(D)
    x = jax.random.normal(ks[0], (B, S, D), dtype=jnp.float32)
    Wg = jax.random.uniform(ks[1], (E, D, D), jnp.float32, -lim, lim)
    bg = jax.random.uniform(ks[2], (E, D), jnp.float32, -lim, lim)
    Wv = jax.random.uniform(ks[3], (E, D, D), jnp.float32, -lim, lim)
    bv = jax.random.uniform(ks[4], (E, D), jnp.float32, -lim, lim)
    Wd = jax.random.uniform(ks[5], (E, D, D), jnp.float32, -lim, lim)
    bd = jnp.ones((E, D), dtype=jnp.float32)  # decay_bias_init = 1.0
    gate_W = jax.random.uniform(ks[6], (E, D), jnp.float32, -lim, lim)
    return {"x": x, "gate_W": gate_W, "Wg": Wg, "bg": bg, "Wv": Wv, "bv": bv, "Wd": Wd, "bd": bd}


def _prefix_scan_causal(x_scan, a):
    # x_scan, a: [E, B, S, D]; h_t = a_t * h_{t-1} + x_t along S
    xs = jnp.moveaxis(x_scan, 2, 0)  # [S, E, B, D]
    as_ = jnp.moveaxis(a, 2, 0)
    h0 = jnp.zeros(xs.shape[1:], dtype=xs.dtype)

    def step(h, xa):
        xt, at = xa
        h = at * h + xt
        return h, h

    _, out = jax.lax.scan(step, h0, (xs, as_))
    return jnp.moveaxis(out, 0, 2)  # [E, B, S, D]


def reference(x, gate_W, Wg, bg, Wv, bv, Wd, bd):
    # router
    gate_logits = x @ gate_W.T  # [B, S, E]
    top_vals, top_idx = jax.lax.top_k(gate_logits, K)  # [B, S, K]
    weights = jax.nn.softmax(top_vals, axis=-1)
    # all experts on full d_model (nn.Linear: y = x @ W.T + b)
    g = jnp.einsum('bsd,eod->ebso', x, Wg) + bg[:, None, None, :]
    v = jnp.einsum('bsd,eod->ebso', x, Wv) + bv[:, None, None, :]
    d = jnp.einsum('bsd,eod->ebso', x, Wd) + bd[:, None, None, :]
    x_scan = jax.nn.sigmoid(g) * jnp.tanh(v)
    a = 0.001 + 0.998 * jax.nn.sigmoid(d)
    expert_outs = _prefix_scan_causal(x_scan, a)  # [E, B, S, D]
    # combine: sum_k w_k * expert_outs[top_idx_k] (top_k indices distinct,
    # identical to the mask-accumulate loop in the torch code)
    outs_t = jnp.moveaxis(expert_outs, 0, 2)  # [B, S, E, D]
    gathered = jnp.take_along_axis(outs_t, top_idx[..., None], axis=2)  # [B, S, K, D]
    result = jnp.sum(weights[..., None] * gathered, axis=2)  # [B, S, D]
    return result

if __name__ == "__main__":
    import jax
    _d = setup_inputs()
    print(jax.jit(kernel)(*tuple(_d.values())))

</pallas_src>

<mosaic_0001>
#map = affine_map<(d0, d1) -> (0, 0)>
module attributes {stable_mosaic.version = 14 : i64} {
  func.func @route_kernel(%arg0: i32, %arg1: i32, %arg2: memref<8x4096xf32, #tpu.memory_space<hbm>>, %arg3: memref<8x4096xf32, #tpu.memory_space<hbm>>, %arg4: memref<8x128xf32, #tpu.memory_space<vmem>>, %arg5: memref<8x128xf32, #tpu.memory_space<vmem>>) attributes {dimension_semantics = [#tpu.dimension_semantics<core_parallel>, #tpu.dimension_semantics<subcore_parallel>], iteration_bounds = array<i64: 2, 16>, scalar_prefetch = 0 : i64, scratch_operands = 2 : i64, tpu.core_type = #tpu.core_type<sc_vector_subcore>, window_params = [{transform_indices = #map}, {transform_indices = #map}]} {
    %mul3A = arith.constant 2 : i32
    %mul3A_0 = arith.muli %arg1, %mul3A : i32
    %add3A = arith.addi %mul3A_0, %arg0 : i32
    %mul3A_1 = arith.constant 128 : i32
    %mul3A_2 = arith.muli %add3A, %mul3A_1 : i32
    "tpu.region"() ({
      %run_scoped3A = tpu.sem_alloc : memref<!tpu.dma_semaphore, #tpu.memory_space<semaphore_mem>>
      %dma_start3A = arith.constant 0 : i32
      %dma_start3A_1935 = tpu.memref_slice %arg2[%dma_start3A, %mul3A_2] : memref<8x4096xf32, #tpu.memory_space<hbm>> -> memref<8x128xf32, #tpu.memory_space<hbm>>
      %dma_start3A_1936 = arith.constant 0 : i32
      %dma_start3A_1937 = tpu.memref_slice %arg2[%dma_start3A_1936, %mul3A_2] : memref<8x4096xf32, #tpu.memory_space<hbm>> -> memref<8x128xf32, #tpu.memory_space<hbm>>
      tpu.enqueue_dma source(%dma_start3A_1937 : memref<8x128xf32, #tpu.memory_space<hbm>>) target(%arg4 : memref<8x128xf32, #tpu.memory_space<vmem>>) target_semaphore(%run_scoped3A : memref<!tpu.dma_semaphore, #tpu.memory_space<semaphore_mem>>)
      %dma_wait3A = arith.constant 0 : i32
      %dma_wait3A_1938 = tpu.memref_slice %arg2[%dma_wait3A, %mul3A_2] : memref<8x4096xf32, #tpu.memory_space<hbm>> -> memref<8x128xf32, #tpu.memory_space<hbm>>
      %dma_wait3A_1939 = arith.constant 0 : i32
      %dma_wait3A_1940 = tpu.memref_slice %arg2[%dma_wait3A_1939, %mul3A_2] : memref<8x4096xf32, #tpu.memory_space<hbm>> -> memref<8x128xf32, #tpu.memory_space<hbm>>
      tpu.wait_dma2 semaphore(%run_scoped3A : memref<!tpu.dma_semaphore, #tpu.memory_space<semaphore_mem>>) src(%dma_wait3A_1940 : memref<8x128xf32, #tpu.memory_space<hbm>>) dst(%arg4 : memref<8x128xf32, #tpu.memory_space<vmem>>)
      tpu.yield
    }) : () -> ()
    %get3A = arith.constant 0 : i32
    %get3A_3 = arith.index_cast %get3A : i32 to index
    %get3A_4 = arith.constant 0 : index
    %get3A_5 = tpu.vector_load %arg4[%get3A_3, %get3A_4] {strides = array<i32>} : memref<8x128xf32, #tpu.memory_space<vmem>>, vector<1x16xf32>,
    %get3A_6 = vector.shape_cast %get3A_5 : vector<1x16xf32> to vector<16xf32>
    %get3A_7 = arith.constant 1 : i32
    %get3A_8 = arith.index_cast %get3A_7 : i32 to index
    %get3A_9 = arith.constant 0 : index
    %get3A_10 = tpu.vector_load %arg4[%get3A_8, %get3A_9] {strides = array<i32>} : memref<8x128xf32, #tpu.memory_space<vmem>>, vector<1x16xf32>,
    %get3A_11 = vector.shape_cast %get3A_10 : vector<1x16xf32> to vector<16xf32>
    %get3A_12 = arith.constant 2 : i32
    %get3A_13 = arith.index_cast %get3A_12 : i32 to index
    %get3A_14 = arith.constant 0 : index
    %get3A_15 = tpu.vector_load %arg4[%get3A_13, %get3A_14] {strides = array<i32>} : memref<8x128xf32, #tpu.memory_space<vmem>>, vector<1x16xf32>,
    %get3A_16 = vector.shape_cast %get3A_15 : vector<1x16xf32> to vector<16xf32>
    %get3A_17 = arith.constant 3 : i32
    %get3A_18 = arith.index_cast %get3A_17 : i32 to index
    %get3A_19 = arith.constant 0 : index
    %get3A_20 = tpu.vector_load %arg4[%get3A_18, %get3A_19] {strides = array<i32>} : memref<8x128xf32, #tpu.memory_space<vmem>>, vector<1x16xf32>,
    %get3A_21 = vector.shape_cast %get3A_20 : vector<1x16xf32> to vector<16xf32>
    %get3A_22 = arith.constant 4 : i32
    %get3A_23 = arith.index_cast %get3A_22 : i32 to index
    %get3A_24 = arith.constant 0 : index
    %get3A_25 = tpu.vector_load %arg4[%get3A_23, %get3A_24] {strides = array<i32>} : memref<8x128xf32, #tpu.memory_space<vmem>>, vector<1x16xf32>,
    %get3A_26 = vector.shape_cast %get3A_25 : vector<1x16xf32> to vector<16xf32>
    %get3A_27 = arith.constant 5 : i32
    %get3A_28 = arith.index_cast %get3A_27 : i32 to index
    %get3A_29 = arith.constant 0 : index
    %get3A_30 = tpu.vector_load %arg4[%get3A_28, %get3A_29] {strides = array<i32>} : memref<8x128xf32, #tpu.memory_space<vmem>>, vector<1x16xf32>,
    %get3A_31 = vector.shape_cast %get3A_30 : vector<1x16xf32> to vector<16xf32>
    %get3A_32 = arith.constant 6 : i32
    %get3A_33 = arith.index_cast %get3A_32 : i32 to index
    %get3A_34 = arith.constant 0 : index
    %get3A_35 = tpu.vector_load %arg4[%get3A_33, %get3A_34] {strides = array<i32>} : memref<8x128xf32, #tpu.memory_space<vmem>>, vector<1x16xf32>,
    %get3A_36 = vector.shape_cast %get3A_35 : vector<1x16xf32> to vector<16xf32>
    %get3A_37 = arith.constant 7 : i32
    %get3A_38 = arith.index_cast %get3A_37 : i32 to index
    %get3A_39 = arith.constant 0 : index
    %get3A_40 = tpu.vector_load %arg4[%get3A_38, %get3A_39] {strides = array<i32>} : memref<8x128xf32, #tpu.memory_space<vmem>>, vector<1x16xf32>,
    %get3A_41 = vector.shape_cast %get3A_40 : vector<1x16xf32> to vector<16xf32>
    %max3A = arith.maximumf %get3A_6, %get3A_11 : vector<16xf32>
    %max3A_42 = arith.maximumf %max3A, %get3A_16 : vector<16xf32>
    %max3A_43 = arith.maximumf %max3A_42, %get3A_21 : vector<16xf32>
    %max3A_44 = arith.maximumf %max3A_43, %get3A_26 : vector<16xf32>
    %max3A_45 = arith.maximumf %max3A_44, %get3A_31 : vector<16xf32>
    %max3A_46 = arith.maximumf %max3A_45, %get3A_36 : vector<16xf32>
    %max3A_47 = arith.maximumf %max3A_46, %get3A_41 : vector<16xf32>
    %broadcast_in_dim3A = arith.constant 8.000000e+00 : f32
    %broadcast_in_dim3A_48 = vector.broadcast %broadcast_in_dim3A : f32 to vector<16xf32>
    %ge3A = arith.cmpf oge, %get3A_41, %max3A_47 : vector<16xf32>
    %jit3A = arith.constant 7.000000e+00 : f32
    %broadcast_in_dim3A_49 = vector.broadcast %jit3A : f32 to vector<16xf32>
    %select_n3A = arith.select %ge3A, %broadcast_in_dim3A_49, %broadcast_in_dim3A_48 : vector<16xi1>, vector<16xf32>
    %ge3A_50 = arith.cmpf oge, %get3A_36, %max3A_47 : vector<16xf32>
    %jit3A_51 = arith.constant 6.000000e+00 : f32
    %broadcast_in_dim3A_52 = vector.broadcast %jit3A_51 : f32 to vector<16xf32>
    %select_n3A_53 = arith.select %ge3A_50, %broadcast_in_dim3A_52, %select_n3A : vector<16xi1>, vector<16xf32>
    %ge3A_54 = arith.cmpf oge, %get3A_31, %max3A_47 : vector<16xf32>
    %jit3A_55 = arith.constant 5.000000e+00 : f32
    %broadcast_in_dim3A_56 = vector.broadcast %jit3A_55 : f32 to vector<16xf32>
    %select_n3A_57 = arith.select %ge3A_54, %broadcast_in_dim3A_56, %select_n3A_53 : vector<16xi1>, vector<16xf32>
    %ge3A_58 = arith.cmpf oge, %get3A_26, %max3A_47 : vector<16xf32>
    %jit3A_59 = arith.constant 4.000000e+00 : f32
    %broadcast_in_dim3A_60 = vector.broadcast %jit3A_59 : f32 to vector<16xf32>
    %select_n3A_61 = arith.select %ge3A_58, %broadcast_in_dim3A_60, %select_n3A_57 : vector<16xi1>, vector<16xf32>
    %ge3A_62 = arith.cmpf oge, %get3A_21, %max3A_47 : vector<16xf32>
    %jit3A_63 = arith.constant 3.000000e+00 : f32
    %broadcast_in_dim3A_64 = vector.broadcast %jit3A_63 : f32 to vector<16xf32>
    %select_n3A_65 = arith.select %ge3A_62, %broadcast_in_dim3A_64, %select_n3A_61 : vector<16xi1>, vector<16xf32>
    %ge3A_66 = arith.cmpf oge, %get3A_16, %max3A_47 : vector<16xf32>
    %jit3A_67 = arith.constant 2.000000e+00 : f32
    %broadcast_in_dim3A_68 = vector.broadcast %jit3A_67 : f32 to vector<16xf32>
    %select_n3A_69 = arith.select %ge3A_66, %broadcast_in_dim3A_68, %select_n3A_65 : vector<16xi1>, vector<16xf32>
    %ge3A_70 = arith.cmpf oge, %get3A_11, %max3A_47 : vector<16xf32>
    %jit3A_71 = arith.constant 1.000000e+00 : f32
    %broadcast_in_dim3A_72 = vector.broadcast %jit3A_71 : f32 to vector<16xf32>
    %select_n3A_73 = arith.select %ge3A_70, %broadcast_in_dim3A_72, %select_n3A_69 : vector<16xi1>, vector<16xf32>
    %ge3A_74 = arith.cmpf oge, %get3A_6, %max3A_47 : vector<16xf32>
    %jit3A_75 = arith.constant 0.000000e+00 : f32
    %broadcast_in_dim3A_76 = vector.broadcast %jit3A_75 : f32 to vector<16xf32>
    %select_n3A_77 = arith.select %ge3A_74, %broadcast_in_dim3A_76, %select_n3A_73 : vector<16xi1>, vector<16xf32>
    %eq3A = arith.constant 0.000000e+00 : f32
    %eq3A_78 = vector.broadcast %eq3A : f32 to vector<16xf32>
    %eq3A_79 = arith.cmpf oeq, %select_n3A_77, %eq3A_78 : vector<16xf32>
    %jit3A_80 = arith.constant -1.000000e+30 : f32
    %broadcast_in_dim3A_81 = vector.broadcast %jit3A_80 : f32 to vector<16xf32>
    %select_n3A_82 = arith.select %eq3A_79, %broadcast_in_dim3A_81, %get3A_6 : vector<16xi1>, vector<16xf32>
    %eq3A_83 = arith.constant 1.000000e+00 : f32
    %eq3A_84 = vector.broadcast %eq3A_83 : f32 to vector<16xf32>
    %eq3A_85 = arith.cmpf oeq, %select_n3A_77, %eq3A_84 : vector<16xf32>
    %jit3A_86 = arith.constant -1.000000e+30 : f32
    %broadcast_in_dim3A_87 = vector.broadcast %jit3A_86 : f32 to vector<16xf32>
    %select_n3A_88 = arith.select %eq3A_85, %broadcast_in_dim3A_87, %get3A_11 : vector<16xi1>, vector<16xf32>
    %eq3A_89 = arith.constant 2.000000e+00 : f32
    %eq3A_90 = vector.broadcast %eq3A_89 : f32 to vector<16xf32>
    %eq3A_91 = arith.cmpf oeq, %select_n3A_77, %eq3A_90 : vector<16xf32>
    %jit3A_92 = arith.constant -1.000000e+30 : f32
    %broadcast_in_dim3A_93 = vector.broadcast %jit3A_92 : f32 to vector<16xf32>
    %select_n3A_94 = arith.select %eq3A_91, %broadcast_in_dim3A_93, %get3A_16 : vector<16xi1>, vector<16xf32>
    %eq3A_95 = arith.constant 3.000000e+00 : f32
    %eq3A_96 = vector.broadcast %eq3A_95 : f32 to vector<16xf32>
    %eq3A_97 = arith.cmpf oeq, %select_n3A_77, %eq3A_96 : vector<16xf32>
    %jit3A_98 = arith.constant -1.000000e+30 : f32
    %broadcast_in_dim3A_99 = vector.broadcast %jit3A_98 : f32 to vector<16xf32>
    %select_n3A_100 = arith.select %eq3A_97, %broadcast_in_dim3A_99, %get3A_21 : vector<16xi1>, vector<16xf32>
    %eq3A_101 = arith.constant 4.000000e+00 : f32
    %eq3A_102 = vector.broadcast %eq3A_101 : f32 to vector<16xf32>
    %eq3A_103 = arith.cmpf oeq, %select_n3A_77, %eq3A_102 : vector<16xf32>
    %jit3A_104 = arith.constant -1.000000e+30 : f32
    %broadcast_in_dim3A_105 = vector.broadcast %jit3A_104 : f32 to vector<16xf32>
    %select_n3A_106 = arith.select %eq3A_103, %broadcast_in_dim3A_105, %get3A_26 : vector<16xi1>, vector<16xf32>
    %eq3A_107 = arith.constant 5.000000e+00 : f32
    %eq3A_108 = vector.broadcast %eq3A_107 : f32 to vector<16xf32>
    %eq3A_109 = arith.cmpf oeq, %select_n3A_77, %eq3A_108 : vector<16xf32>
    %jit3A_110 = arith.constant -1.000000e+30 : f32
    %broadcast_in_dim3A_111 = vector.broadcast %jit3A_110 : f32 to vector<16xf32>
    %select_n3A_112 = arith.select %eq3A_109, %broadcast_in_dim3A_111, %get3A_31 : vector<16xi1>, vector<16xf32>
    %eq3A_113 = arith.constant 6.000000e+00 : f32
    %eq3A_114 = vector.broadcast %eq3A_113 : f32 to vector<16xf32>
    %eq3A_115 = arith.cmpf oeq, %select_n3A_77, %eq3A_114 : vector<16xf32>
    %jit3A_116 = arith.constant -1.000000e+30 : f32
    %broadcast_in_dim3A_117 = vector.broadcast %jit3A_116 : f32 to vector<16xf32>
    %select_n3A_118 = arith.select %eq3A_115, %broadcast_in_dim3A_117, %get3A_36 : vector<16xi1>, vector<16xf32>
    %eq3A_119 = arith.constant 7.000000e+00 : f32
    %eq3A_120 = vector.broadcast %eq3A_119 : f32 to vector<16xf32>
    %eq3A_121 = arith.cmpf oeq, %select_n3A_77, %eq3A_120 : vector<16xf32>
    %jit3A_122 = arith.constant -1.000000e+30 : f32
    %broadcast_in_dim3A_123 = vector.broadcast %jit3A_122 : f32 to vector<16xf32>
    %select_n3A_124 = arith.select %eq3A_121, %broadcast_in_dim3A_123, %get3A_41 : vector<16xi1>, vector<16xf32>
    %max3A_125 = arith.maximumf %select_n3A_82, %select_n3A_88 : vector<16xf32>
    %max3A_126 = arith.maximumf %max3A_125, %select_n3A_94 : vector<16xf32>
    %max3A_127 = arith.maximumf %max3A_126, %select_n3A_100 : vector<16xf32>
    %max3A_128 = arith.maximumf %max3A_127, %select_n3A_106 : vector<16xf32>
    %max3A_129 = arith.maximumf %max3A_128, %select_n3A_112 : vector<16xf32>
    %max3A_130 = arith.maximumf %max3A_129, %select_n3A_118 : vector<16xf32>
    %max3A_131 = arith.maximumf %max3A_130, %select_n3A_124 : vector<16xf32>
    %broadcast_in_dim3A_132 = arith.constant 8.000000e+00 : f32
    %broadcast_in_dim3A_133 = vector.broadcast %broadcast_in_dim3A_132 : f32 to vector<16xf32>
    %ge3A_134 = arith.cmpf oge, %select_n3A_124, %max3A_131 : vector<16xf32>
    %jit3A_135 = arith.constant 7.000000e+00 : f32
    %broadcast_in_dim3A_136 = vector.broadcast %jit3A_135 : f32 to vector<16xf32>
    %select_n3A_137 = arith.select %ge3A_134, %broadcast_in_dim3A_136, %broadcast_in_dim3A_133 : vector<16xi1>, vector<16xf32>
    %ge3A_138 = arith.cmpf oge, %select_n3A_118, %max3A_131 : vector<16xf32>
    %jit3A_139 = arith.constant 6.000000e+00 : f32
    %broadcast_in_dim3A_140 = vector.broadcast %jit3A_139 : f32 to vector<16xf32>
    %select_n3A_141 = arith.select %ge3A_138, %broadcast_in_dim3A_140, %select_n3A_137 : vector<16xi1>, vector<16xf32>
    %ge3A_142 = arith.cmpf oge, %select_n3A_112, %max3A_131 : vector<16xf32>
    %jit3A_143 = arith.constant 5.000000e+00 : f32
    %broadcast_in_dim3A_144 = vector.broadcast %jit3A_143 : f32 to vector<16xf32>
    %select_n3A_145 = arith.select %ge3A_142, %broadcast_in_dim3A_144, %select_n3A_141 : vector<16xi1>, vector<16xf32>
    %ge3A_146 = arith.cmpf oge, %select_n3A_106, %max3A_131 : vector<16xf32>
    %jit3A_147 = arith.constant 4.000000e+00 : f32
    %broadcast_in_dim3A_148 = vector.broadcast %jit3A_147 : f32 to vector<16xf32>
    %select_n3A_149 = arith.select %ge3A_146, %broadcast_in_dim3A_148, %select_n3A_145 : vector<16xi1>, vector<16xf32>
    %ge3A_150 = arith.cmpf oge, %select_n3A_100, %max3A_131 : vector<16xf32>
    %jit3A_151 = arith.constant 3.000000e+00 : f32
    %broadcast_in_dim3A_152 = vector.broadcast %jit3A_151 : f32 to vector<16xf32>
    %select_n3A_153 = arith.select %ge3A_150, %broadcast_in_dim3A_152, %select_n3A_149 : vector<16xi1>, vector<16xf32>
    %ge3A_154 = arith.cmpf oge, %select_n3A_94, %max3A_131 : vector<16xf32>
    %jit3A_155 = arith.constant 2.000000e+00 : f32
    %broadcast_in_dim3A_156 = vector.broadcast %jit3A_155 : f32 to vector<16xf32>
    %select_n3A_157 = arith.select %ge3A_154, %broadcast_in_dim3A_156, %select_n3A_153 : vector<16xi1>, vector<16xf32>
    %ge3A_158 = arith.cmpf oge, %select_n3A_88, %max3A_131 : vector<16xf32>
    %jit3A_159 = arith.constant 1.000000e+00 : f32
    %broadcast_in_dim3A_160 = vector.broadcast %jit3A_159 : f32 to vector<16xf32>
    %select_n3A_161 = arith.select %ge3A_158, %broadcast_in_dim3A_160, %select_n3A_157 : vector<16xi1>, vector<16xf32>
    %ge3A_162 = arith.cmpf oge, %select_n3A_82, %max3A_131 : vector<16xf32>
    %jit3A_163 = arith.constant 0.000000e+00 : f32
    %broadcast_in_dim3A_164 = vector.broadcast %jit3A_163 : f32 to vector<16xf32>
    %select_n3A_165 = arith.select %ge3A_162, %broadcast_in_dim3A_164, %select_n3A_161 : vector<16xi1>, vector<16xf32>
    %sub3A = arith.subf %max3A_131, %max3A_47 : vector<16xf32>
    %exp3A = math.exp %sub3A : vector<16xf32>
    %add3A_166 = arith.constant 1.000000e+00 : f32
    %add3A_167 = vector.broadcast %add3A_166 : f32 to vector<16xf32>
    %add3A_168 = arith.addf %add3A_167, %exp3A : vector<16xf32>
    %div3A = arith.constant 1.000000e+00 : f32
    %div3A_169 = vector.broadcast %div3A : f32 to vector<16xf32>
    %div3A_170 = arith.divf %div3A_169, %add3A_168 : vector<16xf32>
    %add3A_171 = arith.constant 1.000000e+00 : f32
    %add3A_172 = vector.broadcast %add3A_171 : f32 to vector<16xf32>
    %add3A_173 = arith.addf %add3A_172, %exp3A : vector<16xf32>
    %div3A_174 = arith.divf %exp3A, %add3A_173 : vector<16xf32>
    %iota3A = tpu.iota {dimensions = array<i32: 0>} : vector<16xi32>
    %add3A_175 = arith.constant 0 : i32
    %add3A_176 = arith.addi %mul3A_2, %add3A_175 : i32
    %add3A_177 = vector.broadcast %add3A_176 : i32 to vector<16xi32>
    %add3A_178 = arith.addi %iota3A, %add3A_177 : vector<16xi32>
    %broadcast_in_dim3A_179 = arith.constant 1.000000e+00 : f32
    %broadcast_in_dim3A_180 = vector.broadcast %broadcast_in_dim3A_179 : f32 to vector<16xf32>
    %eq3A_181 = arith.constant 2048 : i32
    %eq3A_182 = vector.broadcast %eq3A_181 : i32 to vector<16xi32>
    %eq3A_183 = arith.cmpi eq, %add3A_178, %eq3A_182 : vector<16xi32>
    %jit3A_184 = arith.constant 0.000000e+00 : f32
    %broadcast_in_dim3A_185 = vector.broadcast %jit3A_184 : f32 to vector<16xf32>
    %select_n3A_186 = arith.select %eq3A_183, %broadcast_in_dim3A_185, %broadcast_in_dim3A_180 : vector<16xi1>, vector<16xf32>
    %swap3A = arith.constant 0 : i32
    %swap3A_187 = arith.index_cast %swap3A : i32 to index
    %swap3A_188 = arith.constant 0 : index
    %swap3A_189 = tpu.vector_load %arg5[%swap3A_187, %swap3A_188] {strides = array<i32>} : memref<8x128xf32, #tpu.memory_space<vmem>>, vector<1x16xf32>,
    %swap3A_190 = vector.shape_cast %swap3A_189 : vector<1x16xf32> to vector<16xf32>
    %swap3A_191 = vector.shape_cast %div3A_170 : vector<16xf32> to vector<1x16xf32>
    tpu.vector_store %arg5[%swap3A_187, %swap3A_188], %swap3A_191 {strides = array<i32>} : memref<8x128xf32, #tpu.memory_space<vmem>>, vector<1x16xf32>,
    %swap3A_192 = arith.constant 1 : i32
    %swap3A_193 = arith.index_cast %swap3A_192 : i32 to index
    %swap3A_194 = arith.constant 0 : index
    %swap3A_195 = tpu.vector_load %arg5[%swap3A_193, %swap3A_194] {strides = array<i32>} : memref<8x128xf32, #tpu.memory_space<vmem>>, vector<1x16xf32>,
    %swap3A_196 = vector.shape_cast %swap3A_195 : vector<1x16xf32> to vector<16xf32>
    %swap3A_197 = vector.shape_cast %div3A_174 : vector<16xf32> to vector<1x16xf32>
    tpu.vector_store %arg5[%swap3A_193, %swap3A_194], %swap3A_197 {strides = array<i32>} : memref<8x128xf32, #tpu.memory_space<vmem>>, vector<1x16xf32>,
    %swap3A_198 = arith.constant 2 : i32
    %swap3A_199 = arith.index_cast %swap3A_198 : i32 to index
    %swap3A_200 = arith.constant 0 : index
    %swap3A_201 = tpu.vector_load %arg5[%swap3A_199, %swap3A_200] {strides = array<i32>} : memref<8x128xf32, #tpu.memory_space<vmem>>, vector<1x16xf32>,
    %swap3A_202 = vector.shape_cast %swap3A_201 : vector<1x16xf32> to vector<16xf32>
    %swap3A_203 = vector.shape_cast %select_n3A_77 : vector<16xf32> to vector<1x16xf32>
    tpu.vector_store %arg5[%swap3A_199, %swap3A_200], %swap3A_203 {strides = array<i32>} : memref<8x128xf32, #tpu.memory_space<vmem>>, vector<1x16xf32>,
    %swap3A_204 = arith.constant 3 : i32
    %swap3A_205 = arith.index_cast %swap3A_204 : i32 to index
    %swap3A_206 = arith.constant 0 : index
    %swap3A_207 = tpu.vector_load %arg5[%swap3A_205, %swap3A_206] {strides = array<i32>} : memref<8x128xf32, #tpu.memory_space<vmem>>, vector<1x16xf32>,
    %swap3A_208 = vector.shape_cast %swap3A_207 : vector<1x16xf32> to vector<16xf32>
    %swap3A_209 = vector.shape_cast %select_n3A_165 : vector<16xf32> to vector<1x16xf32>
    tpu.vector_store %arg5[%swap3A_205, %swap3A_206], %swap3A_209 {strides = array<i32>} : memref<8x128xf32, #tpu.memory_space<vmem>>, vector<1x16xf32>,
    %swap3A_210 = arith.constant 4 : i32
    %swap3A_211 = arith.index_cast %swap3A_210 : i32 to index
    %swap3A_212 = arith.constant 0 : index
    %swap3A_213 = tpu.vector_load %arg5[%swap3A_211, %swap3A_212] {strides = array<i32>} : memref<8x128xf32, #tpu.memory_space<vmem>>, vector<1x16xf32>,
    %swap3A_214 = vector.shape_cast %swap3A_213 : vector<1x16xf32> to vector<16xf32>
    %swap3A_215 = vector.shape_cast %select_n3A_186 : vector<16xf32> to vector<1x16xf32>
    tpu.vector_store %arg5[%swap3A_211, %swap3A_212], %swap3A_215 {strides = array<i32>} : memref<8x128xf32, #tpu.memory_space<vmem>>, vector<1x16xf32>,
    %swap3A_216 = arith.constant 5 : i32
    %swap3A_217 = arith.index_cast %swap3A_216 : i32 to index
    %swap3A_218 = arith.constant 0 : index
    %swap3A_219 = tpu.vector_load %arg5[%swap3A_217, %swap3A_218] {strides = array<i32>} : memref<8x128xf32, #tpu.memory_space<vmem>>, vector<1x16xf32>,
    %swap3A_220 = vector.shape_cast %swap3A_219 : vector<1x16xf32> to vector<16xf32>
    %swap3A_221 = vector.shape_cast %div3A_170 : vector<16xf32> to vector<1x16xf32>
    tpu.vector_store %arg5[%swap3A_217, %swap3A_218], %swap3A_221 {strides = array<i32>} : memref<8x128xf32, #tpu.memory_space<vmem>>, vector<1x16xf32>,
    %swap3A_222 = arith.constant 6 : i32
    %swap3A_223 = arith.index_cast %swap3A_222 : i32 to index
    %swap3A_224 = arith.constant 0 : index
    %swap3A_225 = tpu.vector_load %arg5[%swap3A_223, %swap3A_224] {strides = array<i32>} : memref<8x128xf32, #tpu.memory_space<vmem>>, vector<1x16xf32>,
    %swap3A_226 = vector.shape_cast %swap3A_225 : vector<1x16xf32> to vector<16xf32>
    %swap3A_227 = vector.shape_cast %div3A_170 : vector<16xf32> to vector<1x16xf32>
    tpu.vector_store %arg5[%swap3A_223, %swap3A_224], %swap3A_227 {strides = array<i32>} : memref<8x128xf32, #tpu.memory_space<vmem>>, vector<1x16xf32>,
    %swap3A_228 = arith.constant 7 : i32
    %swap3A_229 = arith.index_cast %swap3A_228 : i32 to index
    %swap3A_230 = arith.constant 0 : index
    %swap3A_231 = tpu.vector_load %arg5[%swap3A_229, %swap3A_230] {strides = array<i32>} : memref<8x128xf32, #tpu.memory_space<vmem>>, vector<1x16xf32>,
    %swap3A_232 = vector.shape_cast %swap3A_231 : vector<1x16xf32> to vector<16xf32>
    %swap3A_233 = vector.shape_cast %div3A_170 : vector<16xf32> to vector<1x16xf32>
    tpu.vector_store %arg5[%swap3A_229, %swap3A_230], %swap3A_233 {strides = array<i32>} : memref<8x128xf32, #tpu.memory_space<vmem>>, vector<1x16xf32>,
    %get3A_234 = arith.constant 0 : i32
    %get3A_235 = arith.index_cast %get3A_234 : i32 to index
    %get3A_236 = arith.constant 16 : index
    %get3A_237 = tpu.vector_load %arg4[%get3A_235, %get3A_236] {strides = array<i32>} : memref<8x128xf32, #tpu.memory_space<vmem>>, vector<1x16xf32>,
    %get3A_238 = vector.shape_cast %get3A_237 : vector<1x16xf32> to vector<16xf32>
    %get3A_239 = arith.constant 1 : i32
    %get3A_240 = arith.index_cast %get3A_239 : i32 to index
    %get3A_241 = arith.constant 16 : index
    %get3A_242 = tpu.vector_load %arg4[%get3A_240, %get3A_241] {strides = array<i32>} : memref<8x128xf32, #tpu.memory_space<vmem>>, vector<1x16xf32>,
    %get3A_243 = vector.shape_cast %get3A_242 : vector<1x16xf32> to vector<16xf32>
    %get3A_244 = arith.constant 2 : i32
    %get3A_245 = arith.index_cast %get3A_244 : i32 to index
    %get3A_246 = arith.constant 16 : index
    %get3A_247 = tpu.vector_load %arg4[%get3A_245, %get3A_246] {strides = array<i32>} : memref<8x128xf32, #tpu.memory_space<vmem>>, vector<1x16xf32>,
    %get3A_248 = vector.shape_cast %get3A_247 : vector<1x16xf32> to vector<16xf32>
    %get3A_249 = arith.constant 3 : i32
    %get3A_250 = arith.index_cast %get3A_249 : i32 to index
    %get3A_251 = arith.constant 16 : index
    %get3A_252 = tpu.vector_load %arg4[%get3A_250, %get3A_251] {strides = array<i32>} : memref<8x128xf32, #tpu.memory_space<vmem>>, vector<1x16xf32>,
    %get3A_253 = vector.shape_cast %get3A_252 : vector<1x16xf32> to vector<16xf32>
    %get3A_254 = arith.constant 4 : i32
    %get3A_255 = arith.index_cast %get3A_254 : i32 to index
    %get3A_256 = arith.constant 16 : index
    %get3A_257 = tpu.vector_load %arg4[%get3A_255, %get3A_256] {strides = array<i32>} : memref<8x128xf32, #tpu.memory_space<vmem>>, vector<1x16xf32>,
    %get3A_258 = vector.shape_cast %get3A_257 : vector<1x16xf32> to vector<16xf32>
    %get3A_259 = arith.constant 5 : i32
    %get3A_260 = arith.index_cast %get3A_259 : i32 to index
    %get3A_261 = arith.constant 16 : index
    %get3A_262 = tpu.vector_load %arg4[%get3A_260, %get3A_261] {strides = array<i32>} : memref<8x128xf32, #tpu.memory_space<vmem>>, vector<1x16xf32>,
    %get3A_263 = vector.shape_cast %get3A_262 : vector<1x16xf32> to vector<16xf32>
    %get3A_264 = arith.constant 6 : i32
    %get3A_265 = arith.index_cast %get3A_264 : i32 to index
    %get3A_266 = arith.constant 16 : index
    %get3A_267 = tpu.vector_load %arg4[%get3A_265, %get3A_266] {strides = array<i32>} : memref<8x128xf32, #tpu.memory_space<vmem>>, vector<1x16xf32>,
    %get3A_268 = vector.shape_cast %get3A_267 : vector<1x16xf32> to vector<16xf32>
    %get3A_269 = arith.constant 7 : i32
    %get3A_270 = arith.index_cast %get3A_269 : i32 to index
    %get3A_271 = arith.constant 16 : index
    %get3A_272 = tpu.vector_load %arg4[%get3A_270, %get3A_271] {strides = array<i32>} : memref<8x128xf32, #tpu.memory_space<vmem>>, vector<1x16xf32>,
    %get3A_273 = vector.shape_cast %get3A_272 : vector<1x16xf32> to vector<16xf32>
    %max3A_274 = arith.maximumf %get3A_238, %get3A_243 : vector<16xf32>
    %max3A_275 = arith.maximumf %max3A_274, %get3A_248 : vector<16xf32>
    %max3A_276 = arith.maximumf %max3A_275, %get3A_253 : vector<16xf32>
    %max3A_277 = arith.maximumf %max3A_276, %get3A_258 : vector<16xf32>
    %max3A_278 = arith.maximumf %max3A_277, %get3A_263 : vector<16xf32>
    %max3A_279 = arith.maximumf %max3A_278, %get3A_268 : vector<16xf32>
    %max3A_280 = arith.maximumf %max3A_279, %get3A_273 : vector<16xf32>
    %broadcast_in_dim3A_281 = arith.constant 8.000000e+00 : f32
    %broadcast_in_dim3A_282 = vector.broadcast %broadcast_in_dim3A_281 : f32 to vector<16xf32>
    %ge3A_283 = arith.cmpf oge, %get3A_273, %max3A_280 : vector<16xf32>
    %jit3A_284 = arith.constant 7.000000e+00 : f32
    %broadcast_in_dim3A_285 = vector.broadcast %jit3A_284 : f32 to vector<16xf32>
    %select_n3A_286 = arith.select %ge3A_283, %broadcast_in_dim3A_285, %broadcast_in_dim3A_282 : vector<16xi1>, vector<16xf32>
    %ge3A_287 = arith.cmpf oge, %get3A_268, %max3A_280 : vector<16xf32>
    %jit3A_288 = arith.constant 6.000000e+00 : f32
    %broadcast_in_dim3A_289 = vector.broadcast %jit3A_288 : f32 to vector<16xf32>
    %select_n3A_290 = arith.select %ge3A_287, %broadcast_in_dim3A_289, %select_n3A_286 : vector<16xi1>, vector<16xf32>
    %ge3A_291 = arith.cmpf oge, %get3A_263, %max3A_280 : vector<16xf32>
    %jit3A_292 = arith.constant 5.000000e+00 : f32
    %broadcast_in_dim3A_293 = vector.broadcast %jit3A_292 : f32 to vector<16xf32>
    %select_n3A_294 = arith.select %ge3A_291, %broadcast_in_dim3A_293, %select_n3A_290 : vector<16xi1>, vector<16xf32>
    %ge3A_295 = arith.cmpf oge, %get3A_258, %max3A_280 : vector<16xf32>
    %jit3A_296 = arith.constant 4.000000e+00 : f32
    %broadcast_in_dim3A_297 = vector.broadcast %jit3A_296 : f32 to vector<16xf32>
    %select_n3A_298 = arith.select %ge3A_295, %broadcast_in_dim3A_297, %select_n3A_294 : vector<16xi1>, vector<16xf32>
    %ge3A_299 = arith.cmpf oge, %get3A_253, %max3A_280 : vector<16xf32>
    %jit3A_300 = arith.constant 3.000000e+00 : f32
    %broadcast_in_dim3A_301 = vector.broadcast %jit3A_300 : f32 to vector<16xf32>
    %select_n3A_302 = arith.select %ge3A_299, %broadcast_in_dim3A_301, %select_n3A_298 : vector<16xi1>, vector<16xf32>
    %ge3A_303 = arith.cmpf oge, %get3A_248, %max3A_280 : vector<16xf32>
    %jit3A_304 = arith.constant 2.000000e+00 : f32
    %broadcast_in_dim3A_305 = vector.broadcast %jit3A_304 : f32 to vector<16xf32>
    %select_n3A_306 = arith.select %ge3A_303, %broadcast_in_dim3A_305, %select_n3A_302 : vector<16xi1>, vector<16xf32>
    %ge3A_307 = arith.cmpf oge, %get3A_243, %max3A_280 : vector<16xf32>
    %jit3A_308 = arith.constant 1.000000e+00 : f32
    %broadcast_in_dim3A_309 = vector.broadcast %jit3A_308 : f32 to vector<16xf32>
    %select_n3A_310 = arith.select %ge3A_307, %broadcast_in_dim3A_309, %select_n3A_306 : vector<16xi1>, vector<16xf32>
    %ge3A_311 = arith.cmpf oge, %get3A_238, %max3A_280 : vector<16xf32>
    %jit3A_312 = arith.constant 0.000000e+00 : f32
    %broadcast_in_dim3A_313 = vector.broadcast %jit3A_312 : f32 to vector<16xf32>
    %select_n3A_314 = arith.select %ge3A_311, %broadcast_in_dim3A_313, %select_n3A_310 : vector<16xi1>, vector<16xf32>
    %eq3A_315 = arith.constant 0.000000e+00 : f32
    %eq3A_316 = vector.broadcast %eq3A_315 : f32 to vector<16xf32>
    %eq3A_317 = arith.cmpf oeq, %select_n3A_314, %eq3A_316 : vector<16xf32>
    %jit3A_318 = arith.constant -1.000000e+30 : f32
    %broadcast_in_dim3A_319 = vector.broadcast %jit3A_318 : f32 to vector<16xf32>
    %select_n3A_320 = arith.select %eq3A_317, %broadcast_in_dim3A_319, %get3A_238 : vector<16xi1>, vector<16xf32>
    %eq3A_321 = arith.constant 1.000000e+00 : f32
    %eq3A_322 = vector.broadcast %eq3A_321 : f32 to vector<16xf32>
    %eq3A_323 = arith.cmpf oeq, %select_n3A_314, %eq3A_322 : vector<16xf32>
    %jit3A_324 = arith.constant -1.000000e+30 : f32
    %broadcast_in_dim3A_325 = vector.broadcast %jit3A_324 : f32 to vector<16xf32>
    %select_n3A_326 = arith.select %eq3A_323, %broadcast_in_dim3A_325, %get3A_243 : vector<16xi1>, vector<16xf32>
    %eq3A_327 = arith.constant 2.000000e+00 : f32
    %eq3A_328 = vector.broadcast %eq3A_327 : f32 to vector<16xf32>
    %eq3A_329 = arith.cmpf oeq, %select_n3A_314, %eq3A_328 : vector<16xf32>
    %jit3A_330 = arith.constant -1.000000e+30 : f32
    %broadcast_in_dim3A_331 = vector.broadcast %jit3A_330 : f32 to vector<16xf32>
    %select_n3A_332 = arith.select %eq3A_329, %broadcast_in_dim3A_331, %get3A_248 : vector<16xi1>, vector<16xf32>
    %eq3A_333 = arith.constant 3.000000e+00 : f32
    %eq3A_334 = vector.broadcast %eq3A_333 : f32 to vector<16xf32>
    %eq3A_335 = arith.cmpf oeq, %select_n3A_314, %eq3A_334 : vector<16xf32>
    %jit3A_336 = arith.constant -1.000000e+30 : f32
    %broadcast_in_dim3A_337 = vector.broadcast %jit3A_336 : f32 to vector<16xf32>
    %select_n3A_338 = arith.select %eq3A_335, %broadcast_in_dim3A_337, %get3A_253 : vector<16xi1>, vector<16xf32>
    %eq3A_339 = arith.constant 4.000000e+00 : f32
    %eq3A_340 = vector.broadcast %eq3A_339 : f32 to vector<16xf32>
    %eq3A_341 = arith.cmpf oeq, %select_n3A_314, %eq3A_340 : vector<16xf32>
    %jit3A_342 = arith.constant -1.000000e+30 : f32
    %broadcast_in_dim3A_343 = vector.broadcast %jit3A_342 : f32 to vector<16xf32>
    %select_n3A_344 = arith.select %eq3A_341, %broadcast_in_dim3A_343, %get3A_258 : vector<16xi1>, vector<16xf32>
    %eq3A_345 = arith.constant 5.000000e+00 : f32
    %eq3A_346 = vector.broadcast %eq3A_345 : f32 to vector<16xf32>
    %eq3A_347 = arith.cmpf oeq, %select_n3A_314, %eq3A_346 : vector<16xf32>
    %jit3A_348 = arith.constant -1.000000e+30 : f32
    %broadcast_in_dim3A_349 = vector.broadcast %jit3A_348 : f32 to vector<16xf32>
    %select_n3A_350 = arith.select %eq3A_347, %broadcast_in_dim3A_349, %get3A_263 : vector<16xi1>, vector<16xf32>
    %eq3A_351 = arith.constant 6.000000e+00 : f32
    %eq3A_352 = vector.broadcast %eq3A_351 : f32 to vector<16xf32>
    %eq3A_353 = arith.cmpf oeq, %select_n3A_314, %eq3A_352 : vector<16xf32>
    %jit3A_354 = arith.constant -1.000000e+30 : f32
    %broadcast_in_dim3A_355 = vector.broadcast %jit3A_354 : f32 to vector<16xf32>
    %select_n3A_356 = arith.select %eq3A_353, %broadcast_in_dim3A_355, %get3A_268 : vector<16xi1>, vector<16xf32>
    %eq3A_357 = arith.constant 7.000000e+00 : f32
    %eq3A_358 = vector.broadcast %eq3A_357 : f32 to vector<16xf32>
    %eq3A_359 = arith.cmpf oeq, %select_n3A_314, %eq3A_358 : vector<16xf32>
    %jit3A_360 = arith.constant -1.000000e+30 : f32
    %broadcast_in_dim3A_361 = vector.broadcast %jit3A_360 : f32 to vector<16xf32>
    %select_n3A_362 = arith.select %eq3A_359, %broadcast_in_dim3A_361, %get3A_273 : vector<16xi1>, vector<16xf32>
    %max3A_363 = arith.maximumf %select_n3A_320, %select_n3A_326 : vector<16xf32>
    %max3A_364 = arith.maximumf %max3A_363, %select_n3A_332 : vector<16xf32>
    %max3A_365 = arith.maximumf %max3A_364, %select_n3A_338 : vector<16xf32>
    %max3A_366 = arith.maximumf %max3A_365, %select_n3A_344 : vector<16xf32>
    %max3A_367 = arith.maximumf %max3A_366, %select_n3A_350 : vector<16xf32>
    %max3A_368 = arith.maximumf %max3A_367, %select_n3A_356 : vector<16xf32>
    %max3A_369 = arith.maximumf %max3A_368, %select_n3A_362 : vector<16xf32>
    %broadcast_in_dim3A_370 = arith.constant 8.000000e+00 : f32
    %broadcast_in_dim3A_371 = vector.broadcast %broadcast_in_dim3A_370 : f32 to vector<16xf32>
    %ge3A_372 = arith.cmpf oge, %select_n3A_362, %max3A_369 : vector<16xf32>
    %jit3A_373 = arith.constant 7.000000e+00 : f32
    %broadcast_in_dim3A_374 = vector.broadcast %jit3A_373 : f32 to vector<16xf32>
    %select_n3A_375 = arith.select %ge3A_372, %broadcast_in_dim3A_374, %broadcast_in_dim3A_371 : vector<16xi1>, vector<16xf32>
    %ge3A_376 = arith.cmpf oge, %select_n3A_356, %max3A_369 : vector<16xf32>
    %jit3A_377 = arith.constant 6.000000e+00 : f32
    %broadcast_in_dim3A_378 = vector.broadcast %jit3A_377 : f32 to vector<16xf32>
    %select_n3A_379 = arith.select %ge3A_376, %broadcast_in_dim3A_378, %select_n3A_375 : vector<16xi1>, vector<16xf32>
    %ge3A_380 = arith.cmpf oge, %select_n3A_350, %max3A_369 : vector<16xf32>
    %jit3A_381 = arith.constant 5.000000e+00 : f32
    %broadcast_in_dim3A_382 = vector.broadcast %jit3A_381 : f32 to vector<16xf32>
    %select_n3A_383 = arith.select %ge3A_380, %broadcast_in_dim3A_382, %select_n3A_379 : vector<16xi1>, vector<16xf32>
    %ge3A_384 = arith.cmpf oge, %select_n3A_344, %max3A_369 : vector<16xf32>
    %jit3A_385 = arith.constant 4.000000e+00 : f32
    %broadcast_in_dim3A_386 = vector.broadcast %jit3A_385 : f32 to vector<16xf32>
    %select_n3A_387 = arith.select %ge3A_384, %broadcast_in_dim3A_386, %select_n3A_383 : vector<16xi1>, vector<16xf32>
    %ge3A_388 = arith.cmpf oge, %select_n3A_338, %max3A_369 : vector<16xf32>
    %jit3A_389 = arith.constant 3.000000e+00 : f32
    %broadcast_in_dim3A_390 = vector.broadcast %jit3A_389 : f32 to vector<16xf32>
    %select_n3A_391 = arith.select %ge3A_388, %broadcast_in_dim3A_390, %select_n3A_387 : vector<16xi1>, vector<16xf32>
    %ge3A_392 = arith.cmpf oge, %select_n3A_332, %max3A_369 : vector<16xf32>
    %jit3A_393 = arith.constant 2.000000e+00 : f32
    %broadcast_in_dim3A_394 = vector.broadcast %jit3A_393 : f32 to vector<16xf32>
    %select_n3A_395 = arith.select %ge3A_392, %broadcast_in_dim3A_394, %select_n3A_391 : vector<16xi1>, vector<16xf32>
    %ge3A_396 = arith.cmpf oge, %select_n3A_326, %max3A_369 : vector<16xf32>
    %jit3A_397 = arith.constant 1.000000e+00 : f32
    %broadcast_in_dim3A_398 = vector.broadcast %jit3A_397 : f32 to vector<16xf32>
    %select_n3A_399 = arith.select %ge3A_396, %broadcast_in_dim3A_398, %select_n3A_395 : vector<16xi1>, vector<16xf32>
    %ge3A_400 = arith.cmpf oge, %select_n3A_320, %max3A_369 : vector<16xf32>
    %jit3A_401 = arith.constant 0.000000e+00 : f32
    %broadcast_in_dim3A_402 = vector.broadcast %jit3A_401 : f32 to vector<16xf32>
    %select_n3A_403 = arith.select %ge3A_400, %broadcast_in_dim3A_402, %select_n3A_399 : vector<16xi1>, vector<16xf32>
    %sub3A_404 = arith.subf %max3A_369, %max3A_280 : vector<16xf32>
    %exp3A_405 = math.exp %sub3A_404 : vector<16xf32>
    %add3A_406 = arith.constant 1.000000e+00 : f32
    %add3A_407 = vector.broadcast %add3A_406 : f32 to vector<16xf32>
    %add3A_408 = arith.addf %add3A_407, %exp3A_405 : vector<16xf32>
    %div3A_409 = arith.constant 1.000000e+00 : f32
    %div3A_410 = vector.broadcast %div3A_409 : f32 to vector<16xf32>
    %div3A_411 = arith.divf %div3A_410, %add3A_408 : vector<16xf32>
    %add3A_412 = arith.constant 1.000000e+00 : f32
    %add3A_413 = vector.broadcast %add3A_412 : f32 to vector<16xf32>
    %add3A_414 = arith.addf %add3A_413, %exp3A_405 : vector<16xf32>
    %div3A_415 = arith.divf %exp3A_405, %add3A_414 : vector<16xf32>
    %iota3A_416 = tpu.iota {dimensions = array<i32: 0>} : vector<16xi32>
    %add3A_417 = arith.constant 16 : i32
    %add3A_418 = arith.addi %mul3A_2, %add3A_417 : i32
    %add3A_419 = vector.broadcast %add3A_418 : i32 to vector<16xi32>
    %add3A_420 = arith.addi %iota3A_416, %add3A_419 : vector<16xi32>
    %broadcast_in_dim3A_421 = arith.constant 1.000000e+00 : f32
    %broadcast_in_dim3A_422 = vector.broadcast %broadcast_in_dim3A_421 : f32 to vector<16xf32>
    %eq3A_423 = arith.constant 2048 : i32
    %eq3A_424 = vector.broadcast %eq3A_423 : i32 to vector<16xi32>
    %eq3A_425 = arith.cmpi eq, %add3A_420, %eq3A_424 : vector<16xi32>
    %jit3A_426 = arith.constant 0.000000e+00 : f32
    %broadcast_in_dim3A_427 = vector.broadcast %jit3A_426 : f32 to vector<16xf32>
    %select_n3A_428 = arith.select %eq3A_425, %broadcast_in_dim3A_427, %broadcast_in_dim3A_422 : vector<16xi1>, vector<16xf32>
    %swap3A_429 = arith.constant 0 : i32
    %swap3A_430 = arith.index_cast %swap3A_429 : i32 to index
    %swap3A_431 = arith.constant 16 : index
    %swap3A_432 = tpu.vector_load %arg5[%swap3A_430, %swap3A_431] {strides = array<i32>} : memref<8x128xf32, #tpu.memory_space<vmem>>, vector<1x16xf32>,
    %swap3A_433 = vector.shape_cast %swap3A_432 : vector<1x16xf32> to vector<16xf32>
    %swap3A_434 = vector.shape_cast %div3A_411 : vector<16xf32> to vector<1x16xf32>
    tpu.vector_store %arg5[%swap3A_430, %swap3A_431], %swap3A_434 {strides = array<i32>} : memref<8x128xf32, #tpu.memory_space<vmem>>, vector<1x16xf32>,
    %swap3A_435 = arith.constant 1 : i32
    %swap3A_436 = arith.index_cast %swap3A_435 : i32 to index
    %swap3A_437 = arith.constant 16 : index
    %swap3A_438 = tpu.vector_load %arg5[%swap3A_436, %swap3A_437] {strides = array<i32>} : memref<8x128xf32, #tpu.memory_space<vmem>>, vector<1x16xf32>,
    %swap3A_439 = vector.shape_cast %swap3A_438 : vector<1x16xf32> to vector<16xf32>
    %swap3A_440 = vector.shape_cast %div3A_415 : vector<16xf32> to vector<1x16xf32>
    tpu.vector_store %arg5[%swap3A_436, %swap3A_437], %swap3A_440 {strides = array<i32>} : memref<8x128xf32, #tpu.memory_space<vmem>>, vector<1x16xf32>,
    %swap3A_441 = arith.constant 2 : i32
    %swap3A_442 = arith.index_cast %swap3A_441 : i32 to index
    %swap3A_443 = arith.constant 16 : index
    %swap3A_444 = tpu.vector_load %arg5[%swap3A_442, %swap3A_443] {strides = array<i32>} : memref<8x128xf32, #tpu.memory_space<vmem>>, vector<1x16xf32>,
    %swap3A_445 = vector.shape_cast %swap3A_444 : vector<1x16xf32> to vector<16xf32>
    %swap3A_446 = vector.shape_cast %select_n3A_314 : vector<16xf32> to vector<1x16xf32>
    tpu.vector_store %arg5[%swap3A_442, %swap3A_443], %swap3A_446 {strides = array<i32>} : memref<8x128xf32, #tpu.memory_space<vmem>>, vector<1x16xf32>,
    %swap3A_447 = arith.constant 3 : i32
    %swap3A_448 = arith.index_cast %swap3A_447 : i32 to index
    %swap3A_449 = arith.constant 16 : index
    %swap3A_450 = tpu.vector_load %arg5[%swap3A_448, %swap3A_449] {strides = array<i32>} : memref<8x128xf32, #tpu.memory_space<vmem>>, vector<1x16xf32>,
    %swap3A_451 = vector.shape_cast %swap3A_450 : vector<1x16xf32> to vector<16xf32>
    %swap3A_452 = vector.shape_cast %select_n3A_403 : vector<16xf32> to vector<1x16xf32>
    tpu.vector_store %arg5[%swap3A_448, %swap3A_449], %swap3A_452 {strides = array<i32>} : memref<8x128xf32, #tpu.memory_space<vmem>>, vector<1x16xf32>,
    %swap3A_453 = arith.constant 4 : i32
    %swap3A_454 = arith.index_cast %swap3A_453 : i32 to index
    %swap3A_455 = arith.constant 16 : index
    %swap3A_456 = tpu.vector_load %arg5[%swap3A_454, %swap3A_455] {strides = array<i32>} : memref<8x128xf32, #tpu.memory_space<vmem>>, vector<1x16xf32>,
    %swap3A_457 = vector.shape_cast %swap3A_456 : vector<1x16xf32> to vector<16xf32>
    %swap3A_458 = vector.shape_cast %select_n3A_428 : vector<16xf32> to vector<1x16xf32>
    tpu.vector_store %arg5[%swap3A_454, %swap3A_455], %swap3A_458 {strides = array<i32>} : memref<8x128xf32, #tpu.memory_space<vmem>>, vector<1x16xf32>,
    %swap3A_459 = arith.constant 5 : i32
    %swap3A_460 = arith.index_cast %swap3A_459 : i32 to index
    %swap3A_461 = arith.constant 16 : index
    %swap3A_462 = tpu.vector_load %arg5[%swap3A_460, %swap3A_461] {strides = array<i32>} : memref<8x128xf32, #tpu.memory_space<vmem>>, vector<1x16xf32>,
    %swap3A_463 = vector.shape_cast %swap3A_462 : vector<1x16xf32> to vector<16xf32>
    %swap3A_464 = vector.shape_cast %div3A_411 : vector<16xf32> to vector<1x16xf32>
    tpu.vector_store %arg5[%swap3A_460, %swap3A_461], %swap3A_464 {strides = array<i32>} : memref<8x128xf32, #tpu.memory_space<vmem>>, vector<1x16xf32>,
    %swap3A_465 = arith.constant 6 : i32
    %swap3A_466 = arith.index_cast %swap3A_465 : i32 to index
    %swap3A_467 = arith.constant 16 : index
    %swap3A_468 = tpu.vector_load %arg5[%swap3A_466, %swap3A_467] {strides = array<i32>} : memref<8x128xf32, #tpu.memory_space<vmem>>, vector<1x16xf32>,
    %swap3A_469 = vector.shape_cast %swap3A_468 : vector<1x16xf32> to vector<16xf32>
    %swap3A_470 = vector.shape_cast %div3A_411 : vector<16xf32> to vector<1x16xf32>
    tpu.vector_store %arg5[%swap3A_466, %swap3A_467], %swap3A_470 {strides = array<i32>} : memref<8x128xf32, #tpu.memory_space<vmem>>, vector<1x16xf32>,
    %swap3A_471 = arith.constant 7 : i32
    %swap3A_472 = arith.index_cast %swap3A_471 : i32 to index
    %swap3A_473 = arith.constant 16 : index
    %swap3A_474 = tpu.vector_load %arg5[%swap3A_472, %swap3A_473] {strides = array<i32>} : memref<8x128xf32, #tpu.memory_space<vmem>>, vector<1x16xf32>,
    %swap3A_475 = vector.shape_cast %swap3A_474 : vector<1x16xf32> to vector<16xf32>
    %swap3A_476 = vector.shape_cast %div3A_411 : vector<16xf32> to vector<1x16xf32>
    tpu.vector_store %arg5[%swap3A_472, %swap3A_473], %swap3A_476 {strides = array<i32>} : memref<8x128xf32, #tpu.memory_space<vmem>>, vector<1x16xf32>,
    %get3A_477 = arith.constant 0 : i32
    %get3A_478 = arith.index_cast %get3A_477 : i32 to index
    %get3A_479 = arith.constant 32 : index
    %get3A_480 = tpu.vector_load %arg4[%get3A_478, %get3A_479] {strides = array<i32>} : memref<8x128xf32, #tpu.memory_space<vmem>>, vector<1x16xf32>,
    %get3A_481 = vector.shape_cast %get3A_480 : vector<1x16xf32> to vector<16xf32>
    %get3A_482 = arith.constant 1 : i32
    %get3A_483 = arith.index_cast %get3A_482 : i32 to index
    %get3A_484 = arith.constant 32 : index
    %get3A_485 = tpu.vector_load %arg4[%get3A_483, %get3A_484] {strides = array<i32>} : memref<8x128xf32, #tpu.memory_space<vmem>>, vector<1x16xf32>,
    %get3A_486 = vector.shape_cast %get3A_485 : vector<1x16xf32> to vector<16xf32>
    %get3A_487 = arith.constant 2 : i32
    %get3A_488 = arith.index_cast %get3A_487 : i32 to index
    %get3A_489 = arith.constant 32 : index
    %get3A_490 = tpu.vector_load %arg4[%get3A_488, %get3A_489] {strides = array<i32>} : memref<8x128xf32, #tpu.memory_space<vmem>>, vector<1x16xf32>,
    %get3A_491 = vector.shape_cast %get3A_490 : vector<1x16xf32> to vector<16xf32>
    %get3A_492 = arith.constant 3 : i32
    %get3A_493 = arith.index_cast %get3A_492 : i32 to index
    %get3A_494 = arith.constant 32 : index
    %get3A_495 = tpu.vector_load %arg4[%get3A_493, %get3A_494] {strides = array<i32>} : memref<8x128xf32, #tpu.memory_space<vmem>>, vector<1x16xf32>,
    %get3A_496 = vector.shape_cast %get3A_495 : vector<1x16xf32> to vector<16xf32>
    %get3A_497 = arith.constant 4 : i32
    %get3A_498 = arith.index_cast %get3A_497 : i32 to index
    %get3A_499 = arith.constant 32 : index
    %get3A_500 = tpu.vector_load %arg4[%get3A_498, %get3A_499] {strides = array<i32>} : memref<8x128xf32, #tpu.memory_space<vmem>>, vector<1x16xf32>,
    %get3A_501 = vector.shape_cast %get3A_500 : vector<1x16xf32> to vector<16xf32>
    %get3A_502 = arith.constant 5 : i32
    %get3A_503 = arith.index_cast %get3A_502 : i32 to index
    %get3A_504 = arith.constant 32 : index
    %get3A_505 = tpu.vector_load %arg4[%get3A_503, %get3A_504] {strides = array<i32>} : memref<8x128xf32, #tpu.memory_space<vmem>>, vector<1x16xf32>,
    %get3A_506 = vector.shape_cast %get3A_505 : vector<1x16xf32> to vector<16xf32>
    %get3A_507 = arith.constant 6 : i32
    %get3A_508 = arith.index_cast %get3A_507 : i32 to index
    %get3A_509 = arith.constant 32 : index
    %get3A_510 = tpu.vector_load %arg4[%get3A_508, %get3A_509] {strides = array<i32>} : memref<8x128xf32, #tpu.memory_space<vmem>>, vector<1x16xf32>,
    %get3A_511 = vector.shape_cast %get3A_510 : vector<1x16xf32> to vector<16xf32>
    %get3A_512 = arith.constant 7 : i32
    %get3A_513 = arith.index_cast %get3A_512 : i32 to index
    %get3A_514 = arith.constant 32 : index
    %get3A_515 = tpu.vector_load %arg4[%get3A_513, %get3A_514] {strides = array<i32>} : memref<8x128xf32, #tpu.memory_space<vmem>>, vector<1x16xf32>,
    %get3A_516 = vector.shape_cast %get3A_515 : vector<1x16xf32> to vector<16xf32>
    %max3A_517 = arith.maximumf %get3A_481, %get3A_486 : vector<16xf32>
    %max3A_518 = arith.maximumf %max3A_517, %get3A_491 : vector<16xf32>
    %max3A_519 = arith.maximumf %max3A_518, %get3A_496 : vector<16xf32>
    %max3A_520 = arith.maximumf %max3A_519, %get3A_501 : vector<16xf32>
    %max3A_521 = arith.maximumf %max3A_520, %get3A_506 : vector<16xf32>
    %max3A_522 = arith.maximumf %max3A_521, %get3A_511 : vector<16xf32>
    %max3A_523 = arith.maximumf %max3A_522, %get3A_516 : vector<16xf32>
    %broadcast_in_dim3A_524 = arith.constant 8.000000e+00 : f32
    %broadcast_in_dim3A_525 = vector.broadcast %broadcast_in_dim3A_524 : f32 to vector<16xf32>
    %ge3A_526 = arith.cmpf oge, %get3A_516, %max3A_523 : vector<16xf32>
    %jit3A_527 = arith.constant 7.000000e+00 : f32
    %broadcast_in_dim3A_528 = vector.broadcast %jit3A_527 : f32 to vector<16xf32>
    %select_n3A_529 = arith.select %ge3A_526, %broadcast_in_dim3A_528, %broadcast_in_dim3A_525 : vector<16xi1>, vector<16xf32>
    %ge3A_530 = arith.cmpf oge, %get3A_511, %max3A_523 : vector<16xf32>
    %jit3A_531 = arith.constant 6.000000e+00 : f32
    %broadcast_in_dim3A_532 = vector.broadcast %jit3A_531 : f32 to vector<16xf32>
    %select_n3A_533 = arith.select %ge3A_530, %broadcast_in_dim3A_532, %select_n3A_529 : vector<16xi1>, vector<16xf32>
    %ge3A_534 = arith.cmpf oge, %get3A_506, %max3A_523 : vector<16xf32>
    %jit3A_535 = arith.constant 5.000000e+00 : f32
    %broadcast_in_dim3A_536 = vector.broadcast %jit3A_535 : f32 to vector<16xf32>
    %select_n3A_537 = arith.select %ge3A_534, %broadcast_in_dim3A_536, %select_n3A_533 : vector<16xi1>, vector<16xf32>
    %ge3A_538 = arith.cmpf oge, %get3A_501, %max3A_523 : vector<16xf32>
    %jit3A_539 = arith.constant 4.000000e+00 : f32
    %broadcast_in_dim3A_540 = vector.broadcast %jit3A_539 : f32 to vector<16xf32>
    %select_n3A_541 = arith.select %ge3A_538, %broadcast_in_dim3A_540, %select_n3A_537 : vector<16xi1>, vector<16xf32>
    %ge3A_542 = arith.cmpf oge, %get3A_496, %max3A_523 : vector<16xf32>
    %jit3A_543 = arith.constant 3.000000e+00 : f32
    %broadcast_in_dim3A_544 = vector.broadcast %jit3A_543 : f32 to vector<16xf32>
    %select_n3A_545 = arith.select %ge3A_542, %broadcast_in_dim3A_544, %select_n3A_541 : vector<16xi1>, vector<16xf32>
    %ge3A_546 = arith.cmpf oge, %get3A_491, %max3A_523 : vector<16xf32>
    %jit3A_547 = arith.constant 2.000000e+00 : f32
    %broadcast_in_dim3A_548 = vector.broadcast %jit3A_547 : f32 to vector<16xf32>
    %select_n3A_549 = arith.select %ge3A_546, %broadcast_in_dim3A_548, %select_n3A_545 : vector<16xi1>, vector<16xf32>
    %ge3A_550 = arith.cmpf oge, %get3A_486, %max3A_523 : vector<16xf32>
    %jit3A_551 = arith.constant 1.000000e+00 : f32
    %broadcast_in_dim3A_552 = vector.broadcast %jit3A_551 : f32 to vector<16xf32>
    %select_n3A_553 = arith.select %ge3A_550, %broadcast_in_dim3A_552, %select_n3A_549 : vector<16xi1>, vector<16xf32>
    %ge3A_554 = arith.cmpf oge, %get3A_481, %max3A_523 : vector<16xf32>
    %jit3A_555 = arith.constant 0.000000e+00 : f32
    %broadcast_in_dim3A_556 = vector.broadcast %jit3A_555 : f32 to vector<16xf32>
    %select_n3A_557 = arith.select %ge3A_554, %broadcast_in_dim3A_556, %select_n3A_553 : vector<16xi1>, vector<16xf32>
    %eq3A_558 = arith.constant 0.000000e+00 : f32
    %eq3A_559 = vector.broadcast %eq3A_558 : f32 to vector<16xf32>
    %eq3A_560 = arith.cmpf oeq, %select_n3A_557, %eq3A_559 : vector<16xf32>
    %jit3A_561 = arith.constant -1.000000e+30 : f32
    %broadcast_in_dim3A_562 = vector.broadcast %jit3A_561 : f32 to vector<16xf32>
    %select_n3A_563 = arith.select %eq3A_560, %broadcast_in_dim3A_562, %get3A_481 : vector<16xi1>, vector<16xf32>
    %eq3A_564 = arith.constant 1.000000e+00 : f32
    %eq3A_565 = vector.broadcast %eq3A_564 : f32 to vector<16xf32>
    %eq3A_566 = arith.cmpf oeq, %select_n3A_557, %eq3A_565 : vector<16xf32>
    %jit3A_567 = arith.constant -1.000000e+30 : f32
    %broadcast_in_dim3A_568 = vector.broadcast %jit3A_567 : f32 to vector<16xf32>
    %select_n3A_569 = arith.select %eq3A_566, %broadcast_in_dim3A_568, %get3A_486 : vector<16xi1>, vector<16xf32>
    %eq3A_570 = arith.constant 2.000000e+00 : f32
    %eq3A_571 = vector.broadcast %eq3A_570 : f32 to vector<16xf32>
    %eq3A_572 = arith.cmpf oeq, %select_n3A_557, %eq3A_571 : vector<16xf32>
    %jit3A_573 = arith.constant -1.000000e+30 : f32
    %broadcast_in_dim3A_574 = vector.broadcast %jit3A_573 : f32 to vector<16xf32>
    %select_n3A_575 = arith.select %eq3A_572, %broadcast_in_dim3A_574, %get3A_491 : vector<16xi1>, vector<16xf32>
    %eq3A_576 = arith.constant 3.000000e+00 : f32
    %eq3A_577 = vector.broadcast %eq3A_576 : f32 to vector<16xf32>
    %eq3A_578 = arith.cmpf oeq, %select_n3A_557, %eq3A_577 : vector<16xf32>
    %jit3A_579 = arith.constant -1.000000e+30 : f32
    %broadcast_in_dim3A_580 = vector.broadcast %jit3A_579 : f32 to vector<16xf32>
    %select_n3A_581 = arith.select %eq3A_578, %broadcast_in_dim3A_580, %get3A_496 : vector<16xi1>, vector<16xf32>
    %eq3A_582 = arith.constant 4.000000e+00 : f32
    %eq3A_583 = vector.broadcast %eq3A_582 : f32 to vector<16xf32>
    %eq3A_584 = arith.cmpf oeq, %select_n3A_557, %eq3A_583 : vector<16xf32>
    %jit3A_585 = arith.constant -1.000000e+30 : f32
    %broadcast_in_dim3A_586 = vector.broadcast %jit3A_585 : f32 to vector<16xf32>
    %select_n3A_587 = arith.select %eq3A_584, %broadcast_in_dim3A_586, %get3A_501 : vector<16xi1>, vector<16xf32>
    %eq3A_588 = arith.constant 5.000000e+00 : f32
    %eq3A_589 = vector.broadcast %eq3A_588 : f32 to vector<16xf32>
    %eq3A_590 = arith.cmpf oeq, %select_n3A_557, %eq3A_589 : vector<16xf32>
    %jit3A_591 = arith.constant -1.000000e+30 : f32
    %broadcast_in_dim3A_592 = vector.broadcast %jit3A_591 : f32 to vector<16xf32>
    %select_n3A_593 = arith.select %eq3A_590, %broadcast_in_dim3A_592, %get3A_506 : vector<16xi1>, vector<16xf32>
    %eq3A_594 = arith.constant 6.000000e+00 : f32
    %eq3A_595 = vector.broadcast %eq3A_594 : f32 to vector<16xf32>
    %eq3A_596 = arith.cmpf oeq, %select_n3A_557, %eq3A_595 : vector<16xf32>
    %jit3A_597 = arith.constant -1.000000e+30 : f32
    %broadcast_in_dim3A_598 = vector.broadcast %jit3A_597 : f32 to vector<16xf32>
    %select_n3A_599 = arith.select %eq3A_596, %broadcast_in_dim3A_598, %get3A_511 : vector<16xi1>, vector<16xf32>
    %eq3A_600 = arith.constant 7.000000e+00 : f32
    %eq3A_601 = vector.broadcast %eq3A_600 : f32 to vector<16xf32>
    %eq3A_602 = arith.cmpf oeq, %select_n3A_557, %eq3A_601 : vector<16xf32>
    %jit3A_603 = arith.constant -1.000000e+30 : f32
    %broadcast_in_dim3A_604 = vector.broadcast %jit3A_603 : f32 to vector<16xf32>
    %select_n3A_605 = arith.select %eq3A_602, %broadcast_in_dim3A_604, %get3A_516 : vector<16xi1>, vector<16xf32>
    %max3A_606 = arith.maximumf %select_n3A_563, %select_n3A_569 : vector<16xf32>
    %max3A_607 = arith.maximumf %max3A_606, %select_n3A_575 : vector<16xf32>
    %max3A_608 = arith.maximumf %max3A_607, %select_n3A_581 : vector<16xf32>
    %max3A_609 = arith.maximumf %max3A_608, %select_n3A_587 : vector<16xf32>
    %max3A_610 = arith.maximumf %max3A_609, %select_n3A_593 : vector<16xf32>
    %max3A_611 = arith.maximumf %max3A_610, %select_n3A_599 : vector<16xf32>
    %max3A_612 = arith.maximumf %max3A_611, %select_n3A_605 : vector<16xf32>
    %broadcast_in_dim3A_613 = arith.constant 8.000000e+00 : f32
    %broadcast_in_dim3A_614 = vector.broadcast %broadcast_in_dim3A_613 : f32 to vector<16xf32>
    %ge3A_615 = arith.cmpf oge, %select_n3A_605, %max3A_612 : vector<16xf32>
    %jit3A_616 = arith.constant 7.000000e+00 : f32
    %broadcast_in_dim3A_617 = vector.broadcast %jit3A_616 : f32 to vector<16xf32>
    %select_n3A_618 = arith.select %ge3A_615, %broadcast_in_dim3A_617, %broadcast_in_dim3A_614 : vector<16xi1>, vector<16xf32>
    %ge3A_619 = arith.cmpf oge, %select_n3A_599, %max3A_612 : vector<16xf32>
    %jit3A_620 = arith.constant 6.000000e+00 : f32
    %broadcast_in_dim3A_621 = vector.broadcast %jit3A_620 : f32 to vector<16xf32>
    %select_n3A_622 = arith.select %ge3A_619, %broadcast_in_dim3A_621, %select_n3A_618 : vector<16xi1>, vector<16xf32>
    %ge3A_623 = arith.cmpf oge, %select_n3A_593, %max3A_612 : vector<16xf32>
    %jit3A_624 = arith.constant 5.000000e+00 : f32
    %broadcast_in_dim3A_625 = vector.broadcast %jit3A_624 : f32 to vector<16xf32>
    %select_n3A_626 = arith.select %ge3A_623, %broadcast_in_dim3A_625, %select_n3A_622 : vector<16xi1>, vector<16xf32>
    %ge3A_627 = arith.cmpf oge, %select_n3A_587, %max3A_612 : vector<16xf32>
    %jit3A_628 = arith.constant 4.000000e+00 : f32
    %broadcast_in_dim3A_629 = vector.broadcast %jit3A_628 : f32 to vector<16xf32>
    %select_n3A_630 = arith.select %ge3A_627, %broadcast_in_dim3A_629, %select_n3A_626 : vector<16xi1>, vector<16xf32>
    %ge3A_631 = arith.cmpf oge, %select_n3A_581, %max3A_612 : vector<16xf32>
    %jit3A_632 = arith.constant 3.000000e+00 : f32
    %broadcast_in_dim3A_633 = vector.broadcast %jit3A_632 : f32 to vector<16xf32>
    %select_n3A_634 = arith.select %ge3A_631, %broadcast_in_dim3A_633, %select_n3A_630 : vector<16xi1>, vector<16xf32>
    %ge3A_635 = arith.cmpf oge, %select_n3A_575, %max3A_612 : vector<16xf32>
    %jit3A_636 = arith.constant 2.000000e+00 : f32
    %broadcast_in_dim3A_637 = vector.broadcast %jit3A_636 : f32 to vector<16xf32>
    %select_n3A_638 = arith.select %ge3A_635, %broadcast_in_dim3A_637, %select_n3A_634 : vector<16xi1>, vector<16xf32>
    %ge3A_639 = arith.cmpf oge, %select_n3A_569, %max3A_612 : vector<16xf32>
    %jit3A_640 = arith.constant 1.000000e+00 : f32
    %broadcast_in_dim3A_641 = vector.broadcast %jit3A_640 : f32 to vector<16xf32>
    %select_n3A_642 = arith.select %ge3A_639, %broadcast_in_dim3A_641, %select_n3A_638 : vector<16xi1>, vector<16xf32>
    %ge3A_643 = arith.cmpf oge, %select_n3A_563, %max3A_612 : vector<16xf32>
    %jit3A_644 = arith.constant 0.000000e+00 : f32
    %broadcast_in_dim3A_645 = vector.broadcast %jit3A_644 : f32 to vector<16xf32>
    %select_n3A_646 = arith.select %ge3A_643, %broadcast_in_dim3A_645, %select_n3A_642 : vector<16xi1>, vector<16xf32>
    %sub3A_647 = arith.subf %max3A_612, %max3A_523 : vector<16xf32>
    %exp3A_648 = math.exp %sub3A_647 : vector<16xf32>
    %add3A_649 = arith.constant 1.000000e+00 : f32
    %add3A_650 = vector.broadcast %add3A_649 : f32 to vector<16xf32>
    %add3A_651 = arith.addf %add3A_650, %exp3A_648 : vector<16xf32>
    %div3A_652 = arith.constant 1.000000e+00 : f32
    %div3A_653 = vector.broadcast %div3A_652 : f32 to vector<16xf32>
    %div3A_654 = arith.divf %div3A_653, %add3A_651 : vector<16xf32>
    %add3A_655 = arith.constant 1.000000e+00 : f32
    %add3A_656 = vector.broadcast %add3A_655 : f32 to vector<16xf32>
    %add3A_657 = arith.addf %add3A_656, %exp3A_648 : vector<16xf32>
    %div3A_658 = arith.divf %exp3A_648, %add3A_657 : vector<16xf32>
    %iota3A_659 = tpu.iota {dimensions = array<i32: 0>} : vector<16xi32>
    %add3A_660 = arith.constant 32 : i32
    %add3A_661 = arith.addi %mul3A_2, %add3A_660 : i32
    %add3A_662 = vector.broadcast %add3A_661 : i32 to vector<16xi32>
    %add3A_663 = arith.addi %iota3A_659, %add3A_662 : vector<16xi32>
    %broadcast_in_dim3A_664 = arith.constant 1.000000e+00 : f32
    %broadcast_in_dim3A_665 = vector.broadcast %broadcast_in_dim3A_664 : f32 to vector<16xf32>
    %eq3A_666 = arith.constant 2048 : i32
    %eq3A_667 = vector.broadcast %eq3A_666 : i32 to vector<16xi32>
    %eq3A_668 = arith.cmpi eq, %add3A_663, %eq3A_667 : vector<16xi32>
    %jit3A_669 = arith.constant 0.000000e+00 : f32
    %broadcast_in_dim3A_670 = vector.broadcast %jit3A_669 : f32 to vector<16xf32>
    %select_n3A_671 = arith.select %eq3A_668, %broadcast_in_dim3A_670, %broadcast_in_dim3A_665 : vector<16xi1>, vector<16xf32>
    %swap3A_672 = arith.constant 0 : i32
    %swap3A_673 = arith.index_cast %swap3A_672 : i32 to index
    %swap3A_674 = arith.constant 32 : index
    %swap3A_675 = tpu.vector_load %arg5[%swap3A_673, %swap3A_674] {strides = array<i32>} : memref<8x128xf32, #tpu.memory_space<vmem>>, vector<1x16xf32>,
    %swap3A_676 = vector.shape_cast %swap3A_675 : vector<1x16xf32> to vector<16xf32>
    %swap3A_677 = vector.shape_cast %div3A_654 : vector<16xf32> to vector<1x16xf32>
    tpu.vector_store %arg5[%swap3A_673, %swap3A_674], %swap3A_677 {strides = array<i32>} : memref<8x128xf32, #tpu.memory_space<vmem>>, vector<1x16xf32>,
    %swap3A_678 = arith.constant 1 : i32
    %swap3A_679 = arith.index_cast %swap3A_678 : i32 to index
    %swap3A_680 = arith.constant 32 : index
    %swap3A_681 = tpu.vector_load %arg5[%swap3A_679, %swap3A_680] {strides = array<i32>} : memref<8x128xf32, #tpu.memory_space<vmem>>, vector<1x16xf32>,
    %swap3A_682 = vector.shape_cast %swap3A_681 : vector<1x16xf32> to vector<16xf32>
    %swap3A_683 = vector.shape_cast %div3A_658 : vector<16xf32> to vector<1x16xf32>
    tpu.vector_store %arg5[%swap3A_679, %swap3A_680], %swap3A_683 {strides = array<i32>} : memref<8x128xf32, #tpu.memory_space<vmem>>, vector<1x16xf32>,
    %swap3A_684 = arith.constant 2 : i32
    %swap3A_685 = arith.index_cast %swap3A_684 : i32 to index
    %swap3A_686 = arith.constant 32 : index
    %swap3A_687 = tpu.vector_load %arg5[%swap3A_685, %swap3A_686] {strides = array<i32>} : memref<8x128xf32, #tpu.memory_space<vmem>>, vector<1x16xf32>,
    %swap3A_688 = vector.shape_cast %swap3A_687 : vector<1x16xf32> to vector<16xf32>
    %swap3A_689 = vector.shape_cast %select_n3A_557 : vector<16xf32> to vector<1x16xf32>
    tpu.vector_store %arg5[%swap3A_685, %swap3A_686], %swap3A_689 {strides = array<i32>} : memref<8x128xf32, #tpu.memory_space<vmem>>, vector<1x16xf32>,
    %swap3A_690 = arith.constant 3 : i32
    %swap3A_691 = arith.index_cast %swap3A_690 : i32 to index
    %swap3A_692 = arith.constant 32 : index
    %swap3A_693 = tpu.vector_load %arg5[%swap3A_691, %swap3A_692] {strides = array<i32>} : memref<8x128xf32, #tpu.memory_space<vmem>>, vector<1x16xf32>,
    %swap3A_694 = vector.shape_cast %swap3A_693 : vector<1x16xf32> to vector<16xf32>
    %swap3A_695 = vector.shape_cast %select_n3A_646 : vector<16xf32> to vector<1x16xf32>
    tpu.vector_store %arg5[%swap3A_691, %swap3A_692], %swap3A_695 {strides = array<i32>} : memref<8x128xf32, #tpu.memory_space<vmem>>, vector<1x16xf32>,
    %swap3A_696 = arith.constant 4 : i32
    %swap3A_697 = arith.index_cast %swap3A_696 : i32 to index
    %swap3A_698 = arith.constant 32 : index
    %swap3A_699 = tpu.vector_load %arg5[%swap3A_697, %swap3A_698] {strides = array<i32>} : memref<8x128xf32, #tpu.memory_space<vmem>>, vector<1x16xf32>,
    %swap3A_700 = vector.shape_cast %swap3A_699 : vector<1x16xf32> to vector<16xf32>
    %swap3A_701 = vector.shape_cast %select_n3A_671 : vector<16xf32> to vector<1x16xf32>
    tpu.vector_store %arg5[%swap3A_697, %swap3A_698], %swap3A_701 {strides = array<i32>} : memref<8x128xf32, #tpu.memory_space<vmem>>, vector<1x16xf32>,
    %swap3A_702 = arith.constant 5 : i32
    %swap3A_703 = arith.index_cast %swap3A_702 : i32 to index
    %swap3A_704 = arith.constant 32 : index
    %swap3A_705 = tpu.vector_load %arg5[%swap3A_703, %swap3A_704] {strides = array<i32>} : memref<8x128xf32, #tpu.memory_space<vmem>>, vector<1x16xf32>,
    %swap3A_706 = vector.shape_cast %swap3A_705 : vector<1x16xf32> to vector<16xf32>
    %swap3A_707 = vector.shape_cast %div3A_654 : vector<16xf32> to vector<1x16xf32>
    tpu.vector_store %arg5[%swap3A_703, %swap3A_704], %swap3A_707 {strides = array<i32>} : memref<8x128xf32, #tpu.memory_space<vmem>>, vector<1x16xf32>,
    %swap3A_708 = arith.constant 6 : i32
    %swap3A_709 = arith.index_cast %swap3A_708 : i32 to index
    %swap3A_710 = arith.constant 32 : index
    %swap3A_711 = tpu.vector_load %arg5[%swap3A_709, %swap3A_710] {strides = array<i32>} : memref<8x128xf32, #tpu.memory_space<vmem>>, vector<1x16xf32>,
    %swap3A_712 = vector.shape_cast %swap3A_711 : vector<1x16xf32> to vector<16xf32>
    %swap3A_713 = vector.shape_cast %div3A_654 : vector<16xf32> to vector<1x16xf32>
    tpu.vector_store %arg5[%swap3A_709, %swap3A_710], %swap3A_713 {strides = array<i32>} : memref<8x128xf32, #tpu.memory_space<vmem>>, vector<1x16xf32>,
    %swap3A_714 = arith.constant 7 : i32
    %swap3A_715 = arith.index_cast %swap3A_714 : i32 to index
    %swap3A_716 = arith.constant 32 : index
    %swap3A_717 = tpu.vector_load %arg5[%swap3A_715, %swap3A_716] {strides = array<i32>} : memref<8x128xf32, #tpu.memory_space<vmem>>, vector<1x16xf32>,
    %swap3A_718 = vector.shape_cast %swap3A_717 : vector<1x16xf32> to vector<16xf32>
    %swap3A_719 = vector.shape_cast %div3A_654 : vector<16xf32> to vector<1x16xf32>
    tpu.vector_store %arg5[%swap3A_715, %swap3A_716], %swap3A_719 {strides = array<i32>} : memref<8x128xf32, #tpu.memory_space<vmem>>, vector<1x16xf32>,
    %get3A_720 = arith.constant 0 : i32
    %get3A_721 = arith.index_cast %get3A_720 : i32 to index
    %get3A_722 = arith.constant 48 : index
    %get3A_723 = tpu.vector_load %arg4[%get3A_721, %get3A_722] {strides = array<i32>} : memref<8x128xf32, #tpu.memory_space<vmem>>, vector<1x16xf32>,
    %get3A_724 = vector.shape_cast %get3A_723 : vector<1x16xf32> to vector<16xf32>
    %get3A_725 = arith.constant 1 : i32
    %get3A_726 = arith.index_cast %get3A_725 : i32 to index
    %get3A_727 = arith.constant 48 : index
    %get3A_728 = tpu.vector_load %arg4[%get3A_726, %get3A_727] {strides = array<i32>} : memref<8x128xf32, #tpu.memory_space<vmem>>, vector<1x16xf32>,
    %get3A_729 = vector.shape_cast %get3A_728 : vector<1x16xf32> to vector<16xf32>
    %get3A_730 = arith.constant 2 : i32
    %get3A_731 = arith.index_cast %get3A_730 : i32 to index
    %get3A_732 = arith.constant 48 : index
    %get3A_733 = tpu.vector_load %arg4[%get3A_731, %get3A_732] {strides = array<i32>} : memref<8x128xf32, #tpu.memory_space<vmem>>, vector<1x16xf32>,
    %get3A_734 = vector.shape_cast %get3A_733 : vector<1x16xf32> to vector<16xf32>
    %get3A_735 = arith.constant 3 : i32
    %get3A_736 = arith.index_cast %get3A_735 : i32 to index
    %get3A_737 = arith.constant 48 : index
    %get3A_738 = tpu.vector_load %arg4[%get3A_736, %get3A_737] {strides = array<i32>} : memref<8x128xf32, #tpu.memory_space<vmem>>, vector<1x16xf32>,
    %get3A_739 = vector.shape_cast %get3A_738 : vector<1x16xf32> to vector<16xf32>
    %get3A_740 = arith.constant 4 : i32
    %get3A_741 = arith.index_cast %get3A_740 : i32 to index
    %get3A_742 = arith.constant 48 : index
    %get3A_743 = tpu.vector_load %arg4[%get3A_741, %get3A_742] {strides = array<i32>} : memref<8x128xf32, #tpu.memory_space<vmem>>, vector<1x16xf32>,
    %get3A_744 = vector.shape_cast %get3A_743 : vector<1x16xf32> to vector<16xf32>
    %get3A_745 = arith.constant 5 : i32
    %get3A_746 = arith.index_cast %get3A_745 : i32 to index
    %get3A_747 = arith.constant 48 : index
    %get3A_748 = tpu.vector_load %arg4[%get3A_746, %get3A_747] {strides = array<i32>} : memref<8x128xf32, #tpu.memory_space<vmem>>, vector<1x16xf32>,
    %get3A_749 = vector.shape_cast %get3A_748 : vector<1x16xf32> to vector<16xf32>
    %get3A_750 = arith.constant 6 : i32
    %get3A_751 = arith.index_cast %get3A_750 : i32 to index
    %get3A_752 = arith.constant 48 : index
    %get3A_753 = tpu.vector_load %arg4[%get3A_751, %get3A_752] {strides = array<i32>} : memref<8x128xf32, #tpu.memory_space<vmem>>, vector<1x16xf32>,
    %get3A_754 = vector.shape_cast %get3A_753 : vector<1x16xf32> to vector<16xf32>
    %get3A_755 = arith.constant 7 : i32
    %get3A_756 = arith.index_cast %get3A_755 : i32 to index
    %get3A_757 = arith.constant 48 : index
    %get3A_758 = tpu.vector_load %arg4[%get3A_756, %get3A_757] {strides = array<i32>} : memref<8x128xf32, #tpu.memory_space<vmem>>, vector<1x16xf32>,
    %get3A_759 = vector.shape_cast %get3A_758 : vector<1x16xf32> to vector<16xf32>
    %max3A_760 = arith.maximumf %get3A_724, %get3A_729 : vector<16xf32>
    %max3A_761 = arith.maximumf %max3A_760, %get3A_734 : vector<16xf32>
    %max3A_762 = arith.maximumf %max3A_761, %get3A_739 : vector<16xf32>
    %max3A_763 = arith.maximumf %max3A_762, %get3A_744 : vector<16xf32>
    %max3A_764 = arith.maximumf %max3A_763, %get3A_749 : vector<16xf32>
    %max3A_765 = arith.maximumf %max3A_764, %get3A_754 : vector<16xf32>
    %max3A_766 = arith.maximumf %max3A_765, %get3A_759 : vector<16xf32>
    %broadcast_in_dim3A_767 = arith.constant 8.000000e+00 : f32
    %broadcast_in_dim3A_768 = vector.broadcast %broadcast_in_dim3A_767 : f32 to vector<16xf32>
    %ge3A_769 = arith.cmpf oge, %get3A_759, %max3A_766 : vector<16xf32>
    %jit3A_770 = arith.constant 7.000000e+00 : f32
    %broadcast_in_dim3A_771 = vector.broadcast %jit3A_770 : f32 to vector<16xf32>
    %select_n3A_772 = arith.select %ge3A_769, %broadcast_in_dim3A_771, %broadcast_in_dim3A_768 : vector<16xi1>, vector<16xf32>
    %ge3A_773 = arith.cmpf oge, %get3A_754, %max3A_766 : vector<16xf32>
    %jit3A_774 = arith.constant 6.000000e+00 : f32
    %broadcast_in_dim3A_775 = vector.broadcast %jit3A_774 : f32 to vector<16xf32>
    %select_n3A_776 = arith.select %ge3A_773, %broadcast_in_dim3A_775, %select_n3A_772 : vector<16xi1>, vector<16xf32>
    %ge3A_777 = arith.cmpf oge, %get3A_749, %max3A_766 : vector<16xf32>
    %jit3A_778 = arith.constant 5.000000e+00 : f32
    %broadcast_in_dim3A_779 = vector.broadcast %jit3A_778 : f32 to vector<16xf32>
    %select_n3A_780 = arith.select %ge3A_777, %broadcast_in_dim3A_779, %select_n3A_776 : vector<16xi1>, vector<16xf32>
    %ge3A_781 = arith.cmpf oge, %get3A_744, %max3A_766 : vector<16xf32>
    %jit3A_782 = arith.constant 4.000000e+00 : f32
    %broadcast_in_dim3A_783 = vector.broadcast %jit3A_782 : f32 to vector<16xf32>
    %select_n3A_784 = arith.select %ge3A_781, %broadcast_in_dim3A_783, %select_n3A_780 : vector<16xi1>, vector<16xf32>
    %ge3A_785 = arith.cmpf oge, %get3A_739, %max3A_766 : vector<16xf32>
    %jit3A_786 = arith.constant 3.000000e+00 : f32
    %broadcast_in_dim3A_787 = vector.broadcast %jit3A_786 : f32 to vector<16xf32>
    %select_n3A_788 = arith.select %ge3A_785, %broadcast_in_dim3A_787, %select_n3A_784 : vector<16xi1>, vector<16xf32>
    %ge3A_789 = arith.cmpf oge, %get3A_734, %max3A_766 : vector<16xf32>
    %jit3A_790 = arith.constant 2.000000e+00 : f32
    %broadcast_in_dim3A_791 = vector.broadcast %jit3A_790 : f32 to vector<16xf32>
    %select_n3A_792 = arith.select %ge3A_789, %broadcast_in_dim3A_791, %select_n3A_788 : vector<16xi1>, vector<16xf32>
    %ge3A_793 = arith.cmpf oge, %get3A_729, %max3A_766 : vector<16xf32>
    %jit3A_794 = arith.constant 1.000000e+00 : f32
    %broadcast_in_dim3A_795 = vector.broadcast %jit3A_794 : f32 to vector<16xf32>
    %select_n3A_796 = arith.select %ge3A_793, %broadcast_in_dim3A_795, %select_n3A_792 : vector<16xi1>, vector<16xf32>
    %ge3A_797 = arith.cmpf oge, %get3A_724, %max3A_766 : vector<16xf32>
    %jit3A_798 = arith.constant 0.000000e+00 : f32
    %broadcast_in_dim3A_799 = vector.broadcast %jit3A_798 : f32 to vector<16xf32>
    %select_n3A_800 = arith.select %ge3A_797, %broadcast_in_dim3A_799, %select_n3A_796 : vector<16xi1>, vector<16xf32>
    %eq3A_801 = arith.constant 0.000000e+00 : f32
    %eq3A_802 = vector.broadcast %eq3A_801 : f32 to vector<16xf32>
    %eq3A_803 = arith.cmpf oeq, %select_n3A_800, %eq3A_802 : vector<16xf32>
    %jit3A_804 = arith.constant -1.000000e+30 : f32
    %broadcast_in_dim3A_805 = vector.broadcast %jit3A_804 : f32 to vector<16xf32>
    %select_n3A_806 = arith.select %eq3A_803, %broadcast_in_dim3A_805, %get3A_724 : vector<16xi1>, vector<16xf32>
    %eq3A_807 = arith.constant 1.000000e+00 : f32
    %eq3A_808 = vector.broadcast %eq3A_807 : f32 to vector<16xf32>
    %eq3A_809 = arith.cmpf oeq, %select_n3A_800, %eq3A_808 : vector<16xf32>
    %jit3A_810 = arith.constant -1.000000e+30 : f32
    %broadcast_in_dim3A_811 = vector.broadcast %jit3A_810 : f32 to vector<16xf32>
    %select_n3A_812 = arith.select %eq3A_809, %broadcast_in_dim3A_811, %get3A_729 : vector<16xi1>, vector<16xf32>
    %eq3A_813 = arith.constant 2.000000e+00 : f32
    %eq3A_814 = vector.broadcast %eq3A_813 : f32 to vector<16xf32>
    %eq3A_815 = arith.cmpf oeq, %select_n3A_800, %eq3A_814 : vector<16xf32>
    %jit3A_816 = arith.constant -1.000000e+30 : f32
    %broadcast_in_dim3A_817 = vector.broadcast %jit3A_816 : f32 to vector<16xf32>
    %select_n3A_818 = arith.select %eq3A_815, %broadcast_in_dim3A_817, %get3A_734 : vector<16xi1>, vector<16xf32>
    %eq3A_819 = arith.constant 3.000000e+00 : f32
    %eq3A_820 = vector.broadcast %eq3A_819 : f32 to vector<16xf32>
    %eq3A_821 = arith.cmpf oeq, %select_n3A_800, %eq3A_820 : vector<16xf32>
    %jit3A_822 = arith.constant -1.000000e+30 : f32
    %broadcast_in_dim3A_823 = vector.broadcast %jit3A_822 : f32 to vector<16xf32>
    %select_n3A_824 = arith.select %eq3A_821, %broadcast_in_dim3A_823, %get3A_739 : vector<16xi1>, vector<16xf32>
    %eq3A_825 = arith.constant 4.000000e+00 : f32
    %eq3A_826 = vector.broadcast %eq3A_825 : f32 to vector<16xf32>
    %eq3A_827 = arith.cmpf oeq, %select_n3A_800, %eq3A_826 : vector<16xf32>
    %jit3A_828 = arith.constant -1.000000e+30 : f32
    %broadcast_in_dim3A_829 = vector.broadcast %jit3A_828 : f32 to vector<16xf32>
    %select_n3A_830 = arith.select %eq3A_827, %broadcast_in_dim3A_829, %get3A_744 : vector<16xi1>, vector<16xf32>
    %eq3A_831 = arith.constant 5.000000e+00 : f32
    %eq3A_832 = vector.broadcast %eq3A_831 : f32 to vector<16xf32>
    %eq3A_833 = arith.cmpf oeq, %select_n3A_800, %eq3A_832 : vector<16xf32>
    %jit3A_834 = arith.constant -1.000000e+30 : f32
    %broadcast_in_dim3A_835 = vector.broadcast %jit3A_834 : f32 to vector<16xf32>
    %select_n3A_836 = arith.select %eq3A_833, %broadcast_in_dim3A_835, %get3A_749 : vector<16xi1>, vector<16xf32>
    %eq3A_837 = arith.constant 6.000000e+00 : f32
    %eq3A_838 = vector.broadcast %eq3A_837 : f32 to vector<16xf32>
    %eq3A_839 = arith.cmpf oeq, %select_n3A_800, %eq3A_838 : vector<16xf32>
    %jit3A_840 = arith.constant -1.000000e+30 : f32
    %broadcast_in_dim3A_841 = vector.broadcast %jit3A_840 : f32 to vector<16xf32>
    %select_n3A_842 = arith.select %eq3A_839, %broadcast_in_dim3A_841, %get3A_754 : vector<16xi1>, vector<16xf32>
    %eq3A_843 = arith.constant 7.000000e+00 : f32
    %eq3A_844 = vector.broadcast %eq3A_843 : f32 to vector<16xf32>
    %eq3A_845 = arith.cmpf oeq, %select_n3A_800, %eq3A_844 : vector<16xf32>
    %jit3A_846 = arith.constant -1.000000e+30 : f32
    %broadcast_in_dim3A_847 = vector.broadcast %jit3A_846 : f32 to vector<16xf32>
    %select_n3A_848 = arith.select %eq3A_845, %broadcast_in_dim3A_847, %get3A_759 : vector<16xi1>, vector<16xf32>
    %max3A_849 = arith.maximumf %select_n3A_806, %select_n3A_812 : vector<16xf32>
    %max3A_850 = arith.maximumf %max3A_849, %select_n3A_818 : vector<16xf32>
    %max3A_851 = arith.maximumf %max3A_850, %select_n3A_824 : vector<16xf32>
    %max3A_852 = arith.maximumf %max3A_851, %select_n3A_830 : vector<16xf32>
    %max3A_853 = arith.maximumf %max3A_852, %select_n3A_836 : vector<16xf32>
    %max3A_854 = arith.maximumf %max3A_853, %select_n3A_842 : vector<16xf32>
    %max3A_855 = arith.maximumf %max3A_854, %select_n3A_848 : vector<16xf32>
    %broadcast_in_dim3A_856 = arith.constant 8.000000e+00 : f32
    %broadcast_in_dim3A_857 = vector.broadcast %broadcast_in_dim3A_856 : f32 to vector<16xf32>
    %ge3A_858 = arith.cmpf oge, %select_n3A_848, %max3A_855 : vector<16xf32>
    %jit3A_859 = arith.constant 7.000000e+00 : f32
    %broadcast_in_dim3A_860 = vector.broadcast %jit3A_859 : f32 to vector<16xf32>
    %select_n3A_861 = arith.select %ge3A_858, %broadcast_in_dim3A_860, %broadcast_in_dim3A_857 : vector<16xi1>, vector<16xf32>
    %ge3A_862 = arith.cmpf oge, %select_n3A_842, %max3A_855 : vector<16xf32>
    %jit3A_863 = arith.constant 6.000000e+00 : f32
    %broadcast_in_dim3A_864 = vector.broadcast %jit3A_863 : f32 to vector<16xf32>
    %select_n3A_865 = arith.select %ge3A_862, %broadcast_in_dim3A_864, %select_n3A_861 : vector<16xi1>, vector<16xf32>
    %ge3A_866 = arith.cmpf oge, %select_n3A_836, %max3A_855 : vector<16xf32>
    %jit3A_867 = arith.constant 5.000000e+00 : f32
    %broadcast_in_dim3A_868 = vector.broadcast %jit3A_867 : f32 to vector<16xf32>
    %select_n3A_869 = arith.select %ge3A_866, %broadcast_in_dim3A_868, %select_n3A_865 : vector<16xi1>, vector<16xf32>
    %ge3A_870 = arith.cmpf oge, %select_n3A_830, %max3A_855 : vector<16xf32>
    %jit3A_871 = arith.constant 4.000000e+00 : f32
    %broadcast_in_dim3A_872 = vector.broadcast %jit3A_871 : f32 to vector<16xf32>
    %select_n3A_873 = arith.select %ge3A_870, %broadcast_in_dim3A_872, %select_n3A_869 : vector<16xi1>, vector<16xf32>
    %ge3A_874 = arith.cmpf oge, %select_n3A_824, %max3A_855 : vector<16xf32>
    %jit3A_875 = arith.constant 3.000000e+00 : f32
    %broadcast_in_dim3A_876 = vector.broadcast %jit3A_875 : f32 to vector<16xf32>
    %select_n3A_877 = arith.select %ge3A_874, %broadcast_in_dim3A_876, %select_n3A_873 : vector<16xi1>, vector<16xf32>
    %ge3A_878 = arith.cmpf oge, %select_n3A_818, %max3A_855 : vector<16xf32>
    %jit3A_879 = arith.constant 2.000000e+00 : f32
    %broadcast_in_dim3A_880 = vector.broadcast %jit3A_879 : f32 to vector<16xf32>
    %select_n3A_881 = arith.select %ge3A_878, %broadcast_in_dim3A_880, %select_n3A_877 : vector<16xi1>, vector<16xf32>
    %ge3A_882 = arith.cmpf oge, %select_n3A_812, %max3A_855 : vector<16xf32>
    %jit3A_883 = arith.constant 1.000000e+00 : f32
    %broadcast_in_dim3A_884 = vector.broadcast %jit3A_883 : f32 to vector<16xf32>
    %select_n3A_885 = arith.select %ge3A_882, %broadcast_in_dim3A_884, %select_n3A_881 : vector<16xi1>, vector<16xf32>
    %ge3A_886 = arith.cmpf oge, %select_n3A_806, %max3A_855 : vector<16xf32>
    %jit3A_887 = arith.constant 0.000000e+00 : f32
    %broadcast_in_dim3A_888 = vector.broadcast %jit3A_887 : f32 to vector<16xf32>
    %select_n3A_889 = arith.select %ge3A_886, %broadcast_in_dim3A_888, %select_n3A_885 : vector<16xi1>, vector<16xf32>
    %sub3A_890 = arith.subf %max3A_855, %max3A_766 : vector<16xf32>
    %exp3A_891 = math.exp %sub3A_890 : vector<16xf32>
    %add3A_892 = arith.constant 1.000000e+00 : f32
    %add3A_893 = vector.broadcast %add3A_892 : f32 to vector<16xf32>
    %add3A_894 = arith.addf %add3A_893, %exp3A_891 : vector<16xf32>
    %div3A_895 = arith.constant 1.000000e+00 : f32
    %div3A_896 = vector.broadcast %div3A_895 : f32 to vector<16xf32>
    %div3A_897 = arith.divf %div3A_896, %add3A_894 : vector<16xf32>
    %add3A_898 = arith.constant 1.000000e+00 : f32
    %add3A_899 = vector.broadcast %add3A_898 : f32 to vector<16xf32>
    %add3A_900 = arith.addf %add3A_899, %exp3A_891 : vector<16xf32>
    %div3A_901 = arith.divf %exp3A_891, %add3A_900 : vector<16xf32>
    %iota3A_902 = tpu.iota {dimensions = array<i32: 0>} : vector<16xi32>
    %add3A_903 = arith.constant 48 : i32
    %add3A_904 = arith.addi %mul3A_2, %add3A_903 : i32
    %add3A_905 = vector.broadcast %add3A_904 : i32 to vector<16xi32>
    %add3A_906 = arith.addi %iota3A_902, %add3A_905 : vector<16xi32>
    %broadcast_in_dim3A_907 = arith.constant 1.000000e+00 : f32
    %broadcast_in_dim3A_908 = vector.broadcast %broadcast_in_dim3A_907 : f32 to vector<16xf32>
    %eq3A_909 = arith.constant 2048 : i32
    %eq3A_910 = vector.broadcast %eq3A_909 : i32 to vector<16xi32>
    %eq3A_911 = arith.cmpi eq, %add3A_906, %eq3A_910 : vector<16xi32>
    %jit3A_912 = arith.constant 0.000000e+00 : f32
    %broadcast_in_dim3A_913 = vector.broadcast %jit3A_912 : f32 to vector<16xf32>
    %select_n3A_914 = arith.select %eq3A_911, %broadcast_in_dim3A_913, %broadcast_in_dim3A_908 : vector<16xi1>, vector<16xf32>
    %swap3A_915 = arith.constant 0 : i32
    %swap3A_916 = arith.index_cast %swap3A_915 : i32 to index
    %swap3A_917 = arith.constant 48 : index
    %swap3A_918 = tpu.vector_load %arg5[%swap3A_916, %swap3A_917] {strides = array<i32>} : memref<8x128xf32, #tpu.memory_space<vmem>>, vector<1x16xf32>,
    %swap3A_919 = vector.shape_cast %swap3A_918 : vector<1x16xf32> to vector<16xf32>
    %swap3A_920 = vector.shape_cast %div3A_897 : vector<16xf32> to vector<1x16xf32>
    tpu.vector_store %arg5[%swap3A_916, %swap3A_917], %swap3A_920 {strides = array<i32>} : memref<8x128xf32, #tpu.memory_space<vmem>>, vector<1x16xf32>,
    %swap3A_921 = arith.constant 1 : i32
    %swap3A_922 = arith.index_cast %swap3A_921 : i32 to index
    %swap3A_923 = arith.constant 48 : index
    %swap3A_924 = tpu.vector_load %arg5[%swap3A_922, %swap3A_923] {strides = array<i32>} : memref<8x128xf32, #tpu.memory_space<vmem>>, vector<1x16xf32>,
    %swap3A_925 = vector.shape_cast %swap3A_924 : vector<1x16xf32> to vector<16xf32>
    %swap3A_926 = vector.shape_cast %div3A_901 : vector<16xf32> to vector<1x16xf32>
    tpu.vector_store %arg5[%swap3A_922, %swap3A_923], %swap3A_926 {strides = array<i32>} : memref<8x128xf32, #tpu.memory_space<vmem>>, vector<1x16xf32>,
    %swap3A_927 = arith.constant 2 : i32
    %swap3A_928 = arith.index_cast %swap3A_927 : i32 to index
    %swap3A_929 = arith.constant 48 : index
    %swap3A_930 = tpu.vector_load %arg5[%swap3A_928, %swap3A_929] {strides = array<i32>} : memref<8x128xf32, #tpu.memory_space<vmem>>, vector<1x16xf32>,
    %swap3A_931 = vector.shape_cast %swap3A_930 : vector<1x16xf32> to vector<16xf32>
    %swap3A_932 = vector.shape_cast %select_n3A_800 : vector<16xf32> to vector<1x16xf32>
    tpu.vector_store %arg5[%swap3A_928, %swap3A_929], %swap3A_932 {strides = array<i32>} : memref<8x128xf32, #tpu.memory_space<vmem>>, vector<1x16xf32>,
    %swap3A_933 = arith.constant 3 : i32
    %swap3A_934 = arith.index_cast %swap3A_933 : i32 to index
    %swap3A_935 = arith.constant 48 : index
    %swap3A_936 = tpu.vector_load %arg5[%swap3A_934, %swap3A_935] {strides = array<i32>} : memref<8x128xf32, #tpu.memory_space<vmem>>, vector<1x16xf32>,
    %swap3A_937 = vector.shape_cast %swap3A_936 : vector<1x16xf32> to vector<16xf32>
    %swap3A_938 = vector.shape_cast %select_n3A_889 : vector<16xf32> to vector<1x16xf32>
    tpu.vector_store %arg5[%swap3A_934, %swap3A_935], %swap3A_938 {strides = array<i32>} : memref<8x128xf32, #tpu.memory_space<vmem>>, vector<1x16xf32>,
    %swap3A_939 = arith.constant 4 : i32
    %swap3A_940 = arith.index_cast %swap3A_939 : i32 to index
    %swap3A_941 = arith.constant 48 : index
    %swap3A_942 = tpu.vector_load %arg5[%swap3A_940, %swap3A_941] {strides = array<i32>} : memref<8x128xf32, #tpu.memory_space<vmem>>, vector<1x16xf32>,
    %swap3A_943 = vector.shape_cast %swap3A_942 : vector<1x16xf32> to vector<16xf32>
    %swap3A_944 = vector.shape_cast %select_n3A_914 : vector<16xf32> to vector<1x16xf32>
    tpu.vector_store %arg5[%swap3A_940, %swap3A_941], %swap3A_944 {strides = array<i32>} : memref<8x128xf32, #tpu.memory_space<vmem>>, vector<1x16xf32>,
    %swap3A_945 = arith.constant 5 : i32
    %swap3A_946 = arith.index_cast %swap3A_945 : i32 to index
    %swap3A_947 = arith.constant 48 : index
    %swap3A_948 = tpu.vector_load %arg5[%swap3A_946, %swap3A_947] {strides = array<i32>} : memref<8x128xf32, #tpu.memory_space<vmem>>, vector<1x16xf32>,
    %swap3A_949 = vector.shape_cast %swap3A_948 : vector<1x16xf32> to vector<16xf32>
    %swap3A_950 = vector.shape_cast %div3A_897 : vector<16xf32> to vector<1x16xf32>
    tpu.vector_store %arg5[%swap3A_946, %swap3A_947], %swap3A_950 {strides = array<i32>} : memref<8x128xf32, #tpu.memory_space<vmem>>, vector<1x16xf32>,
    %swap3A_951 = arith.constant 6 : i32
    %swap3A_952 = arith.index_cast %swap3A_951 : i32 to index
    %swap3A_953 = arith.constant 48 : index
    %swap3A_954 = tpu.vector_load %arg5[%swap3A_952, %swap3A_953] {strides = array<i32>} : memref<8x128xf32, #tpu.memory_space<vmem>>, vector<1x16xf32>,
    %swap3A_955 = vector.shape_cast %swap3A_954 : vector<1x16xf32> to vector<16xf32>
    %swap3A_956 = vector.shape_cast %div3A_897 : vector<16xf32> to vector<1x16xf32>
    tpu.vector_store %arg5[%swap3A_952, %swap3A_953], %swap3A_956 {strides = array<i32>} : memref<8x128xf32, #tpu.memory_space<vmem>>, vector<1x16xf32>,
    %swap3A_957 = arith.constant 7 : i32
    %swap3A_958 = arith.index_cast %swap3A_957 : i32 to index
    %swap3A_959 = arith.constant 48 : index
    %swap3A_960 = tpu.vector_load %arg5[%swap3A_958, %swap3A_959] {strides = array<i32>} : memref<8x128xf32, #tpu.memory_space<vmem>>, vector<1x16xf32>,
    %swap3A_961 = vector.shape_cast %swap3A_960 : vector<1x16xf32> to vector<16xf32>
    %swap3A_962 = vector.shape_cast %div3A_897 : vector<16xf32> to vector<1x16xf32>
    tpu.vector_store %arg5[%swap3A_958, %swap3A_959], %swap3A_962 {strides = array<i32>} : memref<8x128xf32, #tpu.memory_space<vmem>>, vector<1x16xf32>,
    %get3A_963 = arith.constant 0 : i32
    %get3A_964 = arith.index_cast %get3A_963 : i32 to index
    %get3A_965 = arith.constant 64 : index
    %get3A_966 = tpu.vector_load %arg4[%get3A_964, %get3A_965] {strides = array<i32>} : memref<8x128xf32, #tpu.memory_space<vmem>>, vector<1x16xf32>,
    %get3A_967 = vector.shape_cast %get3A_966 : vector<1x16xf32> to vector<16xf32>
    %get3A_968 = arith.constant 1 : i32
    %get3A_969 = arith.index_cast %get3A_968 : i32 to index
    %get3A_970 = arith.constant 64 : index
    %get3A_971 = tpu.vector_load %arg4[%get3A_969, %get3A_970] {strides = array<i32>} : memref<8x128xf32, #tpu.memory_space<vmem>>, vector<1x16xf32>,
    %get3A_972 = vector.shape_cast %get3A_971 : vector<1x16xf32> to vector<16xf32>
    %get3A_973 = arith.constant 2 : i32
    %get3A_974 = arith.index_cast %get3A_973 : i32 to index
    %get3A_975 = arith.constant 64 : index
    %get3A_976 = tpu.vector_load %arg4[%get3A_974, %get3A_975] {strides = array<i32>} : memref<8x128xf32, #tpu.memory_space<vmem>>, vector<1x16xf32>,
    %get3A_977 = vector.shape_cast %get3A_976 : vector<1x16xf32> to vector<16xf32>
    %get3A_978 = arith.constant 3 : i32
    %get3A_979 = arith.index_cast %get3A_978 : i32 to index
    %get3A_980 = arith.constant 64 : index
    %get3A_981 = tpu.vector_load %arg4[%get3A_979, %get3A_980] {strides = array<i32>} : memref<8x128xf32, #tpu.memory_space<vmem>>, vector<1x16xf32>,
    %get3A_982 = vector.shape_cast %get3A_981 : vector<1x16xf32> to vector<16xf32>
    %get3A_983 = arith.constant 4 : i32
    %get3A_984 = arith.index_cast %get3A_983 : i32 to index
    %get3A_985 = arith.constant 64 : index
    %get3A_986 = tpu.vector_load %arg4[%get3A_984, %get3A_985] {strides = array<i32>} : memref<8x128xf32, #tpu.memory_space<vmem>>, vector<1x16xf32>,
    %get3A_987 = vector.shape_cast %get3A_986 : vector<1x16xf32> to vector<16xf32>
    %get3A_988 = arith.constant 5 : i32
    %get3A_989 = arith.index_cast %get3A_988 : i32 to index
    %get3A_990 = arith.constant 64 : index
    %get3A_991 = tpu.vector_load %arg4[%get3A_989, %get3A_990] {strides = array<i32>} : memref<8x128xf32, #tpu.memory_space<vmem>>, vector<1x16xf32>,
    %get3A_992 = vector.shape_cast %get3A_991 : vector<1x16xf32> to vector<16xf32>
    %get3A_993 = arith.constant 6 : i32
    %get3A_994 = arith.index_cast %get3A_993 : i32 to index
    %get3A_995 = arith.constant 64 : index
    %get3A_996 = tpu.vector_load %arg4[%get3A_994, %get3A_995] {strides = array<i32>} : memref<8x128xf32, #tpu.memory_space<vmem>>, vector<1x16xf32>,
    %get3A_997 = vector.shape_cast %get3A_996 : vector<1x16xf32> to vector<16xf32>
    %get3A_998 = arith.constant 7 : i32
    %get3A_999 = arith.index_cast %get3A_998 : i32 to index
    %get3A_1000 = arith.constant 64 : index
    %get3A_1001 = tpu.vector_load %arg4[%get3A_999, %get3A_1000] {strides = array<i32>} : memref<8x128xf32, #tpu.memory_space<vmem>>, vector<1x16xf32>,
    %get3A_1002 = vector.shape_cast %get3A_1001 : vector<1x16xf32> to vector<16xf32>
    %max3A_1003 = arith.maximumf %get3A_967, %get3A_972 : vector<16xf32>
    %max3A_1004 = arith.maximumf %max3A_1003, %get3A_977 : vector<16xf32>
    %max3A_1005 = arith.maximumf %max3A_1004, %get3A_982 : vector<16xf32>
    %max3A_1006 = arith.maximumf %max3A_1005, %get3A_987 : vector<16xf32>
    %max3A_1007 = arith.maximumf %max3A_1006, %get3A_992 : vector<16xf32>
    %max3A_1008 = arith.maximumf %max3A_1007, %get3A_997 : vector<16xf32>
    %max3A_1009 = arith.maximumf %max3A_1008, %get3A_1002 : vector<16xf32>
    %broadcast_in_dim3A_1010 = arith.constant 8.000000e+00 : f32
    %broadcast_in_dim3A_1011 = vector.broadcast %broadcast_in_dim3A_1010 : f32 to vector<16xf32>
    %ge3A_1012 = arith.cmpf oge, %get3A_1002, %max3A_1009 : vector<16xf32>
    %jit3A_1013 = arith.constant 7.000000e+00 : f32
    %broadcast_in_dim3A_1014 = vector.broadcast %jit3A_1013 : f32 to vector<16xf32>
    %select_n3A_1015 = arith.select %ge3A_1012, %broadcast_in_dim3A_1014, %broadcast_in_dim3A_1011 : vector<16xi1>, vector<16xf32>
    %ge3A_1016 = arith.cmpf oge, %get3A_997, %max3A_1009 : vector<16xf32>
    %jit3A_1017 = arith.constant 6.000000e+00 : f32
    %broadcast_in_dim3A_1018 = vector.broadcast %jit3A_1017 : f32 to vector<16xf32>
    %select_n3A_1019 = arith.select %ge3A_1016, %broadcast_in_dim3A_1018, %select_n3A_1015 : vector<16xi1>, vector<16xf32>
    %ge3A_1020 = arith.cmpf oge, %get3A_992, %max3A_1009 : vector<16xf32>
    %jit3A_1021 = arith.constant 5.000000e+00 : f32
    %broadcast_in_dim3A_1022 = vector.broadcast %jit3A_1021 : f32 to vector<16xf32>
    %select_n3A_1023 = arith.select %ge3A_1020, %broadcast_in_dim3A_1022, %select_n3A_1019 : vector<16xi1>, vector<16xf32>
    %ge3A_1024 = arith.cmpf oge, %get3A_987, %max3A_1009 : vector<16xf32>
    %jit3A_1025 = arith.constant 4.000000e+00 : f32
    %broadcast_in_dim3A_1026 = vector.broadcast %jit3A_1025 : f32 to vector<16xf32>
    %select_n3A_1027 = arith.select %ge3A_1024, %broadcast_in_dim3A_1026, %select_n3A_1023 : vector<16xi1>, vector<16xf32>
    %ge3A_1028 = arith.cmpf oge, %get3A_982, %max3A_1009 : vector<16xf32>
    %jit3A_1029 = arith.constant 3.000000e+00 : f32
    %broadcast_in_dim3A_1030 = vector.broadcast %jit3A_1029 : f32 to vector<16xf32>
    %select_n3A_1031 = arith.select %ge3A_1028, %broadcast_in_dim3A_1030, %select_n3A_1027 : vector<16xi1>, vector<16xf32>
    %ge3A_1032 = arith.cmpf oge, %get3A_977, %max3A_1009 : vector<16xf32>
    %jit3A_1033 = arith.constant 2.000000e+00 : f32
    %broadcast_in_dim3A_1034 = vector.broadcast %jit3A_1033 : f32 to vector<16xf32>
    %select_n3A_1035 = arith.select %ge3A_1032, %broadcast_in_dim3A_1034, %select_n3A_1031 : vector<16xi1>, vector<16xf32>
    %ge3A_1036 = arith.cmpf oge, %get3A_972, %max3A_1009 : vector<16xf32>
    %jit3A_1037 = arith.constant 1.000000e+00 : f32
    %broadcast_in_dim3A_1038 = vector.broadcast %jit3A_1037 : f32 to vector<16xf32>
    %select_n3A_1039 = arith.select %ge3A_1036, %broadcast_in_dim3A_1038, %select_n3A_1035 : vector<16xi1>, vector<16xf32>
    %ge3A_1040 = arith.cmpf oge, %get3A_967, %max3A_1009 : vector<16xf32>
    %jit3A_1041 = arith.constant 0.000000e+00 : f32
    %broadcast_in_dim3A_1042 = vector.broadcast %jit3A_1041 : f32 to vector<16xf32>
    %select_n3A_1043 = arith.select %ge3A_1040, %broadcast_in_dim3A_1042, %select_n3A_1039 : vector<16xi1>, vector<16xf32>
    %eq3A_1044 = arith.constant 0.000000e+00 : f32
    %eq3A_1045 = vector.broadcast %eq3A_1044 : f32 to vector<16xf32>
    %eq3A_1046 = arith.cmpf oeq, %select_n3A_1043, %eq3A_1045 : vector<16xf32>
    %jit3A_1047 = arith.constant -1.000000e+30 : f32
    %broadcast_in_dim3A_1048 = vector.broadcast %jit3A_1047 : f32 to vector<16xf32>
    %select_n3A_1049 = arith.select %eq3A_1046, %broadcast_in_dim3A_1048, %get3A_967 : vector<16xi1>, vector<16xf32>
    %eq3A_1050 = arith.constant 1.000000e+00 : f32
    %eq3A_1051 = vector.broadcast %eq3A_1050 : f32 to vector<16xf32>
    %eq3A_1052 = arith.cmpf oeq, %select_n3A_1043, %eq3A_1051 : vector<16xf32>
    %jit3A_1053 = arith.constant -1.000000e+30 : f32
    %broadcast_in_dim3A_1054 = vector.broadcast %jit3A_1053 : f32 to vector<16xf32>
    %select_n3A_1055 = arith.select %eq3A_1052, %broadcast_in_dim3A_1054, %get3A_972 : vector<16xi1>, vector<16xf32>
    %eq3A_1056 = arith.constant 2.000000e+00 : f32
    %eq3A_1057 = vector.broadcast %eq3A_1056 : f32 to vector<16xf32>
    %eq3A_1058 = arith.cmpf oeq, %select_n3A_1043, %eq3A_1057 : vector<16xf32>
    %jit3A_1059 = arith.constant -1.000000e+30 : f32
    %broadcast_in_dim3A_1060 = vector.broadcast %jit3A_1059 : f32 to vector<16xf32>
    %select_n3A_1061 = arith.select %eq3A_1058, %broadcast_in_dim3A_1060, %get3A_977 : vector<16xi1>, vector<16xf32>
    %eq3A_1062 = arith.constant 3.000000e+00 : f32
    %eq3A_1063 = vector.broadcast %eq3A_1062 : f32 to vector<16xf32>
    %eq3A_1064 = arith.cmpf oeq, %select_n3A_1043, %eq3A_1063 : vector<16xf32>
    %jit3A_1065 = arith.constant -1.000000e+30 : f32
    %broadcast_in_dim3A_1066 = vector.broadcast %jit3A_1065 : f32 to vector<16xf32>
    %select_n3A_1067 = arith.select %eq3A_1064, %broadcast_in_dim3A_1066, %get3A_982 : vector<16xi1>, vector<16xf32>
    %eq3A_1068 = arith.constant 4.000000e+00 : f32
    %eq3A_1069 = vector.broadcast %eq3A_1068 : f32 to vector<16xf32>
    %eq3A_1070 = arith.cmpf oeq, %select_n3A_1043, %eq3A_1069 : vector<16xf32>
    %jit3A_1071 = arith.constant -1.000000e+30 : f32
    %broadcast_in_dim3A_1072 = vector.broadcast %jit3A_1071 : f32 to vector<16xf32>
    %select_n3A_1073 = arith.select %eq3A_1070, %broadcast_in_dim3A_1072, %get3A_987 : vector<16xi1>, vector<16xf32>
    %eq3A_1074 = arith.constant 5.000000e+00 : f32
    %eq3A_1075 = vector.broadcast %eq3A_1074 : f32 to vector<16xf32>
    %eq3A_1076 = arith.cmpf oeq, %select_n3A_1043, %eq3A_1075 : vector<16xf32>
    %jit3A_1077 = arith.constant -1.000000e+30 : f32
    %broadcast_in_dim3A_1078 = vector.broadcast %jit3A_1077 : f32 to vector<16xf32>
    %select_n3A_1079 = arith.select %eq3A_1076, %broadcast_in_dim3A_1078, %get3A_992 : vector<16xi1>, vector<16xf32>
    %eq3A_1080 = arith.constant 6.000000e+00 : f32
    %eq3A_1081 = vector.broadcast %eq3A_1080 : f32 to vector<16xf32>
    %eq3A_1082 = arith.cmpf oeq, %select_n3A_1043, %eq3A_1081 : vector<16xf32>
    %jit3A_1083 = arith.constant -1.000000e+30 : f32
    %broadcast_in_dim3A_1084 = vector.broadcast %jit3A_1083 : f32 to vector<16xf32>
    %select_n3A_1085 = arith.select %eq3A_1082, %broadcast_in_dim3A_1084, %get3A_997 : vector<16xi1>, vector<16xf32>
    %eq3A_1086 = arith.constant 7.000000e+00 : f32
    %eq3A_1087 = vector.broadcast %eq3A_1086 : f32 to vector<16xf32>
    %eq3A_1088 = arith.cmpf oeq, %select_n3A_1043, %eq3A_1087 : vector<16xf32>
    %jit3A_1089 = arith.constant -1.000000e+30 : f32
    %broadcast_in_dim3A_1090 = vector.broadcast %jit3A_1089 : f32 to vector<16xf32>
    %select_n3A_1091 = arith.select %eq3A_1088, %broadcast_in_dim3A_1090, %get3A_1002 : vector<16xi1>, vector<16xf32>
    %max3A_1092 = arith.maximumf %select_n3A_1049, %select_n3A_1055 : vector<16xf32>
    %max3A_1093 = arith.maximumf %max3A_1092, %select_n3A_1061 : vector<16xf32>
    %max3A_1094 = arith.maximumf %max3A_1093, %select_n3A_1067 : vector<16xf32>
    %max3A_1095 = arith.maximumf %max3A_1094, %select_n3A_1073 : vector<16xf32>
    %max3A_1096 = arith.maximumf %max3A_1095, %select_n3A_1079 : vector<16xf32>
    %max3A_1097 = arith.maximumf %max3A_1096, %select_n3A_1085 : vector<16xf32>
    %max3A_1098 = arith.maximumf %max3A_1097, %select_n3A_1091 : vector<16xf32>
    %broadcast_in_dim3A_1099 = arith.constant 8.000000e+00 : f32
    %broadcast_in_dim3A_1100 = vector.broadcast %broadcast_in_dim3A_1099 : f32 to vector<16xf32>
    %ge3A_1101 = arith.cmpf oge, %select_n3A_1091, %max3A_1098 : vector<16xf32>
    %jit3A_1102 = arith.constant 7.000000e+00 : f32
    %broadcast_in_dim3A_1103 = vector.broadcast %jit3A_1102 : f32 to vector<16xf32>
    %select_n3A_1104 = arith.select %ge3A_1101, %broadcast_in_dim3A_1103, %broadcast_in_dim3A_1100 : vector<16xi1>, vector<16xf32>
    %ge3A_1105 = arith.cmpf oge, %select_n3A_1085, %max3A_1098 : vector<16xf32>
    %jit3A_1106 = arith.constant 6.000000e+00 : f32
    %broadcast_in_dim3A_1107 = vector.broadcast %jit3A_1106 : f32 to vector<16xf32>
    %select_n3A_1108 = arith.select %ge3A_1105, %broadcast_in_dim3A_1107, %select_n3A_1104 : vector<16xi1>, vector<16xf32>
    %ge3A_1109 = arith.cmpf oge, %select_n3A_1079, %max3A_1098 : vector<16xf32>
    %jit3A_1110 = arith.constant 5.000000e+00 : f32
    %broadcast_in_dim3A_1111 = vector.broadcast %jit3A_1110 : f32 to vector<16xf32>
    %select_n3A_1112 = arith.select %ge3A_1109, %broadcast_in_dim3A_1111, %select_n3A_1108 : vector<16xi1>, vector<16xf32>
    %ge3A_1113 = arith.cmpf oge, %select_n3A_1073, %max3A_1098 : vector<16xf32>
    %jit3A_1114 = arith.constant 4.000000e+00 : f32
    %broadcast_in_dim3A_1115 = vector.broadcast %jit3A_1114 : f32 to vector<16xf32>
    %select_n3A_1116 = arith.select %ge3A_1113, %broadcast_in_dim3A_1115, %select_n3A_1112 : vector<16xi1>, vector<16xf32>
    %ge3A_1117 = arith.cmpf oge, %select_n3A_1067, %max3A_1098 : vector<16xf32>
    %jit3A_1118 = arith.constant 3.000000e+00 : f32
    %broadcast_in_dim3A_1119 = vector.broadcast %jit3A_1118 : f32 to vector<16xf32>
    %select_n3A_1120 = arith.select %ge3A_1117, %broadcast_in_dim3A_1119, %select_n3A_1116 : vector<16xi1>, vector<16xf32>
    %ge3A_1121 = arith.cmpf oge, %select_n3A_1061, %max3A_1098 : vector<16xf32>
    %jit3A_1122 = arith.constant 2.000000e+00 : f32
    %broadcast_in_dim3A_1123 = vector.broadcast %jit3A_1122 : f32 to vector<16xf32>
    %select_n3A_1124 = arith.select %ge3A_1121, %broadcast_in_dim3A_1123, %select_n3A_1120 : vector<16xi1>, vector<16xf32>
    %ge3A_1125 = arith.cmpf oge, %select_n3A_1055, %max3A_1098 : vector<16xf32>
    %jit3A_1126 = arith.constant 1.000000e+00 : f32
    %broadcast_in_dim3A_1127 = vector.broadcast %jit3A_1126 : f32 to vector<16xf32>
    %select_n3A_1128 = arith.select %ge3A_1125, %broadcast_in_dim3A_1127, %select_n3A_1124 : vector<16xi1>, vector<16xf32>
    %ge3A_1129 = arith.cmpf oge, %select_n3A_1049, %max3A_1098 : vector<16xf32>
    %jit3A_1130 = arith.constant 0.000000e+00 : f32
    %broadcast_in_dim3A_1131 = vector.broadcast %jit3A_1130 : f32 to vector<16xf32>
    %select_n3A_1132 = arith.select %ge3A_1129, %broadcast_in_dim3A_1131, %select_n3A_1128 : vector<16xi1>, vector<16xf32>
    %sub3A_1133 = arith.subf %max3A_1098, %max3A_1009 : vector<16xf32>
    %exp3A_1134 = math.exp %sub3A_1133 : vector<16xf32>
    %add3A_1135 = arith.constant 1.000000e+00 : f32
    %add3A_1136 = vector.broadcast %add3A_1135 : f32 to vector<16xf32>
    %add3A_1137 = arith.addf %add3A_1136, %exp3A_1134 : vector<16xf32>
    %div3A_1138 = arith.constant 1.000000e+00 : f32
    %div3A_1139 = vector.broadcast %div3A_1138 : f32 to vector<16xf32>
    %div3A_1140 = arith.divf %div3A_1139, %add3A_1137 : vector<16xf32>
    %add3A_1141 = arith.constant 1.000000e+00 : f32
    %add3A_1142 = vector.broadcast %add3A_1141 : f32 to vector<16xf32>
    %add3A_1143 = arith.addf %add3A_1142, %exp3A_1134 : vector<16xf32>
    %div3A_1144 = arith.divf %exp3A_1134, %add3A_1143 : vector<16xf32>
    %iota3A_1145 = tpu.iota {dimensions = array<i32: 0>} : vector<16xi32>
    %add3A_1146 = arith.constant 64 : i32
    %add3A_1147 = arith.addi %mul3A_2, %add3A_1146 : i32
    %add3A_1148 = vector.broadcast %add3A_1147 : i32 to vector<16xi32>
    %add3A_1149 = arith.addi %iota3A_1145, %add3A_1148 : vector<16xi32>
    %broadcast_in_dim3A_1150 = arith.constant 1.000000e+00 : f32
    %broadcast_in_dim3A_1151 = vector.broadcast %broadcast_in_dim3A_1150 : f32 to vector<16xf32>
    %eq3A_1152 = arith.constant 2048 : i32
    %eq3A_1153 = vector.broadcast %eq3A_1152 : i32 to vector<16xi32>
    %eq3A_1154 = arith.cmpi eq, %add3A_1149, %eq3A_1153 : vector<16xi32>
    %jit3A_1155 = arith.constant 0.000000e+00 : f32
    %broadcast_in_dim3A_1156 = vector.broadcast %jit3A_1155 : f32 to vector<16xf32>
    %select_n3A_1157 = arith.select %eq3A_1154, %broadcast_in_dim3A_1156, %broadcast_in_dim3A_1151 : vector<16xi1>, vector<16xf32>
    %swap3A_1158 = arith.constant 0 : i32
    %swap3A_1159 = arith.index_cast %swap3A_1158 : i32 to index
    %swap3A_1160 = arith.constant 64 : index
    %swap3A_1161 = tpu.vector_load %arg5[%swap3A_1159, %swap3A_1160] {strides = array<i32>} : memref<8x128xf32, #tpu.memory_space<vmem>>, vector<1x16xf32>,
    %swap3A_1162 = vector.shape_cast %swap3A_1161 : vector<1x16xf32> to vector<16xf32>
    %swap3A_1163 = vector.shape_cast %div3A_1140 : vector<16xf32> to vector<1x16xf32>
    tpu.vector_store %arg5[%swap3A_1159, %swap3A_1160], %swap3A_1163 {strides = array<i32>} : memref<8x128xf32, #tpu.memory_space<vmem>>, vector<1x16xf32>,
    %swap3A_1164 = arith.constant 1 : i32
    %swap3A_1165 = arith.index_cast %swap3A_1164 : i32 to index
    %swap3A_1166 = arith.constant 64 : index
    %swap3A_1167 = tpu.vector_load %arg5[%swap3A_1165, %swap3A_1166] {strides = array<i32>} : memref<8x128xf32, #tpu.memory_space<vmem>>, vector<1x16xf32>,
    %swap3A_1168 = vector.shape_cast %swap3A_1167 : vector<1x16xf32> to vector<16xf32>
    %swap3A_1169 = vector.shape_cast %div3A_1144 : vector<16xf32> to vector<1x16xf32>
    tpu.vector_store %arg5[%swap3A_1165, %swap3A_1166], %swap3A_1169 {strides = array<i32>} : memref<8x128xf32, #tpu.memory_space<vmem>>, vector<1x16xf32>,
    %swap3A_1170 = arith.constant 2 : i32
    %swap3A_1171 = arith.index_cast %swap3A_1170 : i32 to index
    %swap3A_1172 = arith.constant 64 : index
    %swap3A_1173 = tpu.vector_load %arg5[%swap3A_1171, %swap3A_1172] {strides = array<i32>} : memref<8x128xf32, #tpu.memory_space<vmem>>, vector<1x16xf32>,
    %swap3A_1174 = vector.shape_cast %swap3A_1173 : vector<1x16xf32> to vector<16xf32>
    %swap3A_1175 = vector.shape_cast %select_n3A_1043 : vector<16xf32> to vector<1x16xf32>
    tpu.vector_store %arg5[%swap3A_1171, %swap3A_1172], %swap3A_1175 {strides = array<i32>} : memref<8x128xf32, #tpu.memory_space<vmem>>, vector<1x16xf32>,
    %swap3A_1176 = arith.constant 3 : i32
    %swap3A_1177 = arith.index_cast %swap3A_1176 : i32 to index
    %swap3A_1178 = arith.constant 64 : index
    %swap3A_1179 = tpu.vector_load %arg5[%swap3A_1177, %swap3A_1178] {strides = array<i32>} : memref<8x128xf32, #tpu.memory_space<vmem>>, vector<1x16xf32>,
    %swap3A_1180 = vector.shape_cast %swap3A_1179 : vector<1x16xf32> to vector<16xf32>
    %swap3A_1181 = vector.shape_cast %select_n3A_1132 : vector<16xf32> to vector<1x16xf32>
    tpu.vector_store %arg5[%swap3A_1177, %swap3A_1178], %swap3A_1181 {strides = array<i32>} : memref<8x128xf32, #tpu.memory_space<vmem>>, vector<1x16xf32>,
    %swap3A_1182 = arith.constant 4 : i32
    %swap3A_1183 = arith.index_cast %swap3A_1182 : i32 to index
    %swap3A_1184 = arith.constant 64 : index
    %swap3A_1185 = tpu.vector_load %arg5[%swap3A_1183, %swap3A_1184] {strides = array<i32>} : memref<8x128xf32, #tpu.memory_space<vmem>>, vector<1x16xf32>,
    %swap3A_1186 = vector.shape_cast %swap3A_1185 : vector<1x16xf32> to vector<16xf32>
    %swap3A_1187 = vector.shape_cast %select_n3A_1157 : vector<16xf32> to vector<1x16xf32>
    tpu.vector_store %arg5[%swap3A_1183, %swap3A_1184], %swap3A_1187 {strides = array<i32>} : memref<8x128xf32, #tpu.memory_space<vmem>>, vector<1x16xf32>,
    %swap3A_1188 = arith.constant 5 : i32
    %swap3A_1189 = arith.index_cast %swap3A_1188 : i32 to index
    %swap3A_1190 = arith.constant 64 : index
    %swap3A_1191 = tpu.vector_load %arg5[%swap3A_1189, %swap3A_1190] {strides = array<i32>} : memref<8x128xf32, #tpu.memory_space<vmem>>, vector<1x16xf32>,
    %swap3A_1192 = vector.shape_cast %swap3A_1191 : vector<1x16xf32> to vector<16xf32>
    %swap3A_1193 = vector.shape_cast %div3A_1140 : vector<16xf32> to vector<1x16xf32>
    tpu.vector_store %arg5[%swap3A_1189, %swap3A_1190], %swap3A_1193 {strides = array<i32>} : memref<8x128xf32, #tpu.memory_space<vmem>>, vector<1x16xf32>,
    %swap3A_1194 = arith.constant 6 : i32
    %swap3A_1195 = arith.index_cast %swap3A_1194 : i32 to index
    %swap3A_1196 = arith.constant 64 : index
    %swap3A_1197 = tpu.vector_load %arg5[%swap3A_1195, %swap3A_1196] {strides = array<i32>} : memref<8x128xf32, #tpu.memory_space<vmem>>, vector<1x16xf32>,
    %swap3A_1198 = vector.shape_cast %swap3A_1197 : vector<1x16xf32> to vector<16xf32>
    %swap3A_1199 = vector.shape_cast %div3A_1140 : vector<16xf32> to vector<1x16xf32>
    tpu.vector_store %arg5[%swap3A_1195, %swap3A_1196], %swap3A_1199 {strides = array<i32>} : memref<8x128xf32, #tpu.memory_space<vmem>>, vector<1x16xf32>,
    %swap3A_1200 = arith.constant 7 : i32
    %swap3A_1201 = arith.index_cast %swap3A_1200 : i32 to index
    %swap3A_1202 = arith.constant 64 : index
    %swap3A_1203 = tpu.vector_load %arg5[%swap3A_1201, %swap3A_1202] {strides = array<i32>} : memref<8x128xf32, #tpu.memory_space<vmem>>, vector<1x16xf32>,
    %swap3A_1204 = vector.shape_cast %swap3A_1203 : vector<1x16xf32> to vector<16xf32>
    %swap3A_1205 = vector.shape_cast %div3A_1140 : vector<16xf32> to vector<1x16xf32>
    tpu.vector_store %arg5[%swap3A_1201, %swap3A_1202], %swap3A_1205 {strides = array<i32>} : memref<8x128xf32, #tpu.memory_space<vmem>>, vector<1x16xf32>,
    %get3A_1206 = arith.constant 0 : i32
    %get3A_1207 = arith.index_cast %get3A_1206 : i32 to index
    %get3A_1208 = arith.constant 80 : index
    %get3A_1209 = tpu.vector_load %arg4[%get3A_1207, %get3A_1208] {strides = array<i32>} : memref<8x128xf32, #tpu.memory_space<vmem>>, vector<1x16xf32>,
    %get3A_1210 = vector.shape_cast %get3A_1209 : vector<1x16xf32> to vector<16xf32>
    %get3A_1211 = arith.constant 1 : i32
    %get3A_1212 = arith.index_cast %get3A_1211 : i32 to index
    %get3A_1213 = arith.constant 80 : index
    %get3A_1214 = tpu.vector_load %arg4[%get3A_1212, %get3A_1213] {strides = array<i32>} : memref<8x128xf32, #tpu.memory_space<vmem>>, vector<1x16xf32>,
    %get3A_1215 = vector.shape_cast %get3A_1214 : vector<1x16xf32> to vector<16xf32>
    %get3A_1216 = arith.constant 2 : i32
    %get3A_1217 = arith.index_cast %get3A_1216 : i32 to index
    %get3A_1218 = arith.constant 80 : index
    %get3A_1219 = tpu.vector_load %arg4[%get3A_1217, %get3A_1218] {strides = array<i32>} : memref<8x128xf32, #tpu.memory_space<vmem>>, vector<1x16xf32>,
    %get3A_1220 = vector.shape_cast %get3A_1219 : vector<1x16xf32> to vector<16xf32>
    %get3A_1221 = arith.constant 3 : i32
    %get3A_1222 = arith.index_cast %get3A_1221 : i32 to index
    %get3A_1223 = arith.constant 80 : index
    %get3A_1224 = tpu.vector_load %arg4[%get3A_1222, %get3A_1223] {strides = array<i32>} : memref<8x128xf32, #tpu.memory_space<vmem>>, vector<1x16xf32>,
    %get3A_1225 = vector.shape_cast %get3A_1224 : vector<1x16xf32> to vector<16xf32>
    %get3A_1226 = arith.constant 4 : i32
    %get3A_1227 = arith.index_cast %get3A_1226 : i32 to index
    %get3A_1228 = arith.constant 80 : index
    %get3A_1229 = tpu.vector_load %arg4[%get3A_1227, %get3A_1228] {strides = array<i32>} : memref<8x128xf32, #tpu.memory_space<vmem>>, vector<1x16xf32>,
    %get3A_1230 = vector.shape_cast %get3A_1229 : vector<1x16xf32> to vector<16xf32>
    %get3A_1231 = arith.constant 5 : i32
    %get3A_1232 = arith.index_cast %get3A_1231 : i32 to index
    %get3A_1233 = arith.constant 80 : index
    %get3A_1234 = tpu.vector_load %arg4[%get3A_1232, %get3A_1233] {strides = array<i32>} : memref<8x128xf32, #tpu.memory_space<vmem>>, vector<1x16xf32>,
    %get3A_1235 = vector.shape_cast %get3A_1234 : vector<1x16xf32> to vector<16xf32>
    %get3A_1236 = arith.constant 6 : i32
    %get3A_1237 = arith.index_cast %get3A_1236 : i32 to index
    %get3A_1238 = arith.constant 80 : index
    %get3A_1239 = tpu.vector_load %arg4[%get3A_1237, %get3A_1238] {strides = array<i32>} : memref<8x128xf32, #tpu.memory_space<vmem>>, vector<1x16xf32>,
    %get3A_1240 = vector.shape_cast %get3A_1239 : vector<1x16xf32> to vector<16xf32>
    %get3A_1241 = arith.constant 7 : i32
    %get3A_1242 = arith.index_cast %get3A_1241 : i32 to index
    %get3A_1243 = arith.constant 80 : index
    %get3A_1244 = tpu.vector_load %arg4[%get3A_1242, %get3A_1243] {strides = array<i32>} : memref<8x128xf32, #tpu.memory_space<vmem>>, vector<1x16xf32>,
    %get3A_1245 = vector.shape_cast %get3A_1244 : vector<1x16xf32> to vector<16xf32>
    %max3A_1246 = arith.maximumf %get3A_1210, %get3A_1215 : vector<16xf32>
    %max3A_1247 = arith.maximumf %max3A_1246, %get3A_1220 : vector<16xf32>
    %max3A_1248 = arith.maximumf %max3A_1247, %get3A_1225 : vector<16xf32>
    %max3A_1249 = arith.maximumf %max3A_1248, %get3A_1230 : vector<16xf32>
    %max3A_1250 = arith.maximumf %max3A_1249, %get3A_1235 : vector<16xf32>
    %max3A_1251 = arith.maximumf %max3A_1250, %get3A_1240 : vector<16xf32>
    %max3A_1252 = arith.maximumf %max3A_1251, %get3A_1245 : vector<16xf32>
    %broadcast_in_dim3A_1253 = arith.constant 8.000000e+00 : f32
    %broadcast_in_dim3A_1254 = vector.broadcast %broadcast_in_dim3A_1253 : f32 to vector<16xf32>
    %ge3A_1255 = arith.cmpf oge, %get3A_1245, %max3A_1252 : vector<16xf32>
    %jit3A_1256 = arith.constant 7.000000e+00 : f32
    %broadcast_in_dim3A_1257 = vector.broadcast %jit3A_1256 : f32 to vector<16xf32>
    %select_n3A_1258 = arith.select %ge3A_1255, %broadcast_in_dim3A_1257, %broadcast_in_dim3A_1254 : vector<16xi1>, vector<16xf32>
    %ge3A_1259 = arith.cmpf oge, %get3A_1240, %max3A_1252 : vector<16xf32>
    %jit3A_1260 = arith.constant 6.000000e+00 : f32
    %broadcast_in_dim3A_1261 = vector.broadcast %jit3A_1260 : f32 to vector<16xf32>
    %select_n3A_1262 = arith.select %ge3A_1259, %broadcast_in_dim3A_1261, %select_n3A_1258 : vector<16xi1>, vector<16xf32>
    %ge3A_1263 = arith.cmpf oge, %get3A_1235, %max3A_1252 : vector<16xf32>
    %jit3A_1264 = arith.constant 5.000000e+00 : f32
    %broadcast_in_dim3A_1265 = vector.broadcast %jit3A_1264 : f32 to vector<16xf32>
    %select_n3A_1266 = arith.select %ge3A_1263, %broadcast_in_dim3A_1265, %select_n3A_1262 : vector<16xi1>, vector<16xf32>
    %ge3A_1267 = arith.cmpf oge, %get3A_1230, %max3A_1252 : vector<16xf32>
    %jit3A_1268 = arith.constant 4.000000e+00 : f32
    %broadcast_in_dim3A_1269 = vector.broadcast %jit3A_1268 : f32 to vector<16xf32>
    %select_n3A_1270 = arith.select %ge3A_1267, %broadcast_in_dim3A_1269, %select_n3A_1266 : vector<16xi1>, vector<16xf32>
    %ge3A_1271 = arith.cmpf oge, %get3A_1225, %max3A_1252 : vector<16xf32>
    %jit3A_1272 = arith.constant 3.000000e+00 : f32
    %broadcast_in_dim3A_1273 = vector.broadcast %jit3A_1272 : f32 to vector<16xf32>
    %select_n3A_1274 = arith.select %ge3A_1271, %broadcast_in_dim3A_1273, %select_n3A_1270 : vector<16xi1>, vector<16xf32>
    %ge3A_1275 = arith.cmpf oge, %get3A_1220, %max3A_1252 : vector<16xf32>
    %jit3A_1276 = arith.constant 2.000000e+00 : f32
    %broadcast_in_dim3A_1277 = vector.broadcast %jit3A_1276 : f32 to vector<16xf32>
    %select_n3A_1278 = arith.select %ge3A_1275, %broadcast_in_dim3A_1277, %select_n3A_1274 : vector<16xi1>, vector<16xf32>
    %ge3A_1279 = arith.cmpf oge, %get3A_1215, %max3A_1252 : vector<16xf32>
    %jit3A_1280 = arith.constant 1.000000e+00 : f32
    %broadcast_in_dim3A_1281 = vector.broadcast %jit3A_1280 : f32 to vector<16xf32>
    %select_n3A_1282 = arith.select %ge3A_1279, %broadcast_in_dim3A_1281, %select_n3A_1278 : vector<16xi1>, vector<16xf32>
    %ge3A_1283 = arith.cmpf oge, %get3A_1210, %max3A_1252 : vector<16xf32>
    %jit3A_1284 = arith.constant 0.000000e+00 : f32
    %broadcast_in_dim3A_1285 = vector.broadcast %jit3A_1284 : f32 to vector<16xf32>
    %select_n3A_1286 = arith.select %ge3A_1283, %broadcast_in_dim3A_1285, %select_n3A_1282 : vector<16xi1>, vector<16xf32>
    %eq3A_1287 = arith.constant 0.000000e+00 : f32
    %eq3A_1288 = vector.broadcast %eq3A_1287 : f32 to vector<16xf32>
    %eq3A_1289 = arith.cmpf oeq, %select_n3A_1286, %eq3A_1288 : vector<16xf32>
    %jit3A_1290 = arith.constant -1.000000e+30 : f32
    %broadcast_in_dim3A_1291 = vector.broadcast %jit3A_1290 : f32 to vector<16xf32>
    %select_n3A_1292 = arith.select %eq3A_1289, %broadcast_in_dim3A_1291, %get3A_1210 : vector<16xi1>, vector<16xf32>
    %eq3A_1293 = arith.constant 1.000000e+00 : f32
    %eq3A_1294 = vector.broadcast %eq3A_1293 : f32 to vector<16xf32>
    %eq3A_1295 = arith.cmpf oeq, %select_n3A_1286, %eq3A_1294 : vector<16xf32>
    %jit3A_1296 = arith.constant -1.000000e+30 : f32
    %broadcast_in_dim3A_1297 = vector.broadcast %jit3A_1296 : f32 to vector<16xf32>
    %select_n3A_1298 = arith.select %eq3A_1295, %broadcast_in_dim3A_1297, %get3A_1215 : vector<16xi1>, vector<16xf32>
    %eq3A_1299 = arith.constant 2.000000e+00 : f32
    %eq3A_1300 = vector.broadcast %eq3A_1299 : f32 to vector<16xf32>
    %eq3A_1301 = arith.cmpf oeq, %select_n3A_1286, %eq3A_1300 : vector<16xf32>
    %jit3A_1302 = arith.constant -1.000000e+30 : f32
    %broadcast_in_dim3A_1303 = vector.broadcast %jit3A_1302 : f32 to vector<16xf32>
    %select_n3A_1304 = arith.select %eq3A_1301, %broadcast_in_dim3A_1303, %get3A_1220 : vector<16xi1>, vector<16xf32>
    %eq3A_1305 = arith.constant 3.000000e+00 : f32
    %eq3A_1306 = vector.broadcast %eq3A_1305 : f32 to vector<16xf32>
    %eq3A_1307 = arith.cmpf oeq, %select_n3A_1286, %eq3A_1306 : vector<16xf32>
    %jit3A_1308 = arith.constant -1.000000e+30 : f32
    %broadcast_in_dim3A_1309 = vector.broadcast %jit3A_1308 : f32 to vector<16xf32>
    %select_n3A_1310 = arith.select %eq3A_1307, %broadcast_in_dim3A_1309, %get3A_1225 : vector<16xi1>, vector<16xf32>
    %eq3A_1311 = arith.constant 4.000000e+00 : f32
    %eq3A_1312 = vector.broadcast %eq3A_1311 : f32 to vector<16xf32>
    %eq3A_1313 = arith.cmpf oeq, %select_n3A_1286, %eq3A_1312 : vector<16xf32>
    %jit3A_1314 = arith.constant -1.000000e+30 : f32
    %broadcast_in_dim3A_1315 = vector.broadcast %jit3A_1314 : f32 to vector<16xf32>
    %select_n3A_1316 = arith.select %eq3A_1313, %broadcast_in_dim3A_1315, %get3A_1230 : vector<16xi1>, vector<16xf32>
    %eq3A_1317 = arith.constant 5.000000e+00 : f32
    %eq3A_1318 = vector.broadcast %eq3A_1317 : f32 to vector<16xf32>
    %eq3A_1319 = arith.cmpf oeq, %select_n3A_1286, %eq3A_1318 : vector<16xf32>
    %jit3A_1320 = arith.constant -1.000000e+30 : f32
    %broadcast_in_dim3A_1321 = vector.broadcast %jit3A_1320 : f32 to vector<16xf32>
    %select_n3A_1322 = arith.select %eq3A_1319, %broadcast_in_dim3A_1321, %get3A_1235 : vector<16xi1>, vector<16xf32>
    %eq3A_1323 = arith.constant 6.000000e+00 : f32
    %eq3A_1324 = vector.broadcast %eq3A_1323 : f32 to vector<16xf32>
    %eq3A_1325 = arith.cmpf oeq, %select_n3A_1286, %eq3A_1324 : vector<16xf32>
    %jit3A_1326 = arith.constant -1.000000e+30 : f32
    %broadcast_in_dim3A_1327 = vector.broadcast %jit3A_1326 : f32 to vector<16xf32>
    %select_n3A_1328 = arith.select %eq3A_1325, %broadcast_in_dim3A_1327, %get3A_1240 : vector<16xi1>, vector<16xf32>
    %eq3A_1329 = arith.constant 7.000000e+00 : f32
    %eq3A_1330 = vector.broadcast %eq3A_1329 : f32 to vector<16xf32>
    %eq3A_1331 = arith.cmpf oeq, %select_n3A_1286, %eq3A_1330 : vector<16xf32>
    %jit3A_1332 = arith.constant -1.000000e+30 : f32
    %broadcast_in_dim3A_1333 = vector.broadcast %jit3A_1332 : f32 to vector<16xf32>
    %select_n3A_1334 = arith.select %eq3A_1331, %broadcast_in_dim3A_1333, %get3A_1245 : vector<16xi1>, vector<16xf32>
    %max3A_1335 = arith.maximumf %select_n3A_1292, %select_n3A_1298 : vector<16xf32>
    %max3A_1336 = arith.maximumf %max3A_1335, %select_n3A_1304 : vector<16xf32>
    %max3A_1337 = arith.maximumf %max3A_1336, %select_n3A_1310 : vector<16xf32>
    %max3A_1338 = arith.maximumf %max3A_1337, %select_n3A_1316 : vector<16xf32>
    %max3A_1339 = arith.maximumf %max3A_1338, %select_n3A_1322 : vector<16xf32>
    %max3A_1340 = arith.maximumf %max3A_1339, %select_n3A_1328 : vector<16xf32>
    %max3A_1341 = arith.maximumf %max3A_1340, %select_n3A_1334 : vector<16xf32>
    %broadcast_in_dim3A_1342 = arith.constant 8.000000e+00 : f32
    %broadcast_in_dim3A_1343 = vector.broadcast %broadcast_in_dim3A_1342 : f32 to vector<16xf32>
    %ge3A_1344 = arith.cmpf oge, %select_n3A_1334, %max3A_1341 : vector<16xf32>
    %jit3A_1345 = arith.constant 7.000000e+00 : f32
    %broadcast_in_dim3A_1346 = vector.broadcast %jit3A_1345 : f32 to vector<16xf32>
    %select_n3A_1347 = arith.select %ge3A_1344, %broadcast_in_dim3A_1346, %broadcast_in_dim3A_1343 : vector<16xi1>, vector<16xf32>
    %ge3A_1348 = arith.cmpf oge, %select_n3A_1328, %max3A_1341 : vector<16xf32>
    %jit3A_1349 = arith.constant 6.000000e+00 : f32
    %broadcast_in_dim3A_1350 = vector.broadcast %jit3A_1349 : f32 to vector<16xf32>
    %select_n3A_1351 = arith.select %ge3A_1348, %broadcast_in_dim3A_1350, %select_n3A_1347 : vector<16xi1>, vector<16xf32>
    %ge3A_1352 = arith.cmpf oge, %select_n3A_1322, %max3A_1341 : vector<16xf32>
    %jit3A_1353 = arith.constant 5.000000e+00 : f32
    %broadcast_in_dim3A_1354 = vector.broadcast %jit3A_1353 : f32 to vector<16xf32>
    %select_n3A_1355 = arith.select %ge3A_1352, %broadcast_in_dim3A_1354, %select_n3A_1351 : vector<16xi1>, vector<16xf32>
    %ge3A_1356 = arith.cmpf oge, %select_n3A_1316, %max3A_1341 : vector<16xf32>
    %jit3A_1357 = arith.constant 4.000000e+00 : f32
    %broadcast_in_dim3A_1358 = vector.broadcast %jit3A_1357 : f32 to vector<16xf32>
    %select_n3A_1359 = arith.select %ge3A_1356, %broadcast_in_dim3A_1358, %select_n3A_1355 : vector<16xi1>, vector<16xf32>
    %ge3A_1360 = arith.cmpf oge, %select_n3A_1310, %max3A_1341 : vector<16xf32>
    %jit3A_1361 = arith.constant 3.000000e+00 : f32
    %broadcast_in_dim3A_1362 = vector.broadcast %jit3A_1361 : f32 to vector<16xf32>
    %select_n3A_1363 = arith.select %ge3A_1360, %broadcast_in_dim3A_1362, %select_n3A_1359 : vector<16xi1>, vector<16xf32>
    %ge3A_1364 = arith.cmpf oge, %select_n3A_1304, %max3A_1341 : vector<16xf32>
    %jit3A_1365 = arith.constant 2.000000e+00 : f32
    %broadcast_in_dim3A_1366 = vector.broadcast %jit3A_1365 : f32 to vector<16xf32>
    %select_n3A_1367 = arith.select %ge3A_1364, %broadcast_in_dim3A_1366, %select_n3A_1363 : vector<16xi1>, vector<16xf32>
    %ge3A_1368 = arith.cmpf oge, %select_n3A_1298, %max3A_1341 : vector<16xf32>
    %jit3A_1369 = arith.constant 1.000000e+00 : f32
    %broadcast_in_dim3A_1370 = vector.broadcast %jit3A_1369 : f32 to vector<16xf32>
    %select_n3A_1371 = arith.select %ge3A_1368, %broadcast_in_dim3A_1370, %select_n3A_1367 : vector<16xi1>, vector<16xf32>
    %ge3A_1372 = arith.cmpf oge, %select_n3A_1292, %max3A_1341 : vector<16xf32>
    %jit3A_1373 = arith.constant 0.000000e+00 : f32
    %broadcast_in_dim3A_1374 = vector.broadcast %jit3A_1373 : f32 to vector<16xf32>
    %select_n3A_1375 = arith.select %ge3A_1372, %broadcast_in_dim3A_1374, %select_n3A_1371 : vector<16xi1>, vector<16xf32>
    %sub3A_1376 = arith.subf %max3A_1341, %max3A_1252 : vector<16xf32>
    %exp3A_1377 = math.exp %sub3A_1376 : vector<16xf32>
    %add3A_1378 = arith.constant 1.000000e+00 : f32
    %add3A_1379 = vector.broadcast %add3A_1378 : f32 to vector<16xf32>
    %add3A_1380 = arith.addf %add3A_1379, %exp3A_1377 : vector<16xf32>
    %div3A_1381 = arith.constant 1.000000e+00 : f32
    %div3A_1382 = vector.broadcast %div3A_1381 : f32 to vector<16xf32>
    %div3A_1383 = arith.divf %div3A_1382, %add3A_1380 : vector<16xf32>
    %add3A_1384 = arith.constant 1.000000e+00 : f32
    %add3A_1385 = vector.broadcast %add3A_1384 : f32 to vector<16xf32>
    %add3A_1386 = arith.addf %add3A_1385, %exp3A_1377 : vector<16xf32>
    %div3A_1387 = arith.divf %exp3A_1377, %add3A_1386 : vector<16xf32>
    %iota3A_1388 = tpu.iota {dimensions = array<i32: 0>} : vector<16xi32>
    %add3A_1389 = arith.constant 80 : i32
    %add3A_1390 = arith.addi %mul3A_2, %add3A_1389 : i32
    %add3A_1391 = vector.broadcast %add3A_1390 : i32 to vector<16xi32>
    %add3A_1392 = arith.addi %iota3A_1388, %add3A_1391 : vector<16xi32>
    %broadcast_in_dim3A_1393 = arith.constant 1.000000e+00 : f32
    %broadcast_in_dim3A_1394 = vector.broadcast %broadcast_in_dim3A_1393 : f32 to vector<16xf32>
    %eq3A_1395 = arith.constant 2048 : i32
    %eq3A_1396 = vector.broadcast %eq3A_1395 : i32 to vector<16xi32>
    %eq3A_1397 = arith.cmpi eq, %add3A_1392, %eq3A_1396 : vector<16xi32>
    %jit3A_1398 = arith.constant 0.000000e+00 : f32
    %broadcast_in_dim3A_1399 = vector.broadcast %jit3A_1398 : f32 to vector<16xf32>
    %select_n3A_1400 = arith.select %eq3A_1397, %broadcast_in_dim3A_1399, %broadcast_in_dim3A_1394 : vector<16xi1>, vector<16xf32>
    %swap3A_1401 = arith.constant 0 : i32
    %swap3A_1402 = arith.index_cast %swap3A_1401 : i32 to index
    %swap3A_1403 = arith.constant 80 : index
    %swap3A_1404 = tpu.vector_load %arg5[%swap3A_1402, %swap3A_1403] {strides = array<i32>} : memref<8x128xf32, #tpu.memory_space<vmem>>, vector<1x16xf32>,
    %swap3A_1405 = vector.shape_cast %swap3A_1404 : vector<1x16xf32> to vector<16xf32>
    %swap3A_1406 = vector.shape_cast %div3A_1383 : vector<16xf32> to vector<1x16xf32>
    tpu.vector_store %arg5[%swap3A_1402, %swap3A_1403], %swap3A_1406 {strides = array<i32>} : memref<8x128xf32, #tpu.memory_space<vmem>>, vector<1x16xf32>,
    %swap3A_1407 = arith.constant 1 : i32
    %swap3A_1408 = arith.index_cast %swap3A_1407 : i32 to index
    %swap3A_1409 = arith.constant 80 : index
    %swap3A_1410 = tpu.vector_load %arg5[%swap3A_1408, %swap3A_1409] {strides = array<i32>} : memref<8x128xf32, #tpu.memory_space<vmem>>, vector<1x16xf32>,
    %swap3A_1411 = vector.shape_cast %swap3A_1410 : vector<1x16xf32> to vector<16xf32>
    %swap3A_1412 = vector.shape_cast %div3A_1387 : vector<16xf32> to vector<1x16xf32>
    tpu.vector_store %arg5[%swap3A_1408, %swap3A_1409], %swap3A_1412 {strides = array<i32>} : memref<8x128xf32, #tpu.memory_space<vmem>>, vector<1x16xf32>,
    %swap3A_1413 = arith.constant 2 : i32
    %swap3A_1414 = arith.index_cast %swap3A_1413 : i32 to index
    %swap3A_1415 = arith.constant 80 : index
    %swap3A_1416 = tpu.vector_load %arg5[%swap3A_1414, %swap3A_1415] {strides = array<i32>} : memref<8x128xf32, #tpu.memory_space<vmem>>, vector<1x16xf32>,
    %swap3A_1417 = vector.shape_cast %swap3A_1416 : vector<1x16xf32> to vector<16xf32>
    %swap3A_1418 = vector.shape_cast %select_n3A_1286 : vector<16xf32> to vector<1x16xf32>
    tpu.vector_store %arg5[%swap3A_1414, %swap3A_1415], %swap3A_1418 {strides = array<i32>} : memref<8x128xf32, #tpu.memory_space<vmem>>, vector<1x16xf32>,
    %swap3A_1419 = arith.constant 3 : i32
    %swap3A_1420 = arith.index_cast %swap3A_1419 : i32 to index
    %swap3A_1421 = arith.constant 80 : index
    %swap3A_1422 = tpu.vector_load %arg5[%swap3A_1420, %swap3A_1421] {strides = array<i32>} : memref<8x128xf32, #tpu.memory_space<vmem>>, vector<1x16xf32>,
    %swap3A_1423 = vector.shape_cast %swap3A_1422 : vector<1x16xf32> to vector<16xf32>
    %swap3A_1424 = vector.shape_cast %select_n3A_1375 : vector<16xf32> to vector<1x16xf32>
    tpu.vector_store %arg5[%swap3A_1420, %swap3A_1421], %swap3A_1424 {strides = array<i32>} : memref<8x128xf32, #tpu.memory_space<vmem>>, vector<1x16xf32>,
    %swap3A_1425 = arith.constant 4 : i32
    %swap3A_1426 = arith.index_cast %swap3A_1425 : i32 to index
    %swap3A_1427 = arith.constant 80 : index
    %swap3A_1428 = tpu.vector_load %arg5[%swap3A_1426, %swap3A_1427] {strides = array<i32>} : memref<8x128xf32, #tpu.memory_space<vmem>>, vector<1x16xf32>,
    %swap3A_1429 = vector.shape_cast %swap3A_1428 : vector<1x16xf32> to vector<16xf32>
    %swap3A_1430 = vector.shape_cast %select_n3A_1400 : vector<16xf32> to vector<1x16xf32>
    tpu.vector_store %arg5[%swap3A_1426, %swap3A_1427], %swap3A_1430 {strides = array<i32>} : memref<8x128xf32, #tpu.memory_space<vmem>>, vector<1x16xf32>,
    %swap3A_1431 = arith.constant 5 : i32
    %swap3A_1432 = arith.index_cast %swap3A_1431 : i32 to index
    %swap3A_1433 = arith.constant 80 : index
    %swap3A_1434 = tpu.vector_load %arg5[%swap3A_1432, %swap3A_1433] {strides = array<i32>} : memref<8x128xf32, #tpu.memory_space<vmem>>, vector<1x16xf32>,
    %swap3A_1435 = vector.shape_cast %swap3A_1434 : vector<1x16xf32> to vector<16xf32>
    %swap3A_1436 = vector.shape_cast %div3A_1383 : vector<16xf32> to vector<1x16xf32>
    tpu.vector_store %arg5[%swap3A_1432, %swap3A_1433], %swap3A_1436 {strides = array<i32>} : memref<8x128xf32, #tpu.memory_space<vmem>>, vector<1x16xf32>,
    %swap3A_1437 = arith.constant 6 : i32
    %swap3A_1438 = arith.index_cast %swap3A_1437 : i32 to index
    %swap3A_1439 = arith.constant 80 : index
    %swap3A_1440 = tpu.vector_load %arg5[%swap3A_1438, %swap3A_1439] {strides = array<i32>} : memref<8x128xf32, #tpu.memory_space<vmem>>, vector<1x16xf32>,
    %swap3A_1441 = vector.shape_cast %swap3A_1440 : vector<1x16xf32> to vector<16xf32>
    %swap3A_1442 = vector.shape_cast %div3A_1383 : vector<16xf32> to vector<1x16xf32>
    tpu.vector_store %arg5[%swap3A_1438, %swap3A_1439], %swap3A_1442 {strides = array<i32>} : memref<8x128xf32, #tpu.memory_space<vmem>>, vector<1x16xf32>,
    %swap3A_1443 = arith.constant 7 : i32
    %swap3A_1444 = arith.index_cast %swap3A_1443 : i32 to index
    %swap3A_1445 = arith.constant 80 : index
    %swap3A_1446 = tpu.vector_load %arg5[%swap3A_1444, %swap3A_1445] {strides = array<i32>} : memref<8x128xf32, #tpu.memory_space<vmem>>, vector<1x16xf32>,
    %swap3A_1447 = vector.shape_cast %swap3A_1446 : vector<1x16xf32> to vector<16xf32>
    %swap3A_1448 = vector.shape_cast %div3A_1383 : vector<16xf32> to vector<1x16xf32>
    tpu.vector_store %arg5[%swap3A_1444, %swap3A_1445], %swap3A_1448 {strides = array<i32>} : memref<8x128xf32, #tpu.memory_space<vmem>>, vector<1x16xf32>,
    %get3A_1449 = arith.constant 0 : i32
    %get3A_1450 = arith.index_cast %get3A_1449 : i32 to index
    %get3A_1451 = arith.constant 96 : index
    %get3A_1452 = tpu.vector_load %arg4[%get3A_1450, %get3A_1451] {strides = array<i32>} : memref<8x128xf32, #tpu.memory_space<vmem>>, vector<1x16xf32>,
    %get3A_1453 = vector.shape_cast %get3A_1452 : vector<1x16xf32> to vector<16xf32>
    %get3A_1454 = arith.constant 1 : i32
    %get3A_1455 = arith.index_cast %get3A_1454 : i32 to index
    %get3A_1456 = arith.constant 96 : index
    %get3A_1457 = tpu.vector_load %arg4[%get3A_1455, %get3A_1456] {strides = array<i32>} : memref<8x128xf32, #tpu.memory_space<vmem>>, vector<1x16xf32>,
    %get3A_1458 = vector.shape_cast %get3A_1457 : vector<1x16xf32> to vector<16xf32>
    %get3A_1459 = arith.constant 2 : i32
    %get3A_1460 = arith.index_cast %get3A_1459 : i32 to index
    %get3A_1461 = arith.constant 96 : index
    %get3A_1462 = tpu.vector_load %arg4[%get3A_1460, %get3A_1461] {strides = array<i32>} : memref<8x128xf32, #tpu.memory_space<vmem>>, vector<1x16xf32>,
    %get3A_1463 = vector.shape_cast %get3A_1462 : vector<1x16xf32> to vector<16xf32>
    %get3A_1464 = arith.constant 3 : i32
    %get3A_1465 = arith.index_cast %get3A_1464 : i32 to index
    %get3A_1466 = arith.constant 96 : index
    %get3A_1467 = tpu.vector_load %arg4[%get3A_1465, %get3A_1466] {strides = array<i32>} : memref<8x128xf32, #tpu.memory_space<vmem>>, vector<1x16xf32>,
    %get3A_1468 = vector.shape_cast %get3A_1467 : vector<1x16xf32> to vector<16xf32>
    %get3A_1469 = arith.constant 4 : i32
    %get3A_1470 = arith.index_cast %get3A_1469 : i32 to index
    %get3A_1471 = arith.constant 96 : index
    %get3A_1472 = tpu.vector_load %arg4[%get3A_1470, %get3A_1471] {strides = array<i32>} : memref<8x128xf32, #tpu.memory_space<vmem>>, vector<1x16xf32>,
    %get3A_1473 = vector.shape_cast %get3A_1472 : vector<1x16xf32> to vector<16xf32>
    %get3A_1474 = arith.constant 5 : i32
    %get3A_1475 = arith.index_cast %get3A_1474 : i32 to index
    %get3A_1476 = arith.constant 96 : index
    %get3A_1477 = tpu.vector_load %arg4[%get3A_1475, %get3A_1476] {strides = array<i32>} : memref<8x128xf32, #tpu.memory_space<vmem>>, vector<1x16xf32>,
    %get3A_1478 = vector.shape_cast %get3A_1477 : vector<1x16xf32> to vector<16xf32>
    %get3A_1479 = arith.constant 6 : i32
    %get3A_1480 = arith.index_cast %get3A_1479 : i32 to index
    %get3A_1481 = arith.constant 96 : index
    %get3A_1482 = tpu.vector_load %arg4[%get3A_1480, %get3A_1481] {strides = array<i32>} : memref<8x128xf32, #tpu.memory_space<vmem>>, vector<1x16xf32>,
    %get3A_1483 = vector.shape_cast %get3A_1482 : vector<1x16xf32> to vector<16xf32>
    %get3A_1484 = arith.constant 7 : i32
    %get3A_1485 = arith.index_cast %get3A_1484 : i32 to index
    %get3A_1486 = arith.constant 96 : index
    %get3A_1487 = tpu.vector_load %arg4[%get3A_1485, %get3A_1486] {strides = array<i32>} : memref<8x128xf32, #tpu.memory_space<vmem>>, vector<1x16xf32>,
    %get3A_1488 = vector.shape_cast %get3A_1487 : vector<1x16xf32> to vector<16xf32>
    %max3A_1489 = arith.maximumf %get3A_1453, %get3A_1458 : vector<16xf32>
    %max3A_1490 = arith.maximumf %max3A_1489, %get3A_1463 : vector<16xf32>
    %max3A_1491 = arith.maximumf %max3A_1490, %get3A_1468 : vector<16xf32>
    %max3A_1492 = arith.maximumf %max3A_1491, %get3A_1473 : vector<16xf32>
    %max3A_1493 = arith.maximumf %max3A_1492, %get3A_1478 : vector<16xf32>
    %max3A_1494 = arith.maximumf %max3A_1493, %get3A_1483 : vector<16xf32>
    %max3A_1495 = arith.maximumf %max3A_1494, %get3A_1488 : vector<16xf32>
    %broadcast_in_dim3A_1496 = arith.constant 8.000000e+00 : f32
    %broadcast_in_dim3A_1497 = vector.broadcast %broadcast_in_dim3A_1496 : f32 to vector<16xf32>
    %ge3A_1498 = arith.cmpf oge, %get3A_1488, %max3A_1495 : vector<16xf32>
    %jit3A_1499 = arith.constant 7.000000e+00 : f32
    %broadcast_in_dim3A_1500 = vector.broadcast %jit3A_1499 : f32 to vector<16xf32>
    %select_n3A_1501 = arith.select %ge3A_1498, %broadcast_in_dim3A_1500, %broadcast_in_dim3A_1497 : vector<16xi1>, vector<16xf32>
    %ge3A_1502 = arith.cmpf oge, %get3A_1483, %max3A_1495 : vector<16xf32>
    %jit3A_1503 = arith.constant 6.000000e+00 : f32
    %broadcast_in_dim3A_1504 = vector.broadcast %jit3A_1503 : f32 to vector<16xf32>
    %select_n3A_1505 = arith.select %ge3A_1502, %broadcast_in_dim3A_1504, %select_n3A_1501 : vector<16xi1>, vector<16xf32>
    %ge3A_1506 = arith.cmpf oge, %get3A_1478, %max3A_1495 : vector<16xf32>
    %jit3A_1507 = arith.constant 5.000000e+00 : f32
    %broadcast_in_dim3A_1508 = vector.broadcast %jit3A_1507 : f32 to vector<16xf32>
    %select_n3A_1509 = arith.select %ge3A_1506, %broadcast_in_dim3A_1508, %select_n3A_1505 : vector<16xi1>, vector<16xf32>
    %ge3A_1510 = arith.cmpf oge, %get3A_1473, %max3A_1495 : vector<16xf32>
    %jit3A_1511 = arith.constant 4.000000e+00 : f32
    %broadcast_in_dim3A_1512 = vector.broadcast %jit3A_1511 : f32 to vector<16xf32>
    %select_n3A_1513 = arith.select %ge3A_1510, %broadcast_in_dim3A_1512, %select_n3A_1509 : vector<16xi1>, vector<16xf32>
    %ge3A_1514 = arith.cmpf oge, %get3A_1468, %max3A_1495 : vector<16xf32>
    %jit3A_1515 = arith.constant 3.000000e+00 : f32
    %broadcast_in_dim3A_1516 = vector.broadcast %jit3A_1515 : f32 to vector<16xf32>
    %select_n3A_1517 = arith.select %ge3A_1514, %broadcast_in_dim3A_1516, %select_n3A_1513 : vector<16xi1>, vector<16xf32>
    %ge3A_1518 = arith.cmpf oge, %get3A_1463, %max3A_1495 : vector<16xf32>
    %jit3A_1519 = arith.constant 2.000000e+00 : f32
    %broadcast_in_dim3A_1520 = vector.broadcast %jit3A_1519 : f32 to vector<16xf32>
    %select_n3A_1521 = arith.select %ge3A_1518, %broadcast_in_dim3A_1520, %select_n3A_1517 : vector<16xi1>, vector<16xf32>
    %ge3A_1522 = arith.cmpf oge, %get3A_1458, %max3A_1495 : vector<16xf32>
    %jit3A_1523 = arith.constant 1.000000e+00 : f32
    %broadcast_in_dim3A_1524 = vector.broadcast %jit3A_1523 : f32 to vector<16xf32>
    %select_n3A_1525 = arith.select %ge3A_1522, %broadcast_in_dim3A_1524, %select_n3A_1521 : vector<16xi1>, vector<16xf32>
    %ge3A_1526 = arith.cmpf oge, %get3A_1453, %max3A_1495 : vector<16xf32>
    %jit3A_1527 = arith.constant 0.000000e+00 : f32
    %broadcast_in_dim3A_1528 = vector.broadcast %jit3A_1527 : f32 to vector<16xf32>
    %select_n3A_1529 = arith.select %ge3A_1526, %broadcast_in_dim3A_1528, %select_n3A_1525 : vector<16xi1>, vector<16xf32>
    %eq3A_1530 = arith.constant 0.000000e+00 : f32
    %eq3A_1531 = vector.broadcast %eq3A_1530 : f32 to vector<16xf32>
    %eq3A_1532 = arith.cmpf oeq, %select_n3A_1529, %eq3A_1531 : vector<16xf32>
    %jit3A_1533 = arith.constant -1.000000e+30 : f32
    %broadcast_in_dim3A_1534 = vector.broadcast %jit3A_1533 : f32 to vector<16xf32>
    %select_n3A_1535 = arith.select %eq3A_1532, %broadcast_in_dim3A_1534, %get3A_1453 : vector<16xi1>, vector<16xf32>
    %eq3A_1536 = arith.constant 1.000000e+00 : f32
    %eq3A_1537 = vector.broadcast %eq3A_1536 : f32 to vector<16xf32>
    %eq3A_1538 = arith.cmpf oeq, %select_n3A_1529, %eq3A_1537 : vector<16xf32>
    %jit3A_1539 = arith.constant -1.000000e+30 : f32
    %broadcast_in_dim3A_1540 = vector.broadcast %jit3A_1539 : f32 to vector<16xf32>
    %select_n3A_1541 = arith.select %eq3A_1538, %broadcast_in_dim3A_1540, %get3A_1458 : vector<16xi1>, vector<16xf32>
    %eq3A_1542 = arith.constant 2.000000e+00 : f32
    %eq3A_1543 = vector.broadcast %eq3A_1542 : f32 to vector<16xf32>
    %eq3A_1544 = arith.cmpf oeq, %select_n3A_1529, %eq3A_1543 : vector<16xf32>
    %jit3A_1545 = arith.constant -1.000000e+30 : f32
    %broadcast_in_dim3A_1546 = vector.broadcast %jit3A_1545 : f32 to vector<16xf32>
    %select_n3A_1547 = arith.select %eq3A_1544, %broadcast_in_dim3A_1546, %get3A_1463 : vector<16xi1>, vector<16xf32>
    %eq3A_1548 = arith.constant 3.000000e+00 : f32
    %eq3A_1549 = vector.broadcast %eq3A_1548 : f32 to vector<16xf32>
    %eq3A_1550 = arith.cmpf oeq, %select_n3A_1529, %eq3A_1549 : vector<16xf32>
    %jit3A_1551 = arith.constant -1.000000e+30 : f32
    %broadcast_in_dim3A_1552 = vector.broadcast %jit3A_1551 : f32 to vector<16xf32>
    %select_n3A_1553 = arith.select %eq3A_1550, %broadcast_in_dim3A_1552, %get3A_1468 : vector<16xi1>, vector<16xf32>
    %eq3A_1554 = arith.constant 4.000000e+00 : f32
    %eq3A_1555 = vector.broadcast %eq3A_1554 : f32 to vector<16xf32>
    %eq3A_1556 = arith.cmpf oeq, %select_n3A_1529, %eq3A_1555 : vector<16xf32>
    %jit3A_1557 = arith.constant -1.000000e+30 : f32
    %broadcast_in_dim3A_1558 = vector.broadcast %jit3A_1557 : f32 to vector<16xf32>
    %select_n3A_1559 = arith.select %eq3A_1556, %broadcast_in_dim3A_1558, %get3A_1473 : vector<16xi1>, vector<16xf32>
    %eq3A_1560 = arith.constant 5.000000e+00 : f32
    %eq3A_1561 = vector.broadcast %eq3A_1560 : f32 to vector<16xf32>
    %eq3A_1562 = arith.cmpf oeq, %select_n3A_1529, %eq3A_1561 : vector<16xf32>
    %jit3A_1563 = arith.constant -1.000000e+30 : f32
    %broadcast_in_dim3A_1564 = vector.broadcast %jit3A_1563 : f32 to vector<16xf32>
    %select_n3A_1565 = arith.select %eq3A_1562, %broadcast_in_dim3A_1564, %get3A_1478 : vector<16xi1>, vector<16xf32>
    %eq3A_1566 = arith.constant 6.000000e+00 : f32
    %eq3A_1567 = vector.broadcast %eq3A_1566 : f32 to vector<16xf32>
    %eq3A_1568 = arith.cmpf oeq, %select_n3A_1529, %eq3A_1567 : vector<16xf32>
    %jit3A_1569 = arith.constant -1.000000e+30 : f32
    %broadcast_in_dim3A_1570 = vector.broadcast %jit3A_1569 : f32 to vector<16xf32>
    %select_n3A_1571 = arith.select %eq3A_1568, %broadcast_in_dim3A_1570, %get3A_1483 : vector<16xi1>, vector<16xf32>
    %eq3A_1572 = arith.constant 7.000000e+00 : f32
    %eq3A_1573 = vector.broadcast %eq3A_1572 : f32 to vector<16xf32>
    %eq3A_1574 = arith.cmpf oeq, %select_n3A_1529, %eq3A_1573 : vector<16xf32>
    %jit3A_1575 = arith.constant -1.000000e+30 : f32
    %broadcast_in_dim3A_1576 = vector.broadcast %jit3A_1575 : f32 to vector<16xf32>
    %select_n3A_1577 = arith.select %eq3A_1574, %broadcast_in_dim3A_1576, %get3A_1488 : vector<16xi1>, vector<16xf32>
    %max3A_1578 = arith.maximumf %select_n3A_1535, %select_n3A_1541 : vector<16xf32>
    %max3A_1579 = arith.maximumf %max3A_1578, %select_n3A_1547 : vector<16xf32>
    %max3A_1580 = arith.maximumf %max3A_1579, %select_n3A_1553 : vector<16xf32>
    %max3A_1581 = arith.maximumf %max3A_1580, %select_n3A_1559 : vector<16xf32>
    %max3A_1582 = arith.maximumf %max3A_1581, %select_n3A_1565 : vector<16xf32>
    %max3A_1583 = arith.maximumf %max3A_1582, %select_n3A_1571 : vector<16xf32>
    %max3A_1584 = arith.maximumf %max3A_1583, %select_n3A_1577 : vector<16xf32>
    %broadcast_in_dim3A_1585 = arith.constant 8.000000e+00 : f32
    %broadcast_in_dim3A_1586 = vector.broadcast %broadcast_in_dim3A_1585 : f32 to vector<16xf32>
    %ge3A_1587 = arith.cmpf oge, %select_n3A_1577, %max3A_1584 : vector<16xf32>
    %jit3A_1588 = arith.constant 7.000000e+00 : f32
    %broadcast_in_dim3A_1589 = vector.broadcast %jit3A_1588 : f32 to vector<16xf32>
    %select_n3A_1590 = arith.select %ge3A_1587, %broadcast_in_dim3A_1589, %broadcast_in_dim3A_1586 : vector<16xi1>, vector<16xf32>
    %ge3A_1591 = arith.cmpf oge, %select_n3A_1571, %max3A_1584 : vector<16xf32>
    %jit3A_1592 = arith.constant 6.000000e+00 : f32
    %broadcast_in_dim3A_1593 = vector.broadcast %jit3A_1592 : f32 to vector<16xf32>
    %select_n3A_1594 = arith.select %ge3A_1591, %broadcast_in_dim3A_1593, %select_n3A_1590 : vector<16xi1>, vector<16xf32>
    %ge3A_1595 = arith.cmpf oge, %select_n3A_1565, %max3A_1584 : vector<16xf32>
    %jit3A_1596 = arith.constant 5.000000e+00 : f32
    %broadcast_in_dim3A_1597 = vector.broadcast %jit3A_1596 : f32 to vector<16xf32>
    %select_n3A_1598 = arith.select %ge3A_1595, %broadcast_in_dim3A_1597, %select_n3A_1594 : vector<16xi1>, vector<16xf32>
    %ge3A_1599 = arith.cmpf oge, %select_n3A_1559, %max3A_1584 : vector<16xf32>
    %jit3A_1600 = arith.constant 4.000000e+00 : f32
    %broadcast_in_dim3A_1601 = vector.broadcast %jit3A_1600 : f32 to vector<16xf32>
    %select_n3A_1602 = arith.select %ge3A_1599, %broadcast_in_dim3A_1601, %select_n3A_1598 : vector<16xi1>, vector<16xf32>
    %ge3A_1603 = arith.cmpf oge, %select_n3A_1553, %max3A_1584 : vector<16xf32>
    %jit3A_1604 = arith.constant 3.000000e+00 : f32
    %broadcast_in_dim3A_1605 = vector.broadcast %jit3A_1604 : f32 to vector<16xf32>
    %select_n3A_1606 = arith.select %ge3A_1603, %broadcast_in_dim3A_1605, %select_n3A_1602 : vector<16xi1>, vector<16xf32>
    %ge3A_1607 = arith.cmpf oge, %select_n3A_1547, %max3A_1584 : vector<16xf32>
    %jit3A_1608 = arith.constant 2.000000e+00 : f32
    %broadcast_in_dim3A_1609 = vector.broadcast %jit3A_1608 : f32 to vector<16xf32>
    %select_n3A_1610 = arith.select %ge3A_1607, %broadcast_in_dim3A_1609, %select_n3A_1606 : vector<16xi1>, vector<16xf32>
    %ge3A_1611 = arith.cmpf oge, %select_n3A_1541, %max3A_1584 : vector<16xf32>
    %jit3A_1612 = arith.constant 1.000000e+00 : f32
    %broadcast_in_dim3A_1613 = vector.broadcast %jit3A_1612 : f32 to vector<16xf32>
    %select_n3A_1614 = arith.select %ge3A_1611, %broadcast_in_dim3A_1613, %select_n3A_1610 : vector<16xi1>, vector<16xf32>
    %ge3A_1615 = arith.cmpf oge, %select_n3A_1535, %max3A_1584 : vector<16xf32>
    %jit3A_1616 = arith.constant 0.000000e+00 : f32
    %broadcast_in_dim3A_1617 = vector.broadcast %jit3A_1616 : f32 to vector<16xf32>
    %select_n3A_1618 = arith.select %ge3A_1615, %broadcast_in_dim3A_1617, %select_n3A_1614 : vector<16xi1>, vector<16xf32>
    %sub3A_1619 = arith.subf %max3A_1584, %max3A_1495 : vector<16xf32>
    %exp3A_1620 = math.exp %sub3A_1619 : vector<16xf32>
    %add3A_1621 = arith.constant 1.000000e+00 : f32
    %add3A_1622 = vector.broadcast %add3A_1621 : f32 to vector<16xf32>
    %add3A_1623 = arith.addf %add3A_1622, %exp3A_1620 : vector<16xf32>
    %div3A_1624 = arith.constant 1.000000e+00 : f32
    %div3A_1625 = vector.broadcast %div3A_1624 : f32 to vector<16xf32>
    %div3A_1626 = arith.divf %div3A_1625, %add3A_1623 : vector<16xf32>
    %add3A_1627 = arith.constant 1.000000e+00 : f32
    %add3A_1628 = vector.broadcast %add3A_1627 : f32 to vector<16xf32>
    %add3A_1629 = arith.addf %add3A_1628, %exp3A_1620 : vector<16xf32>
    %div3A_1630 = arith.divf %exp3A_1620, %add3A_1629 : vector<16xf32>
    %iota3A_1631 = tpu.iota {dimensions = array<i32: 0>} : vector<16xi32>
    %add3A_1632 = arith.constant 96 : i32
    %add3A_1633 = arith.addi %mul3A_2, %add3A_1632 : i32
    %add3A_1634 = vector.broadcast %add3A_1633 : i32 to vector<16xi32>
    %add3A_1635 = arith.addi %iota3A_1631, %add3A_1634 : vector<16xi32>
    %broadcast_in_dim3A_1636 = arith.constant 1.000000e+00 : f32
    %broadcast_in_dim3A_1637 = vector.broadcast %broadcast_in_dim3A_1636 : f32 to vector<16xf32>
    %eq3A_1638 = arith.constant 2048 : i32
    %eq3A_1639 = vector.broadcast %eq3A_1638 : i32 to vector<16xi32>
    %eq3A_1640 = arith.cmpi eq, %add3A_1635, %eq3A_1639 : vector<16xi32>
    %jit3A_1641 = arith.constant 0.000000e+00 : f32
    %broadcast_in_dim3A_1642 = vector.broadcast %jit3A_1641 : f32 to vector<16xf32>
    %select_n3A_1643 = arith.select %eq3A_1640, %broadcast_in_dim3A_1642, %broadcast_in_dim3A_1637 : vector<16xi1>, vector<16xf32>
    %swap3A_1644 = arith.constant 0 : i32
    %swap3A_1645 = arith.index_cast %swap3A_1644 : i32 to index
    %swap3A_1646 = arith.constant 96 : index
    %swap3A_1647 = tpu.vector_load %arg5[%swap3A_1645, %swap3A_1646] {strides = array<i32>} : memref<8x128xf32, #tpu.memory_space<vmem>>, vector<1x16xf32>,
    %swap3A_1648 = vector.shape_cast %swap3A_1647 : vector<1x16xf32> to vector<16xf32>
    %swap3A_1649 = vector.shape_cast %div3A_1626 : vector<16xf32> to vector<1x16xf32>
    tpu.vector_store %arg5[%swap3A_1645, %swap3A_1646], %swap3A_1649 {strides = array<i32>} : memref<8x128xf32, #tpu.memory_space<vmem>>, vector<1x16xf32>,
    %swap3A_1650 = arith.constant 1 : i32
    %swap3A_1651 = arith.index_cast %swap3A_1650 : i32 to index
    %swap3A_1652 = arith.constant 96 : index
    %swap3A_1653 = tpu.vector_load %arg5[%swap3A_1651, %swap3A_1652] {strides = array<i32>} : memref<8x128xf32, #tpu.memory_space<vmem>>, vector<1x16xf32>,
    %swap3A_1654 = vector.shape_cast %swap3A_1653 : vector<1x16xf32> to vector<16xf32>
    %swap3A_1655 = vector.shape_cast %div3A_1630 : vector<16xf32> to vector<1x16xf32>
    tpu.vector_store %arg5[%swap3A_1651, %swap3A_1652], %swap3A_1655 {strides = array<i32>} : memref<8x128xf32, #tpu.memory_space<vmem>>, vector<1x16xf32>,
    %swap3A_1656 = arith.constant 2 : i32
    %swap3A_1657 = arith.index_cast %swap3A_1656 : i32 to index
    %swap3A_1658 = arith.constant 96 : index
    %swap3A_1659 = tpu.vector_load %arg5[%swap3A_1657, %swap3A_1658] {strides = array<i32>} : memref<8x128xf32, #tpu.memory_space<vmem>>, vector<1x16xf32>,
    %swap3A_1660 = vector.shape_cast %swap3A_1659 : vector<1x16xf32> to vector<16xf32>
    %swap3A_1661 = vector.shape_cast %select_n3A_1529 : vector<16xf32> to vector<1x16xf32>
    tpu.vector_store %arg5[%swap3A_1657, %swap3A_1658], %swap3A_1661 {strides = array<i32>} : memref<8x128xf32, #tpu.memory_space<vmem>>, vector<1x16xf32>,
    %swap3A_1662 = arith.constant 3 : i32
    %swap3A_1663 = arith.index_cast %swap3A_1662 : i32 to index
    %swap3A_1664 = arith.constant 96 : index
    %swap3A_1665 = tpu.vector_load %arg5[%swap3A_1663, %swap3A_1664] {strides = array<i32>} : memref<8x128xf32, #tpu.memory_space<vmem>>, vector<1x16xf32>,
    %swap3A_1666 = vector.shape_cast %swap3A_1665 : vector<1x16xf32> to vector<16xf32>
    %swap3A_1667 = vector.shape_cast %select_n3A_1618 : vector<16xf32> to vector<1x16xf32>
    tpu.vector_store %arg5[%swap3A_1663, %swap3A_1664], %swap3A_1667 {strides = array<i32>} : memref<8x128xf32, #tpu.memory_space<vmem>>, vector<1x16xf32>,
    %swap3A_1668 = arith.constant 4 : i32
    %swap3A_1669 = arith.index_cast %swap3A_1668 : i32 to index
    %swap3A_1670 = arith.constant 96 : index
    %swap3A_1671 = tpu.vector_load %arg5[%swap3A_1669, %swap3A_1670] {strides = array<i32>} : memref<8x128xf32, #tpu.memory_space<vmem>>, vector<1x16xf32>,
    %swap3A_1672 = vector.shape_cast %swap3A_1671 : vector<1x16xf32> to vector<16xf32>
    %swap3A_1673 = vector.shape_cast %select_n3A_1643 : vector<16xf32> to vector<1x16xf32>
    tpu.vector_store %arg5[%swap3A_1669, %swap3A_1670], %swap3A_1673 {strides = array<i32>} : memref<8x128xf32, #tpu.memory_space<vmem>>, vector<1x16xf32>,
    %swap3A_1674 = arith.constant 5 : i32
    %swap3A_1675 = arith.index_cast %swap3A_1674 : i32 to index
    %swap3A_1676 = arith.constant 96 : index
    %swap3A_1677 = tpu.vector_load %arg5[%swap3A_1675, %swap3A_1676] {strides = array<i32>} : memref<8x128xf32, #tpu.memory_space<vmem>>, vector<1x16xf32>,
    %swap3A_1678 = vector.shape_cast %swap3A_1677 : vector<1x16xf32> to vector<16xf32>
    %swap3A_1679 = vector.shape_cast %div3A_1626 : vector<16xf32> to vector<1x16xf32>
    tpu.vector_store %arg5[%swap3A_1675, %swap3A_1676], %swap3A_1679 {strides = array<i32>} : memref<8x128xf32, #tpu.memory_space<vmem>>, vector<1x16xf32>,
    %swap3A_1680 = arith.constant 6 : i32
    %swap3A_1681 = arith.index_cast %swap3A_1680 : i32 to index
    %swap3A_1682 = arith.constant 96 : index
    %swap3A_1683 = tpu.vector_load %arg5[%swap3A_1681, %swap3A_1682] {strides = array<i32>} : memref<8x128xf32, #tpu.memory_space<vmem>>, vector<1x16xf32>,
    %swap3A_1684 = vector.shape_cast %swap3A_1683 : vector<1x16xf32> to vector<16xf32>
    %swap3A_1685 = vector.shape_cast %div3A_1626 : vector<16xf32> to vector<1x16xf32>
    tpu.vector_store %arg5[%swap3A_1681, %swap3A_1682], %swap3A_1685 {strides = array<i32>} : memref<8x128xf32, #tpu.memory_space<vmem>>, vector<1x16xf32>,
    %swap3A_1686 = arith.constant 7 : i32
    %swap3A_1687 = arith.index_cast %swap3A_1686 : i32 to index
    %swap3A_1688 = arith.constant 96 : index
    %swap3A_1689 = tpu.vector_load %arg5[%swap3A_1687, %swap3A_1688] {strides = array<i32>} : memref<8x128xf32, #tpu.memory_space<vmem>>, vector<1x16xf32>,
    %swap3A_1690 = vector.shape_cast %swap3A_1689 : vector<1x16xf32> to vector<16xf32>
    %swap3A_1691 = vector.shape_cast %div3A_1626 : vector<16xf32> to vector<1x16xf32>
    tpu.vector_store %arg5[%swap3A_1687, %swap3A_1688], %swap3A_1691 {strides = array<i32>} : memref<8x128xf32, #tpu.memory_space<vmem>>, vector<1x16xf32>,
    %get3A_1692 = arith.constant 0 : i32
    %get3A_1693 = arith.index_cast %get3A_1692 : i32 to index
    %get3A_1694 = arith.constant 112 : index
    %get3A_1695 = tpu.vector_load %arg4[%get3A_1693, %get3A_1694] {strides = array<i32>} : memref<8x128xf32, #tpu.memory_space<vmem>>, vector<1x16xf32>,
    %get3A_1696 = vector.shape_cast %get3A_1695 : vector<1x16xf32> to vector<16xf32>
    %get3A_1697 = arith.constant 1 : i32
    %get3A_1698 = arith.index_cast %get3A_1697 : i32 to index
    %get3A_1699 = arith.constant 112 : index
    %get3A_1700 = tpu.vector_load %arg4[%get3A_1698, %get3A_1699] {strides = array<i32>} : memref<8x128xf32, #tpu.memory_space<vmem>>, vector<1x16xf32>,
    %get3A_1701 = vector.shape_cast %get3A_1700 : vector<1x16xf32> to vector<16xf32>
    %get3A_1702 = arith.constant 2 : i32
    %get3A_1703 = arith.index_cast %get3A_1702 : i32 to index
    %get3A_1704 = arith.constant 112 : index
    %get3A_1705 = tpu.vector_load %arg4[%get3A_1703, %get3A_1704] {strides = array<i32>} : memref<8x128xf32, #tpu.memory_space<vmem>>, vector<1x16xf32>,
    %get3A_1706 = vector.shape_cast %get3A_1705 : vector<1x16xf32> to vector<16xf32>
    %get3A_1707 = arith.constant 3 : i32
    %get3A_1708 = arith.index_cast %get3A_1707 : i32 to index
    %get3A_1709 = arith.constant 112 : index
    %get3A_1710 = tpu.vector_load %arg4[%get3A_1708, %get3A_1709] {strides = array<i32>} : memref<8x128xf32, #tpu.memory_space<vmem>>, vector<1x16xf32>,
    %get3A_1711 = vector.shape_cast %get3A_1710 : vector<1x16xf32> to vector<16xf32>
    %get3A_1712 = arith.constant 4 : i32
    %get3A_1713 = arith.index_cast %get3A_1712 : i32 to index
    %get3A_1714 = arith.constant 112 : index
    %get3A_1715 = tpu.vector_load %arg4[%get3A_1713, %get3A_1714] {strides = array<i32>} : memref<8x128xf32, #tpu.memory_space<vmem>>, vector<1x16xf32>,
    %get3A_1716 = vector.shape_cast %get3A_1715 : vector<1x16xf32> to vector<16xf32>
    %get3A_1717 = arith.constant 5 : i32
    %get3A_1718 = arith.index_cast %get3A_1717 : i32 to index
    %get3A_1719 = arith.constant 112 : index
    %get3A_1720 = tpu.vector_load %arg4[%get3A_1718, %get3A_1719] {strides = array<i32>} : memref<8x128xf32, #tpu.memory_space<vmem>>, vector<1x16xf32>,
    %get3A_1721 = vector.shape_cast %get3A_1720 : vector<1x16xf32> to vector<16xf32>
    %get3A_1722 = arith.constant 6 : i32
    %get3A_1723 = arith.index_cast %get3A_1722 : i32 to index
    %get3A_1724 = arith.constant 112 : index
    %get3A_1725 = tpu.vector_load %arg4[%get3A_1723, %get3A_1724] {strides = array<i32>} : memref<8x128xf32, #tpu.memory_space<vmem>>, vector<1x16xf32>,
    %get3A_1726 = vector.shape_cast %get3A_1725 : vector<1x16xf32> to vector<16xf32>
    %get3A_1727 = arith.constant 7 : i32
    %get3A_1728 = arith.index_cast %get3A_1727 : i32 to index
    %get3A_1729 = arith.constant 112 : index
    %get3A_1730 = tpu.vector_load %arg4[%get3A_1728, %get3A_1729] {strides = array<i32>} : memref<8x128xf32, #tpu.memory_space<vmem>>, vector<1x16xf32>,
    %get3A_1731 = vector.shape_cast %get3A_1730 : vector<1x16xf32> to vector<16xf32>
    %max3A_1732 = arith.maximumf %get3A_1696, %get3A_1701 : vector<16xf32>
    %max3A_1733 = arith.maximumf %max3A_1732, %get3A_1706 : vector<16xf32>
    %max3A_1734 = arith.maximumf %max3A_1733, %get3A_1711 : vector<16xf32>
    %max3A_1735 = arith.maximumf %max3A_1734, %get3A_1716 : vector<16xf32>
    %max3A_1736 = arith.maximumf %max3A_1735, %get3A_1721 : vector<16xf32>
    %max3A_1737 = arith.maximumf %max3A_1736, %get3A_1726 : vector<16xf32>
    %max3A_1738 = arith.maximumf %max3A_1737, %get3A_1731 : vector<16xf32>
    %broadcast_in_dim3A_1739 = arith.constant 8.000000e+00 : f32
    %broadcast_in_dim3A_1740 = vector.broadcast %broadcast_in_dim3A_1739 : f32 to vector<16xf32>
    %ge3A_1741 = arith.cmpf oge, %get3A_1731, %max3A_1738 : vector<16xf32>
    %jit3A_1742 = arith.constant 7.000000e+00 : f32
    %broadcast_in_dim3A_1743 = vector.broadcast %jit3A_1742 : f32 to vector<16xf32>
    %select_n3A_1744 = arith.select %ge3A_1741, %broadcast_in_dim3A_1743, %broadcast_in_dim3A_1740 : vector<16xi1>, vector<16xf32>
    %ge3A_1745 = arith.cmpf oge, %get3A_1726, %max3A_1738 : vector<16xf32>
    %jit3A_1746 = arith.constant 6.000000e+00 : f32
    %broadcast_in_dim3A_1747 = vector.broadcast %jit3A_1746 : f32 to vector<16xf32>
    %select_n3A_1748 = arith.select %ge3A_1745, %broadcast_in_dim3A_1747, %select_n3A_1744 : vector<16xi1>, vector<16xf32>
    %ge3A_1749 = arith.cmpf oge, %get3A_1721, %max3A_1738 : vector<16xf32>
    %jit3A_1750 = arith.constant 5.000000e+00 : f32
    %broadcast_in_dim3A_1751 = vector.broadcast %jit3A_1750 : f32 to vector<16xf32>
    %select_n3A_1752 = arith.select %ge3A_1749, %broadcast_in_dim3A_1751, %select_n3A_1748 : vector<16xi1>, vector<16xf32>
    %ge3A_1753 = arith.cmpf oge, %get3A_1716, %max3A_1738 : vector<16xf32>
    %jit3A_1754 = arith.constant 4.000000e+00 : f32
    %broadcast_in_dim3A_1755 = vector.broadcast %jit3A_1754 : f32 to vector<16xf32>
    %select_n3A_1756 = arith.select %ge3A_1753, %broadcast_in_dim3A_1755, %select_n3A_1752 : vector<16xi1>, vector<16xf32>
    %ge3A_1757 = arith.cmpf oge, %get3A_1711, %max3A_1738 : vector<16xf32>
    %jit3A_1758 = arith.constant 3.000000e+00 : f32
    %broadcast_in_dim3A_1759 = vector.broadcast %jit3A_1758 : f32 to vector<16xf32>
    %select_n3A_1760 = arith.select %ge3A_1757, %broadcast_in_dim3A_1759, %select_n3A_1756 : vector<16xi1>, vector<16xf32>
    %ge3A_1761 = arith.cmpf oge, %get3A_1706, %max3A_1738 : vector<16xf32>
    %jit3A_1762 = arith.constant 2.000000e+00 : f32
    %broadcast_in_dim3A_1763 = vector.broadcast %jit3A_1762 : f32 to vector<16xf32>
    %select_n3A_1764 = arith.select %ge3A_1761, %broadcast_in_dim3A_1763, %select_n3A_1760 : vector<16xi1>, vector<16xf32>
    %ge3A_1765 = arith.cmpf oge, %get3A_1701, %max3A_1738 : vector<16xf32>
    %jit3A_1766 = arith.constant 1.000000e+00 : f32
    %broadcast_in_dim3A_1767 = vector.broadcast %jit3A_1766 : f32 to vector<16xf32>
    %select_n3A_1768 = arith.select %ge3A_1765, %broadcast_in_dim3A_1767, %select_n3A_1764 : vector<16xi1>, vector<16xf32>
    %ge3A_1769 = arith.cmpf oge, %get3A_1696, %max3A_1738 : vector<16xf32>
    %jit3A_1770 = arith.constant 0.000000e+00 : f32
    %broadcast_in_dim3A_1771 = vector.broadcast %jit3A_1770 : f32 to vector<16xf32>
    %select_n3A_1772 = arith.select %ge3A_1769, %broadcast_in_dim3A_1771, %select_n3A_1768 : vector<16xi1>, vector<16xf32>
    %eq3A_1773 = arith.constant 0.000000e+00 : f32
    %eq3A_1774 = vector.broadcast %eq3A_1773 : f32 to vector<16xf32>
    %eq3A_1775 = arith.cmpf oeq, %select_n3A_1772, %eq3A_1774 : vector<16xf32>
    %jit3A_1776 = arith.constant -1.000000e+30 : f32
    %broadcast_in_dim3A_1777 = vector.broadcast %jit3A_1776 : f32 to vector<16xf32>
    %select_n3A_1778 = arith.select %eq3A_1775, %broadcast_in_dim3A_1777, %get3A_1696 : vector<16xi1>, vector<16xf32>
    %eq3A_1779 = arith.constant 1.000000e+00 : f32
    %eq3A_1780 = vector.broadcast %eq3A_1779 : f32 to vector<16xf32>
    %eq3A_1781 = arith.cmpf oeq, %select_n3A_1772, %eq3A_1780 : vector<16xf32>
    %jit3A_1782 = arith.constant -1.000000e+30 : f32
    %broadcast_in_dim3A_1783 = vector.broadcast %jit3A_1782 : f32 to vector<16xf32>
    %select_n3A_1784 = arith.select %eq3A_1781, %broadcast_in_dim3A_1783, %get3A_1701 : vector<16xi1>, vector<16xf32>
    %eq3A_1785 = arith.constant 2.000000e+00 : f32
    %eq3A_1786 = vector.broadcast %eq3A_1785 : f32 to vector<16xf32>
    %eq3A_1787 = arith.cmpf oeq, %select_n3A_1772, %eq3A_1786 : vector<16xf32>
    %jit3A_1788 = arith.constant -1.000000e+30 : f32
    %broadcast_in_dim3A_1789 = vector.broadcast %jit3A_1788 : f32 to vector<16xf32>
    %select_n3A_1790 = arith.select %eq3A_1787, %broadcast_in_dim3A_1789, %get3A_1706 : vector<16xi1>, vector<16xf32>
    %eq3A_1791 = arith.constant 3.000000e+00 : f32
    %eq3A_1792 = vector.broadcast %eq3A_1791 : f32 to vector<16xf32>
    %eq3A_1793 = arith.cmpf oeq, %select_n3A_1772, %eq3A_1792 : vector<16xf32>
    %jit3A_1794 = arith.constant -1.000000e+30 : f32
    %broadcast_in_dim3A_1795 = vector.broadcast %jit3A_1794 : f32 to vector<16xf32>
    %select_n3A_1796 = arith.select %eq3A_1793, %broadcast_in_dim3A_1795, %get3A_1711 : vector<16xi1>, vector<16xf32>
    %eq3A_1797 = arith.constant 4.000000e+00 : f32
    %eq3A_1798 = vector.broadcast %eq3A_1797 : f32 to vector<16xf32>
    %eq3A_1799 = arith.cmpf oeq, %select_n3A_1772, %eq3A_1798 : vector<16xf32>
    %jit3A_1800 = arith.constant -1.000000e+30 : f32
    %broadcast_in_dim3A_1801 = vector.broadcast %jit3A_1800 : f32 to vector<16xf32>
    %select_n3A_1802 = arith.select %eq3A_1799, %broadcast_in_dim3A_1801, %get3A_1716 : vector<16xi1>, vector<16xf32>
    %eq3A_1803 = arith.constant 5.000000e+00 : f32
    %eq3A_1804 = vector.broadcast %eq3A_1803 : f32 to vector<16xf32>
    %eq3A_1805 = arith.cmpf oeq, %select_n3A_1772, %eq3A_1804 : vector<16xf32>
    %jit3A_1806 = arith.constant -1.000000e+30 : f32
    %broadcast_in_dim3A_1807 = vector.broadcast %jit3A_1806 : f32 to vector<16xf32>
    %select_n3A_1808 = arith.select %eq3A_1805, %broadcast_in_dim3A_1807, %get3A_1721 : vector<16xi1>, vector<16xf32>
    %eq3A_1809 = arith.constant 6.000000e+00 : f32
    %eq3A_1810 = vector.broadcast %eq3A_1809 : f32 to vector<16xf32>
    %eq3A_1811 = arith.cmpf oeq, %select_n3A_1772, %eq3A_1810 : vector<16xf32>
    %jit3A_1812 = arith.constant -1.000000e+30 : f32
    %broadcast_in_dim3A_1813 = vector.broadcast %jit3A_1812 : f32 to vector<16xf32>
    %select_n3A_1814 = arith.select %eq3A_1811, %broadcast_in_dim3A_1813, %get3A_1726 : vector<16xi1>, vector<16xf32>
    %eq3A_1815 = arith.constant 7.000000e+00 : f32
    %eq3A_1816 = vector.broadcast %eq3A_1815 : f32 to vector<16xf32>
    %eq3A_1817 = arith.cmpf oeq, %select_n3A_1772, %eq3A_1816 : vector<16xf32>
    %jit3A_1818 = arith.constant -1.000000e+30 : f32
    %broadcast_in_dim3A_1819 = vector.broadcast %jit3A_1818 : f32 to vector<16xf32>
    %select_n3A_1820 = arith.select %eq3A_1817, %broadcast_in_dim3A_1819, %get3A_1731 : vector<16xi1>, vector<16xf32>
    %max3A_1821 = arith.maximumf %select_n3A_1778, %select_n3A_1784 : vector<16xf32>
    %max3A_1822 = arith.maximumf %max3A_1821, %select_n3A_1790 : vector<16xf32>
    %max3A_1823 = arith.maximumf %max3A_1822, %select_n3A_1796 : vector<16xf32>
    %max3A_1824 = arith.maximumf %max3A_1823, %select_n3A_1802 : vector<16xf32>
    %max3A_1825 = arith.maximumf %max3A_1824, %select_n3A_1808 : vector<16xf32>
    %max3A_1826 = arith.maximumf %max3A_1825, %select_n3A_1814 : vector<16xf32>
    %max3A_1827 = arith.maximumf %max3A_1826, %select_n3A_1820 : vector<16xf32>
    %broadcast_in_dim3A_1828 = arith.constant 8.000000e+00 : f32
    %broadcast_in_dim3A_1829 = vector.broadcast %broadcast_in_dim3A_1828 : f32 to vector<16xf32>
    %ge3A_1830 = arith.cmpf oge, %select_n3A_1820, %max3A_1827 : vector<16xf32>
    %jit3A_1831 = arith.constant 7.000000e+00 : f32
    %broadcast_in_dim3A_1832 = vector.broadcast %jit3A_1831 : f32 to vector<16xf32>
    %select_n3A_1833 = arith.select %ge3A_1830, %broadcast_in_dim3A_1832, %broadcast_in_dim3A_1829 : vector<16xi1>, vector<16xf32>
    %ge3A_1834 = arith.cmpf oge, %select_n3A_1814, %max3A_1827 : vector<16xf32>
    %jit3A_1835 = arith.constant 6.000000e+00 : f32
    %broadcast_in_dim3A_1836 = vector.broadcast %jit3A_1835 : f32 to vector<16xf32>
    %select_n3A_1837 = arith.select %ge3A_1834, %broadcast_in_dim3A_1836, %select_n3A_1833 : vector<16xi1>, vector<16xf32>
    %ge3A_1838 = arith.cmpf oge, %select_n3A_1808, %max3A_1827 : vector<16xf32>
    %jit3A_1839 = arith.constant 5.000000e+00 : f32
    %broadcast_in_dim3A_1840 = vector.broadcast %jit3A_1839 : f32 to vector<16xf32>
    %select_n3A_1841 = arith.select %ge3A_1838, %broadcast_in_dim3A_1840, %select_n3A_1837 : vector<16xi1>, vector<16xf32>
    %ge3A_1842 = arith.cmpf oge, %select_n3A_1802, %max3A_1827 : vector<16xf32>
    %jit3A_1843 = arith.constant 4.000000e+00 : f32
    %broadcast_in_dim3A_1844 = vector.broadcast %jit3A_1843 : f32 to vector<16xf32>
    %select_n3A_1845 = arith.select %ge3A_1842, %broadcast_in_dim3A_1844, %select_n3A_1841 : vector<16xi1>, vector<16xf32>
    %ge3A_1846 = arith.cmpf oge, %select_n3A_1796, %max3A_1827 : vector<16xf32>
    %jit3A_1847 = arith.constant 3.000000e+00 : f32
    %broadcast_in_dim3A_1848 = vector.broadcast %jit3A_1847 : f32 to vector<16xf32>
    %select_n3A_1849 = arith.select %ge3A_1846, %broadcast_in_dim3A_1848, %select_n3A_1845 : vector<16xi1>, vector<16xf32>
    %ge3A_1850 = arith.cmpf oge, %select_n3A_1790, %max3A_1827 : vector<16xf32>
    %jit3A_1851 = arith.constant 2.000000e+00 : f32
    %broadcast_in_dim3A_1852 = vector.broadcast %jit3A_1851 : f32 to vector<16xf32>
    %select_n3A_1853 = arith.select %ge3A_1850, %broadcast_in_dim3A_1852, %select_n3A_1849 : vector<16xi1>, vector<16xf32>
    %ge3A_1854 = arith.cmpf oge, %select_n3A_1784, %max3A_1827 : vector<16xf32>
    %jit3A_1855 = arith.constant 1.000000e+00 : f32
    %broadcast_in_dim3A_1856 = vector.broadcast %jit3A_1855 : f32 to vector<16xf32>
    %select_n3A_1857 = arith.select %ge3A_1854, %broadcast_in_dim3A_1856, %select_n3A_1853 : vector<16xi1>, vector<16xf32>
    %ge3A_1858 = arith.cmpf oge, %select_n3A_1778, %max3A_1827 : vector<16xf32>
    %jit3A_1859 = arith.constant 0.000000e+00 : f32
    %broadcast_in_dim3A_1860 = vector.broadcast %jit3A_1859 : f32 to vector<16xf32>
    %select_n3A_1861 = arith.select %ge3A_1858, %broadcast_in_dim3A_1860, %select_n3A_1857 : vector<16xi1>, vector<16xf32>
    %sub3A_1862 = arith.subf %max3A_1827, %max3A_1738 : vector<16xf32>
    %exp3A_1863 = math.exp %sub3A_1862 : vector<16xf32>
    %add3A_1864 = arith.constant 1.000000e+00 : f32
    %add3A_1865 = vector.broadcast %add3A_1864 : f32 to vector<16xf32>
    %add3A_1866 = arith.addf %add3A_1865, %exp3A_1863 : vector<16xf32>
    %div3A_1867 = arith.constant 1.000000e+00 : f32
    %div3A_1868 = vector.broadcast %div3A_1867 : f32 to vector<16xf32>
    %div3A_1869 = arith.divf %div3A_1868, %add3A_1866 : vector<16xf32>
    %add3A_1870 = arith.constant 1.000000e+00 : f32
    %add3A_1871 = vector.broadcast %add3A_1870 : f32 to vector<16xf32>
    %add3A_1872 = arith.addf %add3A_1871, %exp3A_1863 : vector<16xf32>
    %div3A_1873 = arith.divf %exp3A_1863, %add3A_1872 : vector<16xf32>
    %iota3A_1874 = tpu.iota {dimensions = array<i32: 0>} : vector<16xi32>
    %add3A_1875 = arith.constant 112 : i32
    %add3A_1876 = arith.addi %mul3A_2, %add3A_1875 : i32
    %add3A_1877 = vector.broadcast %add3A_1876 : i32 to vector<16xi32>
    %add3A_1878 = arith.addi %iota3A_1874, %add3A_1877 : vector<16xi32>
    %broadcast_in_dim3A_1879 = arith.constant 1.000000e+00 : f32
    %broadcast_in_dim3A_1880 = vector.broadcast %broadcast_in_dim3A_1879 : f32 to vector<16xf32>
    %eq3A_1881 = arith.constant 2048 : i32
    %eq3A_1882 = vector.broadcast %eq3A_1881 : i32 to vector<16xi32>
    %eq3A_1883 = arith.cmpi eq, %add3A_1878, %eq3A_1882 : vector<16xi32>
    %jit3A_1884 = arith.constant 0.000000e+00 : f32
    %broadcast_in_dim3A_1885 = vector.broadcast %jit3A_1884 : f32 to vector<16xf32>
    %select_n3A_1886 = arith.select %eq3A_1883, %broadcast_in_dim3A_1885, %broadcast_in_dim3A_1880 : vector<16xi1>, vector<16xf32>
    %swap3A_1887 = arith.constant 0 : i32
    %swap3A_1888 = arith.index_cast %swap3A_1887 : i32 to index
    %swap3A_1889 = arith.constant 112 : index
    %swap3A_1890 = tpu.vector_load %arg5[%swap3A_1888, %swap3A_1889] {strides = array<i32>} : memref<8x128xf32, #tpu.memory_space<vmem>>, vector<1x16xf32>,
    %swap3A_1891 = vector.shape_cast %swap3A_1890 : vector<1x16xf32> to vector<16xf32>
    %swap3A_1892 = vector.shape_cast %div3A_1869 : vector<16xf32> to vector<1x16xf32>
    tpu.vector_store %arg5[%swap3A_1888, %swap3A_1889], %swap3A_1892 {strides = array<i32>} : memref<8x128xf32, #tpu.memory_space<vmem>>, vector<1x16xf32>,
    %swap3A_1893 = arith.constant 1 : i32
    %swap3A_1894 = arith.index_cast %swap3A_1893 : i32 to index
    %swap3A_1895 = arith.constant 112 : index
    %swap3A_1896 = tpu.vector_load %arg5[%swap3A_1894, %swap3A_1895] {strides = array<i32>} : memref<8x128xf32, #tpu.memory_space<vmem>>, vector<1x16xf32>,
    %swap3A_1897 = vector.shape_cast %swap3A_1896 : vector<1x16xf32> to vector<16xf32>
    %swap3A_1898 = vector.shape_cast %div3A_1873 : vector<16xf32> to vector<1x16xf32>
    tpu.vector_store %arg5[%swap3A_1894, %swap3A_1895], %swap3A_1898 {strides = array<i32>} : memref<8x128xf32, #tpu.memory_space<vmem>>, vector<1x16xf32>,
    %swap3A_1899 = arith.constant 2 : i32
    %swap3A_1900 = arith.index_cast %swap3A_1899 : i32 to index
    %swap3A_1901 = arith.constant 112 : index
    %swap3A_1902 = tpu.vector_load %arg5[%swap3A_1900, %swap3A_1901] {strides = array<i32>} : memref<8x128xf32, #tpu.memory_space<vmem>>, vector<1x16xf32>,
    %swap3A_1903 = vector.shape_cast %swap3A_1902 : vector<1x16xf32> to vector<16xf32>
    %swap3A_1904 = vector.shape_cast %select_n3A_1772 : vector<16xf32> to vector<1x16xf32>
    tpu.vector_store %arg5[%swap3A_1900, %swap3A_1901], %swap3A_1904 {strides = array<i32>} : memref<8x128xf32, #tpu.memory_space<vmem>>, vector<1x16xf32>,
    %swap3A_1905 = arith.constant 3 : i32
    %swap3A_1906 = arith.index_cast %swap3A_1905 : i32 to index
    %swap3A_1907 = arith.constant 112 : index
    %swap3A_1908 = tpu.vector_load %arg5[%swap3A_1906, %swap3A_1907] {strides = array<i32>} : memref<8x128xf32, #tpu.memory_space<vmem>>, vector<1x16xf32>,
    %swap3A_1909 = vector.shape_cast %swap3A_1908 : vector<1x16xf32> to vector<16xf32>
    %swap3A_1910 = vector.shape_cast %select_n3A_1861 : vector<16xf32> to vector<1x16xf32>
    tpu.vector_store %arg5[%swap3A_1906, %swap3A_1907], %swap3A_1910 {strides = array<i32>} : memref<8x128xf32, #tpu.memory_space<vmem>>, vector<1x16xf32>,
    %swap3A_1911 = arith.constant 4 : i32
    %swap3A_1912 = arith.index_cast %swap3A_1911 : i32 to index
    %swap3A_1913 = arith.constant 112 : index
    %swap3A_1914 = tpu.vector_load %arg5[%swap3A_1912, %swap3A_1913] {strides = array<i32>} : memref<8x128xf32, #tpu.memory_space<vmem>>, vector<1x16xf32>,
    %swap3A_1915 = vector.shape_cast %swap3A_1914 : vector<1x16xf32> to vector<16xf32>
    %swap3A_1916 = vector.shape_cast %select_n3A_1886 : vector<16xf32> to vector<1x16xf32>
    tpu.vector_store %arg5[%swap3A_1912, %swap3A_1913], %swap3A_1916 {strides = array<i32>} : memref<8x128xf32, #tpu.memory_space<vmem>>, vector<1x16xf32>,
    %swap3A_1917 = arith.constant 5 : i32
    %swap3A_1918 = arith.index_cast %swap3A_1917 : i32 to index
    %swap3A_1919 = arith.constant 112 : index
    %swap3A_1920 = tpu.vector_load %arg5[%swap3A_1918, %swap3A_1919] {strides = array<i32>} : memref<8x128xf32, #tpu.memory_space<vmem>>, vector<1x16xf32>,
    %swap3A_1921 = vector.shape_cast %swap3A_1920 : vector<1x16xf32> to vector<16xf32>
    %swap3A_1922 = vector.shape_cast %div3A_1869 : vector<16xf32> to vector<1x16xf32>
    tpu.vector_store %arg5[%swap3A_1918, %swap3A_1919], %swap3A_1922 {strides = array<i32>} : memref<8x128xf32, #tpu.memory_space<vmem>>, vector<1x16xf32>,
    %swap3A_1923 = arith.constant 6 : i32
    %swap3A_1924 = arith.index_cast %swap3A_1923 : i32 to index
    %swap3A_1925 = arith.constant 112 : index
    %swap3A_1926 = tpu.vector_load %arg5[%swap3A_1924, %swap3A_1925] {strides = array<i32>} : memref<8x128xf32, #tpu.memory_space<vmem>>, vector<1x16xf32>,
    %swap3A_1927 = vector.shape_cast %swap3A_1926 : vector<1x16xf32> to vector<16xf32>
    %swap3A_1928 = vector.shape_cast %div3A_1869 : vector<16xf32> to vector<1x16xf32>
    tpu.vector_store %arg5[%swap3A_1924, %swap3A_1925], %swap3A_1928 {strides = array<i32>} : memref<8x128xf32, #tpu.memory_space<vmem>>, vector<1x16xf32>,
    %swap3A_1929 = arith.constant 7 : i32
    %swap3A_1930 = arith.index_cast %swap3A_1929 : i32 to index
    %swap3A_1931 = arith.constant 112 : index
    %swap3A_1932 = tpu.vector_load %arg5[%swap3A_1930, %swap3A_1931] {strides = array<i32>} : memref<8x128xf32, #tpu.memory_space<vmem>>, vector<1x16xf32>,
    %swap3A_1933 = vector.shape_cast %swap3A_1932 : vector<1x16xf32> to vector<16xf32>
    %swap3A_1934 = vector.shape_cast %div3A_1869 : vector<16xf32> to vector<1x16xf32>
    tpu.vector_store %arg5[%swap3A_1930, %swap3A_1931], %swap3A_1934 {strides = array<i32>} : memref<8x128xf32, #tpu.memory_space<vmem>>, vector<1x16xf32>,
    "tpu.region"() ({
      %run_scoped3A = tpu.sem_alloc : memref<!tpu.dma_semaphore, #tpu.memory_space<semaphore_mem>>
      %dma_start3A = arith.constant 0 : i32
      %dma_start3A_1935 = tpu.memref_slice %arg3[%dma_start3A, %mul3A_2] : memref<8x4096xf32, #tpu.memory_space<hbm>> -> memref<8x128xf32, #tpu.memory_space<hbm>>
      %dma_start3A_1936 = arith.constant 0 : i32
      %dma_start3A_1937 = tpu.memref_slice %arg3[%dma_start3A_1936, %mul3A_2] : memref<8x4096xf32, #tpu.memory_space<hbm>> -> memref<8x128xf32, #tpu.memory_space<hbm>>
      tpu.enqueue_dma source(%arg5 : memref<8x128xf32, #tpu.memory_space<vmem>>) target(%dma_start3A_1937 : memref<8x128xf32, #tpu.memory_space<hbm>>) target_semaphore(%run_scoped3A : memref<!tpu.dma_semaphore, #tpu.memory_space<semaphore_mem>>)
      %dma_wait3A = arith.constant 0 : i32
      %dma_wait3A_1938 = tpu.memref_slice %arg3[%dma_wait3A, %mul3A_2] : memref<8x4096xf32, #tpu.memory_space<hbm>> -> memref<8x128xf32, #tpu.memory_space<hbm>>
      %dma_wait3A_1939 = arith.constant 0 : i32
      %dma_wait3A_1940 = tpu.memref_slice %arg3[%dma_wait3A_1939, %mul3A_2] : memref<8x4096xf32, #tpu.memory_space<hbm>> -> memref<8x128xf32, #tpu.memory_space<hbm>>
      tpu.wait_dma2 semaphore(%run_scoped3A : memref<!tpu.dma_semaphore, #tpu.memory_space<semaphore_mem>>) src(%arg5 : memref<8x128xf32, #tpu.memory_space<vmem>>) dst(%dma_wait3A_1940 : memref<8x128xf32, #tpu.memory_space<hbm>>)
      tpu.yield
    }) : () -> ()
    return
  }
}

module attributes {stable_mosaic.version = 14 : i64} {
  func.func @_moe_mingru_body(%arg0: i32, %arg1: i32, %arg2: memref<4096x768xf32, #tpu.memory_space<vmem>>, %arg3: memref<1x256x768xf32, #tpu.memory_space<vmem>>, %arg4: memref<1x8x256xf32, #tpu.memory_space<vmem>>, %arg5: memref<1x256x768xf32, #tpu.memory_space<vmem>>, %arg6: memref<1x8x256xf32, #tpu.memory_space<vmem>>, %arg7: memref<1x256x768xf32, #tpu.memory_space<vmem>>, %arg8: memref<1x8x256xf32, #tpu.memory_space<vmem>>, %arg9: memref<4096x8xf32, #tpu.memory_space<vmem>>, %arg10: memref<4096x256xf32, #tpu.memory_space<vmem>>) attributes {dimension_semantics = [#tpu.dimension_semantics<arbitrary>, #tpu.dimension_semantics<arbitrary>], iteration_bounds = array<i64: 3, 8>, scalar_prefetch = 0 : i64, scratch_operands = 0 : i64, tpu.core_type = #tpu.core_type<tc>, window_params = [{pipeline_mode = #tpu.pipeline_mode<synchronous>, transform_indices = @transform_0, window_bounds = array<i64: 4096, 768>}, {transform_indices = @transform_1, window_bounds = array<i64: 1, 256, 768>}, {transform_indices = @transform_2, window_bounds = array<i64: 1, 8, 256>}, {transform_indices = @transform_3, window_bounds = array<i64: 1, 256, 768>}, {transform_indices = @transform_4, window_bounds = array<i64: 1, 8, 256>}, {transform_indices = @transform_5, window_bounds = array<i64: 1, 256, 768>}, {transform_indices = @transform_6, window_bounds = array<i64: 1, 8, 256>}, {pipeline_mode = #tpu.pipeline_mode<synchronous>, transform_indices = @transform_7, window_bounds = array<i64: 4096, 8>}, {transform_indices = @transform_8, window_bounds = array<i64: 4096, 256>}]} {
    %get3A = arith.constant 0 : index
    %get3A_0 = arith.constant 0 : index
    %get3A_1 = vector.load %arg2[%get3A, %get3A_0] : memref<4096x768xf32, #tpu.memory_space<vmem>>, vector<4096x768xf32>
    %get3A_2 = arith.constant 0 : index
    %get3A_3 = arith.constant 0 : index
    %get3A_4 = arith.constant 0 : index
    %get3A_5 = vector.load %arg3[%get3A_2, %get3A_3, %get3A_4] : memref<1x256x768xf32, #tpu.memory_space<vmem>>, vector<1x256x768xf32>
    %get3A_6 = vector.shape_cast %get3A_5 : vector<1x256x768xf32> to vector<256x768xf32>
    %dot_general3A = arith.constant dense<0.000000e+00> : vector<4096x256xf32>
    %dot_general3A_7 = tpu.matmul %get3A_1, %get3A_6, %dot_general3A {dimension_numbers = #tpu.dot_dimension_numbers<[1], [1], [0], [0], [0, 0, 1, 0], [], []>, transpose_lhs_hint = false} : vector<4096x768xf32>, vector<256x768xf32>, vector<4096x256xf32> -> vector<4096x256xf32>
    %get3A_8 = arith.constant 0 : index
    %get3A_9 = arith.index_cast %arg1 : i32 to index
    %get3A_10 = arith.constant 0 : index
    %get3A_11 = vector.load %arg4[%get3A_8, %get3A_9, %get3A_10] : memref<1x8x256xf32, #tpu.memory_space<vmem>>, vector<1x1x256xf32>
    %get3A_12 = vector.shape_cast %get3A_11 : vector<1x1x256xf32> to vector<1x256xf32>
    %add3A = vector.broadcast %get3A_12 : vector<1x256xf32> to vector<4096x256xf32>
    %add3A_13 = arith.addf %dot_general3A_7, %add3A : vector<4096x256xf32>
    %get3A_14 = arith.constant 0 : index
    %get3A_15 = arith.constant 0 : index
    %get3A_16 = arith.constant 0 : index
    %get3A_17 = vector.load %arg5[%get3A_14, %get3A_15, %get3A_16] : memref<1x256x768xf32, #tpu.memory_space<vmem>>, vector<1x256x768xf32>
    %get3A_18 = vector.shape_cast %get3A_17 : vector<1x256x768xf32> to vector<256x768xf32>
    %dot_general3A_19 = arith.constant dense<0.000000e+00> : vector<4096x256xf32>
    %dot_general3A_20 = tpu.matmul %get3A_1, %get3A_18, %dot_general3A_19 {dimension_numbers = #tpu.dot_dimension_numbers<[1], [1], [0], [0], [0, 0, 1, 0], [], []>, transpose_lhs_hint = false} : vector<4096x768xf32>, vector<256x768xf32>, vector<4096x256xf32> -> vector<4096x256xf32>
    %get3A_21 = arith.constant 0 : index
    %get3A_22 = arith.index_cast %arg1 : i32 to index
    %get3A_23 = arith.constant 0 : index
    %get3A_24 = vector.load %arg6[%get3A_21, %get3A_22, %get3A_23] : memref<1x8x256xf32, #tpu.memory_space<vmem>>, vector<1x1x256xf32>
    %get3A_25 = vector.shape_cast %get3A_24 : vector<1x1x256xf32> to vector<1x256xf32>
    %add3A_26 = vector.broadcast %get3A_25 : vector<1x256xf32> to vector<4096x256xf32>
    %add3A_27 = arith.addf %dot_general3A_20, %add3A_26 : vector<4096x256xf32>
    %get3A_28 = arith.constant 0 : index
    %get3A_29 = arith.constant 0 : index
    %get3A_30 = arith.constant 0 : index
    %get3A_31 = vector.load %arg7[%get3A_28, %get3A_29, %get3A_30] : memref<1x256x768xf32, #tpu.memory_space<vmem>>, vector<1x256x768xf32>
    %get3A_32 = vector.shape_cast %get3A_31 : vector<1x256x768xf32> to vector<256x768xf32>
    %dot_general3A_33 = arith.constant dense<0.000000e+00> : vector<4096x256xf32>
    %dot_general3A_34 = tpu.matmul %get3A_1, %get3A_32, %dot_general3A_33 {dimension_numbers = #tpu.dot_dimension_numbers<[1], [1], [0], [0], [0, 0, 1, 0], [], []>, transpose_lhs_hint = false} : vector<4096x768xf32>, vector<256x768xf32>, vector<4096x256xf32> -> vector<4096x256xf32>
    %get3A_35 = arith.constant 0 : index
    %get3A_36 = arith.index_cast %arg1 : i32 to index
    %get3A_37 = arith.constant 0 : index
    %get3A_38 = vector.load %arg8[%get3A_35, %get3A_36, %get3A_37] : memref<1x8x256xf32, #tpu.memory_space<vmem>>, vector<1x1x256xf32>
    %get3A_39 = vector.shape_cast %get3A_38 : vector<1x1x256xf32> to vector<1x256xf32>
    %add3A_40 = vector.broadcast %get3A_39 : vector<1x256xf32> to vector<4096x256xf32>
    %add3A_41 = arith.addf %dot_general3A_34, %add3A_40 : vector<4096x256xf32>
    %logistic3A = arith.negf %add3A_13 : vector<4096x256xf32>
    %logistic3A_42 = math.exp %logistic3A : vector<4096x256xf32>
    %logistic3A_43 = arith.constant 1.000000e+00 : f32
    %logistic3A_44 = vector.broadcast %logistic3A_43 : f32 to vector<4096x256xf32>
    %logistic3A_45 = arith.addf %logistic3A_44, %logistic3A_42 : vector<4096x256xf32>
    %logistic3A_46 = arith.divf %logistic3A_44, %logistic3A_45 : vector<4096x256xf32>
    %tanh3A = math.tanh %add3A_27 : vector<4096x256xf32>
    %mul3A = arith.mulf %logistic3A_46, %tanh3A : vector<4096x256xf32>
    %convert_element_type3A = arith.truncf %mul3A : vector<4096x256xf32> to vector<4096x256xbf16>
    %logistic3A_47 = arith.negf %add3A_41 : vector<4096x256xf32>
    %logistic3A_48 = math.exp %logistic3A_47 : vector<4096x256xf32>
    %logistic3A_49 = arith.constant 1.000000e+00 : f32
    %logistic3A_50 = vector.broadcast %logistic3A_49 : f32 to vector<4096x256xf32>
    %logistic3A_51 = arith.addf %logistic3A_50, %logistic3A_48 : vector<4096x256xf32>
    %logistic3A_52 = arith.divf %logistic3A_50, %logistic3A_51 : vector<4096x256xf32>
    %mul3A_53 = arith.constant 9.980000e-01 : f32
    %mul3A_54 = vector.broadcast %mul3A_53 : f32 to vector<4096x256xf32>
    %mul3A_55 = arith.mulf %mul3A_54, %logistic3A_52 : vector<4096x256xf32>
    %add3A_56 = arith.constant 1.000000e-03 : f32
    %add3A_57 = vector.broadcast %add3A_56 : f32 to vector<4096x256xf32>
    %add3A_58 = arith.addf %add3A_57, %mul3A_55 : vector<4096x256xf32>
    %get3A_59 = arith.constant 0 : index
    %get3A_60 = arith.constant 4 : index
    %get3A_61 = vector.load %arg9[%get3A_59, %get3A_60] : memref<4096x8xf32, #tpu.memory_space<vmem>>, vector<4096x1xf32>
    %mul3A_62 = vector.broadcast %get3A_61 : vector<4096x1xf32> to vector<4096x256xf32>
    %mul3A_63 = arith.mulf %add3A_58, %mul3A_62 : vector<4096x256xf32>
    %convert_element_type3A_64 = arith.truncf %mul3A_63 : vector<4096x256xf32> to vector<4096x256xbf16>
    %broadcast_in_dim3A = arith.constant 1.000000e+00 : bf16
    %broadcast_in_dim3A_65 = vector.broadcast %broadcast_in_dim3A : bf16 to vector<1x256xbf16>
    %slice3A = vector.extract_strided_slice %convert_element_type3A_64 {offsets = [0, 0], sizes = [4095, 256], strides = [1, 1]} : vector<4096x256xbf16> to vector<4095x256xbf16>
    %concatenate3A = tpu.concatenate %broadcast_in_dim3A_65, %slice3A in 0 : vector<1x256xbf16>, vector<4095x256xbf16> -> vector<4096x256xbf16>
    %broadcast_in_dim3A_66 = arith.constant 0.000000e+00 : bf16
    %broadcast_in_dim3A_67 = vector.broadcast %broadcast_in_dim3A_66 : bf16 to vector<1x256xbf16>
    %slice3A_68 = vector.extract_strided_slice %convert_element_type3A {offsets = [0, 0], sizes = [4095, 256], strides = [1, 1]} : vector<4096x256xbf16> to vector<4095x256xbf16>
    %concatenate3A_69 = tpu.concatenate %broadcast_in_dim3A_67, %slice3A_68 in 0 : vector<1x256xbf16>, vector<4095x256xbf16> -> vector<4096x256xbf16>
    %mul3A_70 = arith.mulf %convert_element_type3A_64, %concatenate3A_69 : vector<4096x256xbf16>
    %add3A_71 = arith.addf %convert_element_type3A, %mul3A_70 : vector<4096x256xbf16>
    %mul3A_72 = arith.mulf %convert_element_type3A_64, %concatenate3A : vector<4096x256xbf16>
    %broadcast_in_dim3A_73 = arith.constant 1.000000e+00 : bf16
    %broadcast_in_dim3A_74 = vector.broadcast %broadcast_in_dim3A_73 : bf16 to vector<2x256xbf16>
    %slice3A_75 = vector.extract_strided_slice %mul3A_72 {offsets = [0, 0], sizes = [4094, 256], strides = [1, 1]} : vector<4096x256xbf16> to vector<4094x256xbf16>
    %concatenate3A_76 = tpu.concatenate %broadcast_in_dim3A_74, %slice3A_75 in 0 : vector<2x256xbf16>, vector<4094x256xbf16> -> vector<4096x256xbf16>
    %broadcast_in_dim3A_77 = arith.constant 0.000000e+00 : bf16
    %broadcast_in_dim3A_78 = vector.broadcast %broadcast_in_dim3A_77 : bf16 to vector<2x256xbf16>
    %slice3A_79 = vector.extract_strided_slice %add3A_71 {offsets = [0, 0], sizes = [4094, 256], strides = [1, 1]} : vector<4096x256xbf16> to vector<4094x256xbf16>
    %concatenate3A_80 = tpu.concatenate %broadcast_in_dim3A_78, %slice3A_79 in 0 : vector<2x256xbf16>, vector<4094x256xbf16> -> vector<4096x256xbf16>
    %mul3A_81 = arith.mulf %mul3A_72, %concatenate3A_80 : vector<4096x256xbf16>
    %add3A_82 = arith.addf %add3A_71, %mul3A_81 : vector<4096x256xbf16>
    %mul3A_83 = arith.mulf %mul3A_72, %concatenate3A_76 : vector<4096x256xbf16>
    %broadcast_in_dim3A_84 = arith.constant 1.000000e+00 : bf16
    %broadcast_in_dim3A_85 = vector.broadcast %broadcast_in_dim3A_84 : bf16 to vector<4x256xbf16>
    %slice3A_86 = vector.extract_strided_slice %mul3A_83 {offsets = [0, 0], sizes = [4092, 256], strides = [1, 1]} : vector<4096x256xbf16> to vector<4092x256xbf16>
    %concatenate3A_87 = tpu.concatenate %broadcast_in_dim3A_85, %slice3A_86 in 0 : vector<4x256xbf16>, vector<4092x256xbf16> -> vector<4096x256xbf16>
    %broadcast_in_dim3A_88 = arith.constant 0.000000e+00 : bf16
    %broadcast_in_dim3A_89 = vector.broadcast %broadcast_in_dim3A_88 : bf16 to vector<4x256xbf16>
    %slice3A_90 = vector.extract_strided_slice %add3A_82 {offsets = [0, 0], sizes = [4092, 256], strides = [1, 1]} : vector<4096x256xbf16> to vector<4092x256xbf16>
    %concatenate3A_91 = tpu.concatenate %broadcast_in_dim3A_89, %slice3A_90 in 0 : vector<4x256xbf16>, vector<4092x256xbf16> -> vector<4096x256xbf16>
    %mul3A_92 = arith.mulf %mul3A_83, %concatenate3A_91 : vector<4096x256xbf16>
    %add3A_93 = arith.addf %add3A_82, %mul3A_92 : vector<4096x256xbf16>
    %mul3A_94 = arith.mulf %mul3A_83, %concatenate3A_87 : vector<4096x256xbf16>
    %broadcast_in_dim3A_95 = arith.constant 1.000000e+00 : bf16
    %broadcast_in_dim3A_96 = vector.broadcast %broadcast_in_dim3A_95 : bf16 to vector<8x256xbf16>
    %slice3A_97 = vector.extract_strided_slice %mul3A_94 {offsets = [0, 0], sizes = [4088, 256], strides = [1, 1]} : vector<4096x256xbf16> to vector<4088x256xbf16>
    %concatenate3A_98 = tpu.concatenate %broadcast_in_dim3A_96, %slice3A_97 in 0 : vector<8x256xbf16>, vector<4088x256xbf16> -> vector<4096x256xbf16>
    %broadcast_in_dim3A_99 = arith.constant 0.000000e+00 : bf16
    %broadcast_in_dim3A_100 = vector.broadcast %broadcast_in_dim3A_99 : bf16 to vector<8x256xbf16>
    %slice3A_101 = vector.extract_strided_slice %add3A_93 {offsets = [0, 0], sizes = [4088, 256], strides = [1, 1]} : vector<4096x256xbf16> to vector<4088x256xbf16>
    %concatenate3A_102 = tpu.concatenate %broadcast_in_dim3A_100, %slice3A_101 in 0 : vector<8x256xbf16>, vector<4088x256xbf16> -> vector<4096x256xbf16>
    %mul3A_103 = arith.mulf %mul3A_94, %concatenate3A_102 : vector<4096x256xbf16>
    %add3A_104 = arith.addf %add3A_93, %mul3A_103 : vector<4096x256xbf16>
    %mul3A_105 = arith.mulf %mul3A_94, %concatenate3A_98 : vector<4096x256xbf16>
    %broadcast_in_dim3A_106 = arith.constant 1.000000e+00 : bf16
    %broadcast_in_dim3A_107 = vector.broadcast %broadcast_in_dim3A_106 : bf16 to vector<16x256xbf16>
    %slice3A_108 = vector.extract_strided_slice %mul3A_105 {offsets = [0, 0], sizes = [4080, 256], strides = [1, 1]} : vector<4096x256xbf16> to vector<4080x256xbf16>
    %concatenate3A_109 = tpu.concatenate %broadcast_in_dim3A_107, %slice3A_108 in 0 : vector<16x256xbf16>, vector<4080x256xbf16> -> vector<4096x256xbf16>
    %broadcast_in_dim3A_110 = arith.constant 0.000000e+00 : bf16
    %broadcast_in_dim3A_111 = vector.broadcast %broadcast_in_dim3A_110 : bf16 to vector<16x256xbf16>
    %slice3A_112 = vector.extract_strided_slice %add3A_104 {offsets = [0, 0], sizes = [4080, 256], strides = [1, 1]} : vector<4096x256xbf16> to vector<4080x256xbf16>
    %concatenate3A_113 = tpu.concatenate %broadcast_in_dim3A_111, %slice3A_112 in 0 : vector<16x256xbf16>, vector<4080x256xbf16> -> vector<4096x256xbf16>
    %mul3A_114 = arith.mulf %mul3A_105, %concatenate3A_113 : vector<4096x256xbf16>
    %add3A_115 = arith.addf %add3A_104, %mul3A_114 : vector<4096x256xbf16>
    %mul3A_116 = arith.mulf %mul3A_105, %concatenate3A_109 : vector<4096x256xbf16>
    %broadcast_in_dim3A_117 = arith.constant 1.000000e+00 : bf16
    %broadcast_in_dim3A_118 = vector.broadcast %broadcast_in_dim3A_117 : bf16 to vector<32x256xbf16>
    %slice3A_119 = vector.extract_strided_slice %mul3A_116 {offsets = [0, 0], sizes = [4064, 256], strides = [1, 1]} : vector<4096x256xbf16> to vector<4064x256xbf16>
    %concatenate3A_120 = tpu.concatenate %broadcast_in_dim3A_118, %slice3A_119 in 0 : vector<32x256xbf16>, vector<4064x256xbf16> -> vector<4096x256xbf16>
    %broadcast_in_dim3A_121 = arith.constant 0.000000e+00 : bf16
    %broadcast_in_dim3A_122 = vector.broadcast %broadcast_in_dim3A_121 : bf16 to vector<32x256xbf16>
    %slice3A_123 = vector.extract_strided_slice %add3A_115 {offsets = [0, 0], sizes = [4064, 256], strides = [1, 1]} : vector<4096x256xbf16> to vector<4064x256xbf16>
    %concatenate3A_124 = tpu.concatenate %broadcast_in_dim3A_122, %slice3A_123 in 0 : vector<32x256xbf16>, vector<4064x256xbf16> -> vector<4096x256xbf16>
    %mul3A_125 = arith.mulf %mul3A_116, %concatenate3A_124 : vector<4096x256xbf16>
    %add3A_126 = arith.addf %add3A_115, %mul3A_125 : vector<4096x256xbf16>
    %mul3A_127 = arith.mulf %mul3A_116, %concatenate3A_120 : vector<4096x256xbf16>
    %broadcast_in_dim3A_128 = arith.constant 1.000000e+00 : bf16
    %broadcast_in_dim3A_129 = vector.broadcast %broadcast_in_dim3A_128 : bf16 to vector<64x256xbf16>
    %slice3A_130 = vector.extract_strided_slice %mul3A_127 {offsets = [0, 0], sizes = [4032, 256], strides = [1, 1]} : vector<4096x256xbf16> to vector<4032x256xbf16>
    %concatenate3A_131 = tpu.concatenate %broadcast_in_dim3A_129, %slice3A_130 in 0 : vector<64x256xbf16>, vector<4032x256xbf16> -> vector<4096x256xbf16>
    %broadcast_in_dim3A_132 = arith.constant 0.000000e+00 : bf16
    %broadcast_in_dim3A_133 = vector.broadcast %broadcast_in_dim3A_132 : bf16 to vector<64x256xbf16>
    %slice3A_134 = vector.extract_strided_slice %add3A_126 {offsets = [0, 0], sizes = [4032, 256], strides = [1, 1]} : vector<4096x256xbf16> to vector<4032x256xbf16>
    %concatenate3A_135 = tpu.concatenate %broadcast_in_dim3A_133, %slice3A_134 in 0 : vector<64x256xbf16>, vector<4032x256xbf16> -> vector<4096x256xbf16>
    %mul3A_136 = arith.mulf %mul3A_127, %concatenate3A_135 : vector<4096x256xbf16>
    %add3A_137 = arith.addf %add3A_126, %mul3A_136 : vector<4096x256xbf16>
    %mul3A_138 = arith.mulf %mul3A_127, %concatenate3A_131 : vector<4096x256xbf16>
    %broadcast_in_dim3A_139 = arith.constant 1.000000e+00 : bf16
    %broadcast_in_dim3A_140 = vector.broadcast %broadcast_in_dim3A_139 : bf16 to vector<128x256xbf16>
    %slice3A_141 = vector.extract_strided_slice %mul3A_138 {offsets = [0, 0], sizes = [3968, 256], strides = [1, 1]} : vector<4096x256xbf16> to vector<3968x256xbf16>
    %concatenate3A_142 = tpu.concatenate %broadcast_in_dim3A_140, %slice3A_141 in 0 : vector<128x256xbf16>, vector<3968x256xbf16> -> vector<4096x256xbf16>
    %broadcast_in_dim3A_143 = arith.constant 0.000000e+00 : bf16
    %broadcast_in_dim3A_144 = vector.broadcast %broadcast_in_dim3A_143 : bf16 to vector<128x256xbf16>
    %slice3A_145 = vector.extract_strided_slice %add3A_137 {offsets = [0, 0], sizes = [3968, 256], strides = [1, 1]} : vector<4096x256xbf16> to vector<3968x256xbf16>
    %concatenate3A_146 = tpu.concatenate %broadcast_in_dim3A_144, %slice3A_145 in 0 : vector<128x256xbf16>, vector<3968x256xbf16> -> vector<4096x256xbf16>
    %mul3A_147 = arith.mulf %mul3A_138, %concatenate3A_146 : vector<4096x256xbf16>
    %add3A_148 = arith.addf %add3A_137, %mul3A_147 : vector<4096x256xbf16>
    %mul3A_149 = arith.mulf %mul3A_138, %concatenate3A_142 : vector<4096x256xbf16>
    %broadcast_in_dim3A_150 = arith.constant 1.000000e+00 : bf16
    %broadcast_in_dim3A_151 = vector.broadcast %broadcast_in_dim3A_150 : bf16 to vector<256x256xbf16>
    %slice3A_152 = vector.extract_strided_slice %mul3A_149 {offsets = [0, 0], sizes = [3840, 256], strides = [1, 1]} : vector<4096x256xbf16> to vector<3840x256xbf16>
    %concatenate3A_153 = tpu.concatenate %broadcast_in_dim3A_151, %slice3A_152 in 0 : vector<256x256xbf16>, vector<3840x256xbf16> -> vector<4096x256xbf16>
    %broadcast_in_dim3A_154 = arith.constant 0.000000e+00 : bf16
    %broadcast_in_dim3A_155 = vector.broadcast %broadcast_in_dim3A_154 : bf16 to vector<256x256xbf16>
    %slice3A_156 = vector.extract_strided_slice %add3A_148 {offsets = [0, 0], sizes = [3840, 256], strides = [1, 1]} : vector<4096x256xbf16> to vector<3840x256xbf16>
    %concatenate3A_157 = tpu.concatenate %broadcast_in_dim3A_155, %slice3A_156 in 0 : vector<256x256xbf16>, vector<3840x256xbf16> -> vector<4096x256xbf16>
    %mul3A_158 = arith.mulf %mul3A_149, %concatenate3A_157 : vector<4096x256xbf16>
    %add3A_159 = arith.addf %add3A_148, %mul3A_158 : vector<4096x256xbf16>
    %mul3A_160 = arith.mulf %mul3A_149, %concatenate3A_153 : vector<4096x256xbf16>
    %broadcast_in_dim3A_161 = arith.constant 1.000000e+00 : bf16
    %broadcast_in_dim3A_162 = vector.broadcast %broadcast_in_dim3A_161 : bf16 to vector<512x256xbf16>
    %slice3A_163 = vector.extract_strided_slice %mul3A_160 {offsets = [0, 0], sizes = [3584, 256], strides = [1, 1]} : vector<4096x256xbf16> to vector<3584x256xbf16>
    %concatenate3A_164 = tpu.concatenate %broadcast_in_dim3A_162, %slice3A_163 in 0 : vector<512x256xbf16>, vector<3584x256xbf16> -> vector<4096x256xbf16>
    %broadcast_in_dim3A_165 = arith.constant 0.000000e+00 : bf16
    %broadcast_in_dim3A_166 = vector.broadcast %broadcast_in_dim3A_165 : bf16 to vector<512x256xbf16>
    %slice3A_167 = vector.extract_strided_slice %add3A_159 {offsets = [0, 0], sizes = [3584, 256], strides = [1, 1]} : vector<4096x256xbf16> to vector<3584x256xbf16>
    %concatenate3A_168 = tpu.concatenate %broadcast_in_dim3A_166, %slice3A_167 in 0 : vector<512x256xbf16>, vector<3584x256xbf16> -> vector<4096x256xbf16>
    %mul3A_169 = arith.mulf %mul3A_160, %concatenate3A_168 : vector<4096x256xbf16>
    %add3A_170 = arith.addf %add3A_159, %mul3A_169 : vector<4096x256xbf16>
    %mul3A_171 = arith.mulf %mul3A_160, %concatenate3A_164 : vector<4096x256xbf16>
    %broadcast_in_dim3A_172 = arith.constant 0.000000e+00 : bf16
    %broadcast_in_dim3A_173 = vector.broadcast %broadcast_in_dim3A_172 : bf16 to vector<1024x256xbf16>
    %slice3A_174 = vector.extract_strided_slice %add3A_170 {offsets = [0, 0], sizes = [3072, 256], strides = [1, 1]} : vector<4096x256xbf16> to vector<3072x256xbf16>
    %concatenate3A_175 = tpu.concatenate %broadcast_in_dim3A_173, %slice3A_174 in 0 : vector<1024x256xbf16>, vector<3072x256xbf16> -> vector<4096x256xbf16>
    %mul3A_176 = arith.mulf %mul3A_171, %concatenate3A_175 : vector<4096x256xbf16>
    %add3A_177 = arith.addf %add3A_170, %mul3A_176 : vector<4096x256xbf16>
    %convert_element_type3A_178 = arith.extf %add3A_177 : vector<4096x256xbf16> to vector<4096x256xf32>
    %get3A_179 = arith.constant 0 : index
    %get3A_180 = arith.constant 0 : index
    %get3A_181 = vector.load %arg9[%get3A_179, %get3A_180] : memref<4096x8xf32, #tpu.memory_space<vmem>>, vector<4096x8xf32>
    %convert_element_type3A_182 = arith.sitofp %arg1 : i32 to f32
    %slice3A_183 = vector.extract_strided_slice %get3A_181 {offsets = [0, 0], sizes = [4096, 1], strides = [1, 1]} : vector<4096x8xf32> to vector<4096x1xf32>
    %slice3A_184 = vector.extract_strided_slice %get3A_181 {offsets = [0, 2], sizes = [4096, 1], strides = [1, 1]} : vector<4096x8xf32> to vector<4096x1xf32>
    %eq3A = vector.broadcast %convert_element_type3A_182 : f32 to vector<4096x1xf32>
    %eq3A_185 = arith.cmpf oeq, %slice3A_184, %eq3A : vector<4096x1xf32>
    %jit3A = arith.constant 1.000000e+00 : f32
    %jit3A_186 = arith.constant 0.000000e+00 : f32
    %broadcast_in_dim3A_187 = vector.broadcast %jit3A : f32 to vector<4096x1xf32>
    %broadcast_in_dim3A_188 = vector.broadcast %jit3A_186 : f32 to vector<4096x1xf32>
    %select_n3A = arith.select %eq3A_185, %broadcast_in_dim3A_187, %broadcast_in_dim3A_188 : vector<4096x1xi1>, vector<4096x1xf32>
    %mul3A_189 = arith.mulf %slice3A_183, %select_n3A : vector<4096x1xf32>
    %slice3A_190 = vector.extract_strided_slice %get3A_181 {offsets = [0, 1], sizes = [4096, 1], strides = [1, 1]} : vector<4096x8xf32> to vector<4096x1xf32>
    %slice3A_191 = vector.extract_strided_slice %get3A_181 {offsets = [0, 3], sizes = [4096, 1], strides = [1, 1]} : vector<4096x8xf32> to vector<4096x1xf32>
    %eq3A_192 = vector.broadcast %convert_element_type3A_182 : f32 to vector<4096x1xf32>
    %eq3A_193 = arith.cmpf oeq, %slice3A_191, %eq3A_192 : vector<4096x1xf32>
    %jit3A_194 = arith.constant 1.000000e+00 : f32
    %jit3A_195 = arith.constant 0.000000e+00 : f32
    %broadcast_in_dim3A_196 = vector.broadcast %jit3A_194 : f32 to vector<4096x1xf32>
    %broadcast_in_dim3A_197 = vector.broadcast %jit3A_195 : f32 to vector<4096x1xf32>
    %select_n3A_198 = arith.select %eq3A_193, %broadcast_in_dim3A_196, %broadcast_in_dim3A_197 : vector<4096x1xi1>, vector<4096x1xf32>
    %mul3A_199 = arith.mulf %slice3A_190, %select_n3A_198 : vector<4096x1xf32>
    %add3A_200 = arith.addf %mul3A_189, %mul3A_199 : vector<4096x1xf32>
    %mul3A_201 = vector.broadcast %add3A_200 : vector<4096x1xf32> to vector<4096x256xf32>
    %mul3A_202 = arith.mulf %convert_element_type3A_178, %mul3A_201 : vector<4096x256xf32>
    %eq3A_203 = arith.constant 0 : i32
    %eq3A_204 = arith.cmpi eq, %arg1, %eq3A_203 : i32
    %convert_element_type3A_205 = arith.extui %eq3A_204 : i1 to i32
    %cond3A = arith.constant 0 : i32
    %cond3A_206 = arith.cmpi ne, %convert_element_type3A_205, %cond3A : i32
    scf.if %cond3A_206 {
      %swap3A = arith.constant 0 : index
      %swap3A_211 = arith.constant 0 : index
      %swap3A_212 = vector.load %arg10[%swap3A, %swap3A_211] : memref<4096x256xf32, #tpu.memory_space<vmem>>, vector<4096x256xf32>
      tpu.vector_store %arg10[%swap3A, %swap3A_211], %mul3A_202 {strides = array<i32>} : memref<4096x256xf32, #tpu.memory_space<vmem>>, vector<4096x256xf32>,
    } else {
    }
    %ne3A = arith.constant 0 : i32
    %ne3A_207 = arith.cmpi ne, %arg1, %ne3A : i32
    %convert_element_type3A_208 = arith.extui %ne3A_207 : i1 to i32
    %cond3A_209 = arith.constant 0 : i32
    %cond3A_210 = arith.cmpi ne, %convert_element_type3A_208, %cond3A_209 : i32
    scf.if %cond3A_210 {
      %get3A_211 = arith.constant 0 : index
      %get3A_212 = arith.constant 0 : index
      %get3A_213 = vector.load %arg10[%get3A_211, %get3A_212] : memref<4096x256xf32, #tpu.memory_space<vmem>>, vector<4096x256xf32>
      %add3A_214 = arith.addf %get3A_213, %mul3A_202 : vector<4096x256xf32>
      %swap3A = arith.constant 0 : index
      %swap3A_215 = arith.constant 0 : index
      %swap3A_216 = vector.load %arg10[%swap3A, %swap3A_215] : memref<4096x256xf32, #tpu.memory_space<vmem>>, vector<4096x256xf32>
      tpu.vector_store %arg10[%swap3A, %swap3A_215], %add3A_214 {strides = array<i32>} : memref<4096x256xf32, #tpu.memory_space<vmem>>, vector<4096x256xf32>,
    } else {
    }
    return
  }
  func.func @transform_0(%arg0: i32, %arg1: i32) -> (i32, i32) {
    %c0_i32 = arith.constant 0 : i32
    %c0_i32_0 = arith.constant 0 : i32
    %c0_i32_1 = arith.constant 0 : i32
    return %c0_i32, %c0_i32_0 : i32, i32
  }
  func.func @transform_1(%arg0: i32, %arg1: i32) -> (i32, i32, i32) {
    %c0_i32 = arith.constant 0 : i32
    %c0_i32_0 = arith.constant 0 : i32
    return %arg1, %arg0, %c0_i32 : i32, i32, i32
  }
  func.func @transform_2(%arg0: i32, %arg1: i32) -> (i32, i32, i32) {
    %c0_i32 = arith.constant 0 : i32
    %c0_i32_0 = arith.constant 0 : i32
    %c0_i32_1 = arith.constant 0 : i32
    return %arg0, %c0_i32, %c0_i32_0 : i32, i32, i32
  }
  func.func @transform_3(%arg0: i32, %arg1: i32) -> (i32, i32, i32) {
    %c0_i32 = arith.constant 0 : i32
    %c0_i32_0 = arith.constant 0 : i32
    return %arg1, %arg0, %c0_i32 : i32, i32, i32
  }
  func.func @transform_4(%arg0: i32, %arg1: i32) -> (i32, i32, i32) {
    %c0_i32 = arith.constant 0 : i32
    %c0_i32_0 = arith.constant 0 : i32
    %c0_i32_1 = arith.constant 0 : i32
    return %arg0, %c0_i32, %c0_i32_0 : i32, i32, i32
  }
  func.func @transform_5(%arg0: i32, %arg1: i32) -> (i32, i32, i32) {
    %c0_i32 = arith.constant 0 : i32
    %c0_i32_0 = arith.constant 0 : i32
    return %arg1, %arg0, %c0_i32 : i32, i32, i32
  }
  func.func @transform_6(%arg0: i32, %arg1: i32) -> (i32, i32, i32) {
    %c0_i32 = arith.constant 0 : i32
    %c0_i32_0 = arith.constant 0 : i32
    %c0_i32_1 = arith.constant 0 : i32
    return %arg0, %c0_i32, %c0_i32_0 : i32, i32, i32
  }
  func.func @transform_7(%arg0: i32, %arg1: i32) -> (i32, i32) {
    %c0_i32 = arith.constant 0 : i32
    %c0_i32_0 = arith.constant 0 : i32
    %c0_i32_1 = arith.constant 0 : i32
    return %c0_i32, %c0_i32_0 : i32, i32
  }
  func.func @transform_8(%arg0: i32, %arg1: i32) -> (i32, i32) {
    %c0_i32 = arith.constant 0 : i32
    %c0_i32_0 = arith.constant 0 : i32
    return %c0_i32, %arg0 : i32, i32
  }
}

module attributes {stable_mosaic.version = 14 : i64} {
  func.func @_logits_body(%arg0: memref<4096x768xf32, #tpu.memory_space<vmem>>, %arg1: memref<8x768xf32, #tpu.memory_space<vmem>>, %arg2: memref<8x4096xf32, #tpu.memory_space<vmem>>) attributes {dimension_semantics = [], scalar_prefetch = 0 : i64, scratch_operands = 0 : i64, tpu.core_type = #tpu.core_type<tc>} {
    %get3A = arith.constant 0 : index
    %get3A_0 = arith.constant 0 : index
    %get3A_1 = vector.load %arg1[%get3A, %get3A_0] : memref<8x768xf32, #tpu.memory_space<vmem>>, vector<8x768xf32>
    %get3A_2 = arith.constant 0 : index
    %get3A_3 = arith.constant 0 : index
    %get3A_4 = vector.load %arg0[%get3A_2, %get3A_3] : memref<4096x768xf32, #tpu.memory_space<vmem>>, vector<4096x768xf32>
    %dot_general3A = arith.constant dense<0.000000e+00> : vector<8x4096xf32>
    %dot_general3A_5 = tpu.matmul %get3A_1, %get3A_4, %dot_general3A {dimension_numbers = #tpu.dot_dimension_numbers<[1], [1], [0], [0], [0, 0, 1, 0], [], []>, transpose_lhs_hint = false} : vector<8x768xf32>, vector<4096x768xf32>, vector<8x4096xf32> -> vector<8x4096xf32>
    %swap3A = arith.constant 0 : index
    %swap3A_6 = arith.constant 0 : index
    %swap3A_7 = vector.load %arg2[%swap3A, %swap3A_6] : memref<8x4096xf32, #tpu.memory_space<vmem>>, vector<8x4096xf32>
    tpu.vector_store %arg2[%swap3A, %swap3A_6], %dot_general3A_5 {strides = array<i32>} : memref<8x4096xf32, #tpu.memory_space<vmem>>, vector<8x4096xf32>,
    return
  }
}

</mosaic_0001>

<sc_bundles>
// kernel: kernel.5.cloned.1.call-start
scs
__scs_entry_jumppad:
0x0: {  	(pc) =	sbr.rel $0x88, $3  }
0x1: {  	(tag) =	ssettag $0x0;
	lr =	simm.s32 $0x1  }
0x2: {  	[smem:$0x3F99] =	sst lr;
	_ =	strace $0xD0000000  }
0x3: {  	_ = 	snop  }
0x4: {  	_ = 	snop  }
0x5: {  	_ = 	snop  }
0x6: {  	_ = 	snop  }
0x7: {  	_ = 	snop  }
__scs_overlays_trampoline_lowered:
0x8: {  	[smem:$0x3FA8] =	sst s0  }
0x9: {  	[smem:$0x3FA9] =	sst s1  }
0xa: {  	[smem:$0x3FAA] =	sst s2  }
0xb: {  	[smem:$0x3FAB] =	sst s3  }
0xc: {  	[smem:$0x3FAC] =	sst s4  }
0xd: {  	[smem:$0x3FAD] =	sst s5  }
0xe: {  	[smem:$0x3FAE] =	sst s6  }
0xf: {  	[smem:$0x3FAF] =	sst s7  }
0x10: {  	[smem:$0x3FB0] =	sst s8  }
0x11: {  	[smem:$0x3FB1] =	sst s9;
	s0 =	simm.s32 @!p0 $0x0  }
0x12: {  	s1 =	sld [smem:$0x3F97];
	s0 =	simm.s32 @p0 $0x1  }
0x13: {  	[smem:$0x3FB2] =	sst s0;
	s0 =	simm.s32 @!p1 $0x0  }
0x14: {  	s2 =	sld [smem:$0x3F96];
	s0 =	simm.s32 @p1 $0x1  }
0x15: {  	[smem:$0x3FB3] =	sst s0;
	s0 =	simm.s32 @!p2 $0x0  }
0x16: {  	s3 =	sld [smem:$0x3FDB];
	s0 =	simm.s32 @p2 $0x1  }
0x17: {  	s4 =	simm.s32 $0x1BF5;
	[smem:$0x3FB5] =	sst s0  }
0x18: {  	s0 =	sld [smem:$0x3F98];
	_ =	swait.ge [sflag:s4], $0x0  }
0x19: {  	s7 =	sld [smem:$0x3F99]  }
0x1a: {  	s8 =	sadd.s32 $0xFFFFE003, lr  }
0x1b: {  	s9 =	sadd.s32 $0xFFFFFEF7, lr;
	s5 =	simm.s32 $0xFFFFFFFF;
	p2 =	slt.u32 s8, $0xFFFFF086  }
0x1c: {  	p1 =	slt.u32 s9, $0xF7A;
	s5 =	simm.s32 @!p2 $0x0  }
0x1d: {  	s5 =	simm.s32 @p1 $0x1;
	p0 =	seq.s32 s7, s2  }
0x1e: {  	s7 =	smul.u32 @!p0 $0xF7A, s2;
	p2 =	seq.s32 @!p0 s5, $0x0  }
0x1f: {  	s9 =	smul.u32 $0xF7A, s1;
	s8 =	simm.s32 @!p0 $0x1BF5;
	p2 =	por !p2, p0  }
0x20: {  	[sflag:s8] =	ssyncset.s32 @!p0 $0xFFFFF086;
	s6 =	sadd.s32 @!p0 s3, s7;
	s7 =	simm.s32 @!p0 $0x108  }
0x21: {  	s3 =	sadd.s32 s3, s9;
	s6 =	sadd.s32 @!p0 $0x88, s6;
	s7 =	simm.s32 @p2 $0x1082  }
0x22: {  	[simem:s7], [sflag:s8] =	dma.local @!p0 [hbm:s6], $0xF7A  }
0x23: {  	s9 =	sor.u32 $0xD0000000, s2;
	s6 =	simm.s32 $0x108;
	_ =	swait.ge @!p0 [sflag:s8], $0x0  }
0x24: {  	s3 =	sadd.s32 $0x88, s3;
	s6 =	simm.s32 @!p1 $0x1082;
	[sflag:s4] =	ssyncset.s32 $0xFFFFF086  }
0x25: {  	[simem:s6], [sflag:s4] =	dma.local [hbm:s3], $0xF7A  }
0x26: {  	[smem:$0x3F99] =	sst s1;
	(tag) =	ssettag s2;
	_ =	strace s9  }
0x27: {  	s1 =	sld [smem:$0x3FA9]  }
0x28: {  	s2 =	sld [smem:$0x3FAA]  }
0x29: {  	s4 =	sld [smem:$0x3FAC]  }
0x2a: {  	p0 =	seq.s32 s5, $0x0;
	s5 =	sld [smem:$0x3FAD]  }
0x2b: {  	s6 =	sld [smem:$0x3FAE]  }
0x2c: {  	s7 =	sld [smem:$0x3FAF]  }
0x2d: {  	s3 =	simm.s32 $0x108;
	s8 =	sld [smem:$0x3FB0]  }
0x2e: {  	s3 =	simm.s32 @!p0 $0x1082;
	s9 =	sld [smem:$0x3FB1]  }
0x2f: {  	lr =	sadd.s32 s0, s3;
	s0 =	sld [smem:$0x3FA8]  }
0x30: {  	s3 =	sld [smem:$0x3FAB]  }
0x31: {  	[smem:$0x3FB4] =	sst s10  }
0x32: {  	s10 =	sld [smem:$0x3FB2];
	_ =	sdelay $0x3  }
0x33: {  	p0 =	seq.s32 s10, $0x1;
	s10 =	sld [smem:$0x3FB4];
	_ =	sdelay $0x3  }
0x34: {  	[smem:$0x3FB4] =	sst s10  }
0x35: {  	s10 =	sld [smem:$0x3FB3];
	_ =	sdelay $0x3  }
0x36: {  	p1 =	seq.s32 s10, $0x1;
	s10 =	sld [smem:$0x3FB4];
	_ =	sdelay $0x3  }
0x37: {  	[smem:$0x3FB4] =	sst s10  }
0x38: {  	s10 =	sld [smem:$0x3FB5]  }
0x39: {  	_ = 	snop;
	(pc) =	sbr.ind lr, $3  }
0x3a: {  	_ = 	snop  }
0x3b: {  	_ = 	snop  }
0x3c: {  	p2 =	seq.s32 s10, $0x1;
	s10 =	sld [smem:$0x3FB4]  }
0x3d: {  	_ =	shalt  }
0x3e: {  	_ =	shalt  }
0x3f: {  	_ =	shalt  }
0x40: {  	_ =	shalt  }
0x41: {  	_ =	shalt  }
0x42: {  	_ =	shalt  }
0x43: {  	_ =	shalt  }
0x44: {  	_ =	shalt  }
0x45: {  	_ =	shalt  }
0x46: {  	_ =	shalt  }
0x47: {  	_ =	shalt  }
0x48: {  	_ =	shalt  }
0x49: {  	_ =	shalt  }
0x4a: {  	_ =	shalt  }
0x4b: {  	_ =	shalt  }
0x4c: {  	_ =	shalt  }
0x4d: {  	_ =	shalt  }
0x4e: {  	_ =	shalt  }
0x4f: {  	_ =	shalt  }
0x50: {  	_ =	shalt  }
0x51: {  	_ =	shalt  }
0x52: {  	_ =	shalt  }
0x53: {  	_ =	shalt  }
0x54: {  	_ =	shalt  }
0x55: {  	_ =	shalt  }
0x56: {  	_ =	shalt  }
0x57: {  	_ =	shalt  }
0x58: {  	_ =	shalt  }
0x59: {  	_ =	shalt  }
0x5a: {  	_ =	shalt  }
0x5b: {  	_ =	shalt  }
0x5c: {  	_ =	shalt  }
0x5d: {  	_ =	shalt  }
0x5e: {  	_ =	shalt  }
0x5f: {  	_ =	shalt  }
0x60: {  	_ =	shalt  }
0x61: {  	_ =	shalt  }
0x62: {  	_ =	shalt  }
0x63: {  	_ =	shalt  }
0x64: {  	_ =	shalt  }
0x65: {  	_ =	shalt  }
0x66: {  	_ =	shalt  }
0x67: {  	_ =	shalt  }
0x68: {  	_ =	shalt  }
0x69: {  	_ =	shalt  }
0x6a: {  	_ =	shalt  }
0x6b: {  	_ =	shalt  }
0x6c: {  	_ =	shalt  }
0x6d: {  	_ =	shalt  }
0x6e: {  	_ =	shalt  }
0x6f: {  	_ =	shalt  }
0x70: {  	_ =	shalt  }
0x71: {  	_ =	shalt  }
0x72: {  	_ =	shalt  }
0x73: {  	_ =	shalt  }
0x74: {  	_ =	shalt  }
0x75: {  	_ =	shalt  }
0x76: {  	_ =	shalt  }
0x77: {  	_ =	shalt  }
0x78: {  	_ =	shalt  }
0x79: {  	_ =	shalt  }
0x7a: {  	_ =	shalt  }
0x7b: {  	_ =	shalt  }
0x7c: {  	_ =	shalt  }
0x7d: {  	_ =	shalt  }
0x7e: {  	_ =	shalt  }
0x7f: {  	_ =	shalt  }
0x80: {  	_ =	shalt  }
0x81: {  	_ =	shalt  }
0x82: {  	_ =	shalt  }
0x83: {  	_ =	shalt  }
0x84: {  	_ =	shalt  }
0x85: {  	_ =	shalt  }
0x86: {  	_ =	shalt  }
0x87: {  	_ =	shalt  }
.Lfunc_end0:
.L_simem_size_0:
called_computation_lowered:
.L_overlay_start_0:
0x88: {  	s2 =	sld [smem:$0x3FD9]  }
0x89: {  	s3 =	sld [smem:$0x3FFE];
	_ =	sdelay $0x1  }
0x8a: {  	s1 =	srdreg.scid  }
0x8b: {  	s0 =	sand.u32 $0x1, s1  }
0x8c: {  	s17 =	sshll.u32 s0, $0xA;
	s2 =	sadd.s32 s3, s2  }
0x8d: {  	s2 =	sadd.s32 s2, s17  }
0x8e: {  	[smem:$0x3FC0] =	sst s2  }
0x8f: {  	_ = 	snop  }
0x90: {  	s2 =	sld [smem:$0x3FD0];
	(tm) =	ssettm $0x1  }
0x91: {  	s18 =	sld [smem:$0x3FFB];
	_ =	sdelay $0x3  }
0x92: {  	_ =	strace s18  }
0x93: {  	s3 =	sld [smem:$0x3FFC];
	_ =	sdelay $0x3  }
0x94: {  	_ =	strace s3  }
0x95: {  	s3 =	sld [smem:$0x3FFD];
	_ =	sdelay $0x3  }
0x96: {  	_ =	strace s3  }
0x97: {  	_ =	strace $0x8FFFFFFF  }
0x98: {  	s19 =	sld [smem:$0x3FDB];
	_ =	sdelay $0x1  }
0x99: {  	s4 =	simm.s32 $_scs_section_size  }
0x9a: {  	s5 =	simm.s32 $_size__tile_overlayer_lowered;
	s6 =	simm.s32 $_tile_overlayer_lowered  }
0x9b: {  	s22 =	simm.s32 $0x1BFF;
	s21 =	sshll.u32 s6, $0x1;
	s3 =	sadd.s32 s4, s19  }
0x9c: {  	s7 =	simm.s32 $0x0;
	s20 =	sshll.u32 s5, $0x1;
	s5 =	sadd.s32 s21, s3  }
0x9d: {  	[timem:s7], [sflag:s22] =	dma.local [hbm:s5], s20  }
0x9e: {  	_ =	swait.ge [sflag:s22], s20  }
0x9f: {  	s4 =	ssub.s32 $0x0, s20;
	[sflag:s22] =	ssyncset.done $0x0  }
0xa0: {  	[sflag:s22] =	ssyncadd.s32 s4;
	_ =	sdelay $0x1  }
0xa1: {  	s23 =	simm.s32 $0x1B8B  }
0xa2: {  	_ =	swait.ge [sflag:s23], $0x1  }
0xa3: {  	[sflag:s23] =	ssyncset.done $0x0  }
0xa4: {  	s25 =	simm.s32 $0x1B8E;
	s24 =	sld [smem:$0x3FFE];
	[sflag:s23] =	ssyncadd.s32 $0xFFFFFFFF  }
0xa5: {  	s26 =	simm.s32 $execute0_lowered;
	[smem:$0x3FD2] =	sst s25  }
0xa6: {  	s5 =	sshll.u32 s26, $0x1;
	_ =	strace $0x80000046;
	[dreg:$0x1] =	wrdreg $0xFFFFFFFF  }
0xa7: {  	s28 =	simm.s32 $_size_execute0_lowered;
	s3 =	sadd.s32 s3, s5;
	[dreg:$0x0] =	wrdreg $0x0  }
0xa8: {  	s5 =	sshll.u32 s28, $0x1;
	[dreg:$0x2] =	wrdreg s3  }
0xa9: {  	[dreg:$0x3] =	wrdreg s5  }
0xaa: {  	[dreg:$0x4] =	wrdreg $0xC0  }
0xab: {  	_ =	task [dreg:s7], $0x5FFFF  }
0xac: {  	[dreg:$0x1] =	wrdreg $0xFFFFFFFF  }
0xad: {  	[dreg:$0x0] =	wrdreg $0x60  }
0xae: {  	[dreg:$0x2] =	wrdreg s2  }
0xaf: {  	[dreg:$0x3] =	wrdreg s24  }
0xb0: {  	[dreg:$0x4] =	wrdreg $0x9  }
0xb1: {  	_ =	task.clear_ibuf [dreg:s7], $0x5FFFF;
	_ =	strace $0x90000046  }
0xb2: {  	s29 =	simm.s32 $0x9;
	_ =	strace $0x80000048  }
0xb3: {  	_ =	swait.ge [sflag:s29], $0x1  }
0xb4: {  	[sflag:s29] =	ssyncadd.s32 $0xFFFFFFFF  }
0xb5: {  	_ =	strace $0x90000048  }
0xb6: {  	_ =	sfence  }
0xb7: {  	s30 =	sld [smem:$0x0];
	_ =	sdelay $0x2  }
0xb8: {  	s31 =	sshll.u32 s1, $0xD;
	s1 =	sshrl.u32 s1, $0x2  }
0xb9: {  	s3 =	sand.u32 $0x4000, s31;
	s1 =	sadd.s32 s1, s30  }
0xba: {  	s0 =	sor.u32 s3, s0;
	s1 =	sshll.u32 s1, $0x11  }
0xbb: {  	s0 =	sor.u32 s1, s0  }
0xbc: {  	s0 =	sadd.s32 $0x8F2B, s0  }
0xbd: {  	[sflag:s0] =	ssyncadd.remote.s32 $0x1  }
0xbe: {  	_ =	sfence.sel $0xFFFF  }
0xbf: {  	[dreg:$0x0] =	wrdreg $0xFFFFFFFF;
	(pc) =	sbr.abs _section_cstart, $3  }
0xc0: {  	[dreg:$0x1] =	wrdreg $0xFFFFFFFF  }
0xc1: {  	_ =	task.clear_ibuf [dreg:s7], $0x2FFFF;
	_ =	strace $0x9FFFFFFF  }
0xc2: {  	(tm) =	ssettm $0x7FFFFFFF  }
0xc3: {  	_ =	shalt  }
tec
execute0_lowered:
.L_overlay_start_1:
0x0: {  	(tag) =	ssettag $0x1  }
0x1: {  	s3 =	rddreg [dreg:$0x0]  }
0x2: {  	s4 =	rddreg [dreg:$0x1];
	s2 =	srdreg.scid  }
0x3: {  	s0 =	rddreg [dreg:$0x2];
	s1 =	stileid.u32;
	s5 =	sand.u32 $0x1, s2  }
0x4: {  	s2 =	simm.s32 $0x0;
	s6 =	sshll.u32 s1, $0x8;
	s7 =	sshll.u32 s5, $0x7  }
0x5: {  	v0 =	vlaneseq.u32;
	[smem:$0x7FF] =	sst s2;
	s5 =	ssub.s32 $0x2, s5;
	s6 =	sor.u32 s7, s6  }
0x6: {  	v0 =	vor.u32 $0x800, v0;
	_ =	strace $0x80000047;
	s31 =	sshrl.u32 s5, $0x1;
	s7 =	simm.s32 $0x400;
	v1 =	vmov s6  }
0x7: {  	s4 =	sadd.s32 s6, s4;
	s5 =	ssub.s32 s5, s31;
	s3 =	sadd.s32 s3, s6;
	vm0 =	veq.s32 v1, v0;
	v0 =	vimm.f32 $1.000000000e+00  }
0x8: {  	v2 =	vimm.f32 $8.000000000e+00;
	s6 =	simm.s32 $0x1;
	s4 =	sadd.s32 $0x1200, s4;
	s5 =	smax.u32 s5, $0x1;
	v1 =	vsel vm0, $0x0, v0  }
.LBB2_1:
0x9: {  	[tilespmem:s2], [sflag:$0x1] =	stream.linear.gather [hbm4b:s3+s2], $0x400, $0x38;
	[tilespmem:$0x800] =	vst v63  }
0xa: {  	_ =	swait.ge [sflag:s6], $0x400  }
0xb: {  	[sflag:s6] =	ssyncset.done $0x0  }
0xc: {  	[sflag:s6] =	ssyncadd.s32 $0xFFFFFC00  }
0xd: {  	v4 =	vld [tilespmem:$0x0]  }
0xe: {  	v5 =	vld [tilespmem:$0x80]  }
0xf: {  	v6 =	vld [tilespmem:$0x100]  }
0x10: {  	v8 =	vld [tilespmem:$0x180]  }
0x11: {  	v9 =	vld [tilespmem:$0x200]  }
0x12: {  	v10 =	vld [tilespmem:$0x280]  }
0x13: {  	v11 =	vld [tilespmem:$0x300]  }
0x14: {  	v12 =	vld [tilespmem:$0x380]  }
0x15: {  	v14 =	vld [tilespmem:$0x10]  }
0x16: {  	v15 =	vld [tilespmem:$0x90]  }
0x17: {  	v16 =	vld [tilespmem:$0x110];
	v3 =	vmax.f32 v4, v5  }
0x18: {  	v17 =	vld [tilespmem:$0x190];
	v3 =	vmax.f32 v3, v6  }
0x19: {  	v18 =	vld [tilespmem:$0x210];
	v3 =	vmax.f32 v3, v8  }
0x1a: {  	v19 =	vld [tilespmem:$0x290];
	v3 =	vmax.f32 v3, v9  }
0x1b: {  	v20 =	vld [tilespmem:$0x310];
	v3 =	vmax.f32 v3, v10  }
0x1c: {  	v21 =	vld [tilespmem:$0x390];
	v3 =	vmax.f32 v3, v11  }
0x1d: {  	v51 =	vld [tilespmem:$0x20];
	v13 =	vmax.f32 v3, v12  }
0x1e: {  	v24 =	vld [tilespmem:$0xA0];
	v29 =	vmax.f32 v14, v15;
	vm0 =	vge.f32 v12, v13;
	vm5 =	vge.f32 v11, v13  }
0x1f: {  	v25 =	vld [tilespmem:$0x120];
	vm6 =	vge.f32 v10, v13;
	vm7 =	vge.f32 v9, v13;
	vm8 =	vge.f32 v8, v13  }
0x20: {  	v26 =	vld [tilespmem:$0x1A0];
	vm9 =	vge.f32 v6, v13;
	vm11 =	vge.f32 v4, v13;
	v3 =	vsel vm0, $0x40E00000, v2  }
0x21: {  	v27 =	vld [tilespmem:$0x220];
	v7 =	vsel vm11, $0xF149F2CA, v4;
	v4 =	vmax.f32 v29, v16;
	v3 =	vsel vm5, $0x40C00000, v3  }
0x22: {  	vm10 =	vge.f32 v5, v13;
	v4 =	vmax.f32 v4, v17;
	v3 =	vsel vm6, $0x40A00000, v3  }
0x23: {  	v29 =	vmax.f32 v51, v24;
	v4 =	vmax.f32 v4, v18;
	v3 =	vsel vm7, $0x40800000, v3  }
0x24: {  	v29 =	vmax.f32 v29, v25;
	v4 =	vmax.f32 v4, v19;
	v3 =	vsel vm8, $0x40400000, v3  }
0x25: {  	v29 =	vmax.f32 v29, v26;
	v4 =	vmax.f32 v4, v20;
	v3 =	vsel vm9, $0x40000000, v3  }
0x26: {  	v56 =	vmax.f32 v29, v27;
	v23 =	vmax.f32 v4, v21;
	v3 =	vsel vm10, $0x3F800000, v3  }
0x27: {  	vm7 =	vge.f32 v21, v23;
	vm8 =	vge.f32 v20, v23;
	vm9 =	vge.f32 v19, v23  }
0x28: {  	vm10 =	vge.f32 v18, v23;
	v3 =	vsel vm11, $0x0, v3;
	v32 =	vsel vm7, $0x40E00000, v2  }
0x29: {  	vm11 =	vge.f32 v17, v23;
	vm12 =	veq.f32 v3, $1.000000000e+00;
	vm13 =	veq.f32 v3, $2.000000000e+00  }
0x2a: {  	vm14 =	veq.f32 v3, $3.000000000e+00;
	vm15 =	veq.f32 v3, $4.000000000e+00;
	vm4 =	veq.f32 v3, $5.000000000e+00  }
0x2b: {  	vm5 =	veq.f32 v3, $6.000000000e+00;
	vm6 =	veq.f32 v3, $7.000000000e+00;
	v5 =	vsel vm12, $0xF149F2CA, v5  }
0x2c: {  	v43 =	vld [tilespmem:$0x30];
	v6 =	vsel vm13, $0xF149F2CA, v6;
	v8 =	vsel vm14, $0xF149F2CA, v8;
	v22 =	vmax.f32 v7, v5  }
0x2d: {  	v45 =	vld [tilespmem:$0xB0];
	v9 =	vsel vm15, $0xF149F2CA, v9;
	v10 =	vsel vm4, $0xF149F2CA, v10;
	v22 =	vmax.f32 v22, v6  }
0x2e: {  	v11 =	vsel vm5, $0xF149F2CA, v11;
	v30 =	vsel vm6, $0xF149F2CA, v12;
	v31 =	vmax.f32 v22, v8  }
0x2f: {  	vm12 =	vge.f32 v16, v23;
	v22 =	vsel vm8, $0x40C00000, v32;
	v12 =	vmax.f32 v31, v9  }
0x30: {  	vm13 =	vge.f32 v15, v23;
	v22 =	vsel vm9, $0x40A00000, v22;
	v12 =	vmax.f32 v12, v10  }
0x31: {  	vm14 =	vge.f32 v14, v23;
	v22 =	vsel vm10, $0x40800000, v22;
	v12 =	vmax.f32 v12, v11  }
0x32: {  	v32 =	vmax.f32 v43, v45;
	v22 =	vsel vm11, $0x40400000, v22;
	v12 =	vmax.f32 v12, v30  }
0x33: {  	v33 =	vsel vm12, $0x40000000, v22;
	v13 =	vsub.f32 v12, v13;
	vm1 =	vge.f32 v30, v12  }
0x34: {  	v4 =	vsel vm13, $0x3F800000, v33;
	vm15 =	vge.f32 v11, v12;
	vm11 =	vge.f32 v10, v12  }
0x35: {  	vm12 =	vge.f32 v9, v12;
	vm13 =	vge.f32 v8, v12;
	v34 =	vsel vm1, $0x40E00000, v2  }
0x36: {  	v4 =	vsel vm14, $0x0, v4;
	v13 =	vmul.f32 $1.442695020e+00, v13;
	v11 =	vsel vm15, $0x40C00000, v34  }
0x37: {  	vm4 =	veq.f32 v4, $1.000000000e+00;
	vm5 =	veq.f32 v4, $2.000000000e+00;
	vm6 =	veq.f32 v4, $3.000000000e+00  }
0x38: {  	(erf) = vpow2.f32 v13;
	v13 =	vsel vm14, $0xF149F2CA, v14;
	v14 =	vsel vm4, $0xF149F2CA, v15  }
0x39: {  	vm7 =	veq.f32 v4, $4.000000000e+00;
	v35 =	vsel vm5, $0xF149F2CA, v16;
	v50 =	vmax.f32 v13, v14  }
0x3a: {  	vm8 =	veq.f32 v4, $5.000000000e+00;
	v17 =	vsel vm6, $0xF149F2CA, v17;
	v16 =	vmax.f32 v50, v35  }
0x3b: {  	vm9 =	veq.f32 v4, $6.000000000e+00;
	v18 =	vsel vm7, $0xF149F2CA, v18;
	v16 =	vmax.f32 v16, v17  }
0x3c: {  	vm10 =	veq.f32 v4, $7.000000000e+00;
	v19 =	vsel vm8, $0xF149F2CA, v19;
	v16 =	vmax.f32 v16, v18  }
0x3d: {  	v53 =	vld [tilespmem:$0x2A0];
	v20 =	vsel vm9, $0xF149F2CA, v20;
	v11 =	vsel vm11, $0x40A00000, v11;
	v16 =	vmax.f32 v16, v19  }
0x3e: {  	v28 =	vld [tilespmem:$0x320];
	v52 =	vsel vm10, $0xF149F2CA, v21;
	v11 =	vsel vm12, $0x40800000, v11;
	v16 =	vmax.f32 v16, v20  }
0x3f: {  	v30 =	vld [tilespmem:$0x3A0];
	vm14 =	vge.f32 v6, v12;
	v11 =	vsel vm13, $0x40400000, v11;
	v16 =	vmax.f32 v16, v52  }
0x40: {  	vm15 =	vge.f32 v5, v12;
	v58 =	vsel vm14, $0x40000000, v11;
	v23 =	vsub.f32 v16, v23  }
0x41: {  	v8 =	vsel vm15, $0x3F800000, v58;
	vm5 =	vge.f32 v52, v16;
	vm8 =	vge.f32 v20, v16  }
0x42: {  	vm11 =	vge.f32 v19, v16;
	v54 =	vpop (erf);
	v55 =	vmul.f32 $1.442695020e+00, v23;
	v23 =	vmax.f32 v56, v53  }
0x43: {  	v61 =	vsel vm5, $0x40E00000, v2;
	v31 =	vadd.f32 $1.000000000e+00, v54;
	v57 =	vmax.f32 v23, v28  }
0x44: {  	vm14 =	vge.f32 v18, v16;
	v62 =	vsel vm8, $0x40C00000, v61;
	v59 =	vmax.f32 v57, v30  }
0x45: {  	v10 =	vsel vm11, $0x40A00000, v62;
	(erf) = vrcp.f32 v31;
	vm4 =	vge.f32 v30, v59  }
0x46: {  	v36 =	vsel vm14, $0x40800000, v10;
	vm6 =	vge.f32 v28, v59;
	v60 =	vsel vm4, $0x40E00000, v2  }
0x47: {  	(erf) = vpow2.f32 v55;
	vm7 =	vge.f32 v53, v59;
	v5 =	vsel vm6, $0x40C00000, v60  }
0x48: {  	vm14 =	vge.f32 v14, v16;
	vm9 =	vge.f32 v27, v59;
	v5 =	vsel vm7, $0x40A00000, v5  }
0x49: {  	vm10 =	vge.f32 v26, v59;
	vm12 =	vge.f32 v25, v59;
	v5 =	vsel vm9, $0x40800000, v5  }
0x4a: {  	vm13 =	vge.f32 v24, v59;
	vm15 =	vge.f32 v51, v59;
	v5 =	vsel vm10, $0x40400000, v5  }
0x4b: {  	v46 =	vld [tilespmem:$0x130];
	vm4 =	vge.f32 v7, v12;
	v5 =	vsel vm12, $0x40000000, v5;
	vm12 =	vge.f32 v17, v16  }
0x4c: {  	v38 =	vsel vm15, $0xF149F2CA, v51;
	v5 =	vsel vm13, $0x3F800000, v5;
	v50 =	vsel vm12, $0x40400000, v36  }
0x4d: {  	vm13 =	vge.f32 v35, v16;
	v5 =	vsel vm15, $0x0, v5;
	vm15 =	vge.f32 v13, v16  }
0x4e: {  	v47 =	vld [tilespmem:$0x1B0];
	vm5 =	veq.f32 v5, $1.000000000e+00;
	vm6 =	veq.f32 v5, $2.000000000e+00;
	vm7 =	veq.f32 v5, $3.000000000e+00  }
0x4f: {  	v49 =	vld [tilespmem:$0x230];
	v6 =	vpop (erf);
	vm8 =	veq.f32 v5, $4.000000000e+00;
	vm9 =	veq.f32 v5, $5.000000000e+00;
	vm10 =	veq.f32 v5, $6.000000000e+00  }
0x50: {  	v52 =	vld [tilespmem:$0x2B0];
	v63 =	vpop (erf);
	vm11 =	veq.f32 v5, $7.000000000e+00;
	v12 =	vmul.f32 v6, v54;
	v54 =	vmax.f32 v32, v46  }
0x51: {  	v37 =	vadd.f32 $1.000000000e+00, v63;
	v39 =	vsel vm5, $0xF149F2CA, v24;
	v21 =	vsel vm9, $0xF149F2CA, v53;
	v53 =	vld [tilespmem:$0x330]  }
0x52: {  	v40 =	vsel vm6, $0xF149F2CA, v25;
	v42 =	vsel vm7, $0xF149F2CA, v26;
	v41 =	vmax.f32 v38, v39  }
0x53: {  	v33 =	vld [tilespmem:$0x3B0];
	v44 =	vsel vm8, $0xF149F2CA, v27;
	v9 =	vmax.f32 v54, v47;
	v10 =	vmax.f32 v41, v40  }
0x54: {  	v28 =	vsel vm10, $0xF149F2CA, v28;
	v55 =	vmax.f32 v9, v49;
	v10 =	vmax.f32 v10, v42  }
0x55: {  	v30 =	vsel vm11, $0xF149F2CA, v30;
	v13 =	vmax.f32 v55, v52;
	v10 =	vmax.f32 v10, v44  }
0x56: {  	(erf) = vrcp.f32 v37;
	v10 =	vmax.f32 v10, v21;
	v13 =	vmax.f32 v13, v53  }
0x57: {  	v48 =	vmax.f32 v10, v28;
	v10 =	vsel vm4, $0x0, v8;
	v8 =	vsel vm13, $0x40000000, v50  }
0x58: {  	v13 =	vmax.f32 v13, v33;
	v51 =	vmax.f32 v48, v30;
	v8 =	vsel vm14, $0x3F800000, v8  }
0x59: {  	vm7 =	vge.f32 v33, v13;
	vm8 =	vge.f32 v53, v13;
	vm10 =	vge.f32 v52, v13  }
0x5a: {  	vm11 =	vge.f32 v49, v13;
	vm13 =	vge.f32 v47, v13;
	vm14 =	vge.f32 v46, v13  }
0x5b: {  	v11 =	vsub.f32 v51, v59;
	v9 =	vsel vm15, $0x0, v8;
	vm4 =	vge.f32 v30, v51  }
0x5c: {  	vm5 =	vge.f32 v28, v51;
	vm6 =	vge.f32 v21, v51;
	v57 =	vsel vm7, $0x40E00000, v2  }
0x5d: {  	vm9 =	vge.f32 v44, v51;
	vm12 =	vge.f32 v42, v51;
	vm15 =	vge.f32 v40, v51  }
0x5e: {  	v56 =	vsel vm4, $0x40E00000, v2;
	v16 =	vsel vm8, $0x40C00000, v57;
	v11 =	vmul.f32 $1.442695020e+00, v11  }
0x5f: {  	vm4 =	vge.f32 v45, v13;
	v14 =	vsel vm5, $0x40C00000, v56;
	v16 =	vsel vm10, $0x40A00000, v16  }
0x60: {  	vm5 =	vge.f32 v43, v13;
	v8 =	vpop (erf);
	v16 =	vsel vm11, $0x40800000, v16;
	(erf) = vpow2.f32 v11  }
0x61: {  	v14 =	vsel vm6, $0x40A00000, v14;
	vm6 =	vge.f32 v39, v51;
	v16 =	vsel vm13, $0x40400000, v16  }
0x62: {  	v61 =	vsel vm5, $0xF149F2CA, v43;
	v14 =	vsel vm9, $0x40800000, v14;
	v16 =	vsel vm14, $0x40000000, v16  }
0x63: {  	v11 =	vmul.f32 v8, v63;
	v14 =	vsel vm12, $0x40400000, v14;
	v16 =	vsel vm4, $0x3F800000, v16  }
0x64: {  	v60 =	vld [tilespmem:$0x40];
	vm9 =	vge.f32 v38, v51;
	v14 =	vsel vm15, $0x40000000, v14;
	v7 =	vsel vm5, $0x0, v16  }
0x65: {  	v63 =	vld [tilespmem:$0xC0];
	v14 =	vsel vm6, $0x3F800000, v14;
	vm7 =	veq.f32 v7, $1.000000000e+00;
	vm8 =	veq.f32 v7, $2.000000000e+00  }
0x66: {  	v37 =	vld [tilespmem:$0x140];
	vm10 =	veq.f32 v7, $3.000000000e+00;
	vm11 =	veq.f32 v7, $4.000000000e+00;
	vm12 =	veq.f32 v7, $5.000000000e+00  }
0x67: {  	v40 =	vld [tilespmem:$0x1C0];
	vm13 =	veq.f32 v7, $6.000000000e+00;
	vm14 =	veq.f32 v7, $7.000000000e+00;
	v62 =	vsel vm7, $0xF149F2CA, v45  }
0x68: {  	v41 =	vld [tilespmem:$0x240];
	v36 =	vsel vm8, $0xF149F2CA, v46;
	v38 =	vsel vm10, $0xF149F2CA, v47;
	v39 =	vmax.f32 v61, v62  }
0x69: {  	v43 =	vld [tilespmem:$0x2C0];
	v17 =	vsel vm11, $0xF149F2CA, v49;
	v42 =	vsel vm12, $0xF149F2CA, v52;
	v16 =	vmax.f32 v39, v36;
	v58 =	vpop (erf)  }
0x6a: {  	v46 =	vld [tilespmem:$0x340];
	v47 =	vmax.f32 v60, v63;
	v16 =	vmax.f32 v16, v38;
	v59 =	vadd.f32 $1.000000000e+00, v58  }
0x6b: {  	v55 =	vld [tilespmem:$0x50];
	v44 =	vsel vm13, $0xF149F2CA, v53;
	v45 =	vmax.f32 v16, v17;
	v16 =	vmax.f32 v47, v37  }
0x6c: {  	v56 =	vld [tilespmem:$0xD0];
	v15 =	vmax.f32 v45, v42;
	v16 =	vmax.f32 v16, v40;
	(erf) = vrcp.f32 v59  }
0x6d: {  	v34 =	vld [tilespmem:$0x3C0];
	v48 =	vsel vm14, $0xF149F2CA, v33;
	v49 =	vmax.f32 v15, v44;
	v16 =	vmax.f32 v16, v41  }
0x6e: {  	v15 =	vsel vm9, $0x0, v14;
	v33 =	vmax.f32 v49, v48;
	v50 =	vmax.f32 v16, v43  }
0x6f: {  	vm0 =	vge.f32 v48, v33;
	v13 =	vsub.f32 v33, v13;
	v31 =	vmax.f32 v50, v46  }
0x70: {  	vm15 =	vge.f32 v44, v33;
	vm4 =	vge.f32 v42, v33;
	vm8 =	vge.f32 v17, v33  }
0x71: {  	vm11 =	vge.f32 v38, v33;
	vm14 =	vge.f32 v36, v33;
	v48 =	vmax.f32 v55, v56  }
0x72: {  	v51 =	vsel vm0, $0x40E00000, v2;
	v52 =	vmax.f32 v31, v34;
	v13 =	vmul.f32 $1.442695020e+00, v13  }
0x73: {  	v18 =	vsel vm15, $0x40C00000, v51;
	vm5 =	vge.f32 v34, v52;
	vm6 =	vge.f32 v46, v52  }
0x74: {  	vm7 =	vge.f32 v43, v52;
	vm9 =	vge.f32 v41, v52;
	v53 =	vsel vm5, $0x40E00000, v2  }
0x75: {  	vm10 =	vge.f32 v40, v52;
	v14 =	vpop (erf);
	(erf) = vpow2.f32 v13;
	v13 =	vsel vm6, $0x40C00000, v53  }
0x76: {  	vm12 =	vge.f32 v37, v52;
	v18 =	vsel vm4, $0x40A00000, v18;
	v13 =	vsel vm7, $0x40A00000, v13  }
0x77: {  	v17 =	vsel vm8, $0x40800000, v18;
	v16 =	vmul.f32 v14, v58;
	v58 =	vld [tilespmem:$0x150];
	v13 =	vsel vm9, $0x40800000, v13  }
0x78: {  	vm13 =	vge.f32 v63, v52;
	v17 =	vsel vm11, $0x40400000, v17;
	v13 =	vsel vm10, $0x40400000, v13  }
0x79: {  	vm4 =	vge.f32 v62, v33;
	v17 =	vsel vm14, $0x40000000, v17;
	v13 =	vsel vm12, $0x40000000, v13  }
0x7a: {  	vm15 =	vge.f32 v60, v52;
	v54 =	vsel vm4, $0x3F800000, v17;
	v13 =	vsel vm13, $0x3F800000, v13  }
0x7b: {  	v17 =	vsel vm15, $0xF149F2CA, v60;
	vm6 =	vge.f32 v61, v33;
	v13 =	vsel vm15, $0x0, v13  }
0x7c: {  	v59 =	vld [tilespmem:$0x1D0];
	v24 =	vmax.f32 v48, v58;
	vm5 =	veq.f32 v13, $1.000000000e+00;
	vm7 =	veq.f32 v13, $2.000000000e+00  }
0x7d: {  	v35 =	vld [tilespmem:$0x250];
	vm8 =	veq.f32 v13, $3.000000000e+00;
	vm9 =	veq.f32 v13, $4.000000000e+00;
	vm10 =	veq.f32 v13, $5.000000000e+00  }
0x7e: {  	v36 =	vld [tilespmem:$0x2D0];
	vm11 =	veq.f32 v13, $6.000000000e+00;
	vm12 =	veq.f32 v13, $7.000000000e+00;
	v31 =	vsel vm5, $0xF149F2CA, v63  }
0x7f: {  	v20 =	vsel vm7, $0xF149F2CA, v37;
	v26 =	vsel vm8, $0xF149F2CA, v40;
	v37 =	vld [tilespmem:$0x350];
	v21 =	vmax.f32 v17, v31  }
0x80: {  	v38 =	vld [tilespmem:$0x3D0];
	v27 =	vsel vm9, $0xF149F2CA, v41;
	v29 =	vsel vm10, $0xF149F2CA, v43;
	v21 =	vmax.f32 v21, v20  }
0x81: {  	v32 =	vsel vm11, $0xF149F2CA, v46;
	v40 =	vmax.f32 v24, v59;
	v18 =	vpop (erf);
	v21 =	vmax.f32 v21, v26  }
0x82: {  	v49 =	vmax.f32 v40, v35;
	v57 =	vadd.f32 $1.000000000e+00, v18;
	v21 =	vmax.f32 v21, v27  }
0x83: {  	v34 =	vsel vm12, $0xF149F2CA, v34;
	v19 =	vmax.f32 v49, v36;
	v21 =	vmax.f32 v21, v29  }
0x84: {  	(erf) = vrcp.f32 v57;
	v19 =	vmax.f32 v19, v37;
	v39 =	vmax.f32 v21, v32  }
0x85: {  	v21 =	vsel vm6, $0x0, v54;
	v51 =	vmax.f32 v19, v38;
	v24 =	vmax.f32 v39, v34  }
0x86: {  	vm4 =	vge.f32 v38, v51;
	vm5 =	vge.f32 v37, v51;
	vm7 =	vge.f32 v36, v51  }
0x87: {  	vm8 =	vge.f32 v35, v51;
	vm9 =	vge.f32 v59, v51;
	vm0 =	vge.f32 v34, v24  }
0x88: {  	vm11 =	vge.f32 v58, v51;
	vm13 =	vge.f32 v32, v24;
	v50 =	vsel vm0, $0x40E00000, v2  }
0x89: {  	vm14 =	vge.f32 v29, v24;
	v61 =	vsel vm4, $0x40E00000, v2;
	v25 =	vsel vm13, $0x40C00000, v50  }
0x8a: {  	v63 =	vld [tilespmem:$0xE0];
	vm12 =	vge.f32 v56, v51;
	v60 =	vsel vm14, $0x40A00000, v25;
	v25 =	vsel vm5, $0x40C00000, v61  }
0x8b: {  	v39 =	vld [tilespmem:$0x60];
	vm15 =	vge.f32 v27, v24;
	v62 =	vsub.f32 v24, v52;
	v25 =	vsel vm7, $0x40A00000, v25  }
0x8c: {  	v41 =	vld [tilespmem:$0x160];
	vm6 =	vge.f32 v26, v24;
	vm10 =	vge.f32 v20, v24;
	v25 =	vsel vm8, $0x40800000, v25  }
0x8d: {  	v53 =	vmul.f32 $1.442695020e+00, v62;
	v19 =	vsel vm15, $0x40800000, v60;
	v52 =	vsel vm9, $0x40400000, v25  }
0x8e: {  	v42 =	vld [tilespmem:$0x1E0];
	vm13 =	vge.f32 v55, v51;
	v19 =	vsel vm6, $0x40400000, v19;
	v20 =	vsel vm11, $0x40000000, v52  }
0x8f: {  	v43 =	vld [tilespmem:$0x260];
	(erf) = vpow2.f32 v53;
	v32 =	vsel vm10, $0x40000000, v19;
	v54 =	vsel vm12, $0x3F800000, v20  }
0x90: {  	v44 =	vld [tilespmem:$0x2E0];
	v20 =	vsel vm13, $0xF149F2CA, v55;
	v55 =	vmax.f32 v39, v63;
	v19 =	vsel vm13, $0x0, v54  }
0x91: {  	v45 =	vld [tilespmem:$0x360];
	v25 =	vmax.f32 v55, v41;
	vm14 =	veq.f32 v19, $1.000000000e+00;
	vm15 =	veq.f32 v19, $2.000000000e+00  }
0x92: {  	v46 =	vld [tilespmem:$0x3E0];
	vm4 =	veq.f32 v19, $3.000000000e+00;
	vm5 =	veq.f32 v19, $4.000000000e+00;
	vm6 =	veq.f32 v19, $5.000000000e+00  }
0x93: {  	vm7 =	veq.f32 v19, $6.000000000e+00;
	v22 =	vsel vm14, $0xF149F2CA, v56;
	v56 =	vmax.f32 v25, v42  }
0x94: {  	vm8 =	veq.f32 v19, $7.000000000e+00;
	v23 =	vsel vm15, $0xF149F2CA, v58;
	v27 =	vmax.f32 v56, v43  }
0x95: {  	v25 =	vsel vm4, $0xF149F2CA, v59;
	v26 =	vsel vm5, $0xF149F2CA, v35;
	v57 =	vmax.f32 v27, v44  }
0x96: {  	v29 =	vsel vm7, $0xF149F2CA, v37;
	v58 =	vmax.f32 v20, v22;
	v28 =	vmax.f32 v57, v45  }
0x97: {  	v30 =	vsel vm8, $0xF149F2CA, v38;
	v60 =	vmax.f32 v58, v23;
	v59 =	vmax.f32 v28, v46  }
0x98: {  	v27 =	vsel vm6, $0xF149F2CA, v36;
	v28 =	vmax.f32 v60, v25;
	vm9 =	vge.f32 v46, v59  }
0x99: {  	vm10 =	vge.f32 v45, v59;
	v28 =	vmax.f32 v28, v26;
	v61 =	vsel vm9, $0x40E00000, v2  }
0x9a: {  	vm11 =	vge.f32 v44, v59;
	v28 =	vmax.f32 v28, v27;
	v33 =	vsel vm10, $0x40C00000, v61  }
0x9b: {  	[tilespmem:$0x600] =	vst v1;
	vm12 =	vge.f32 v43, v59;
	v28 =	vmax.f32 v28, v29;
	v33 =	vsel vm11, $0x40A00000, v33  }
0x9c: {  	[tilespmem:$0x610] =	vst v0;
	v47 =	vld [tilespmem:$0xF0];
	vm13 =	vge.f32 v42, v59;
	v28 =	vmax.f32 v28, v30;
	v33 =	vsel vm12, $0x40800000, v33  }
0x9d: {  	[tilespmem:$0x620] =	vst v0;
	v37 =	vld [tilespmem:$0x70];
	vm14 =	vge.f32 v41, v59;
	v34 =	vsub.f32 v28, v51;
	v33 =	vsel vm13, $0x40400000, v33  }
0x9e: {  	[tilespmem:$0x630] =	vst v0;
	v49 =	vld [tilespmem:$0x170];
	vm0 =	vge.f32 v31, v24;
	v36 =	vpop (erf);
	vm15 =	vge.f32 v63, v59;
	v33 =	vsel vm14, $0x40000000, v33  }
0x9f: {  	[tilespmem:$0x500] =	vst v3;
	v38 =	vpop (erf);
	vm4 =	vge.f32 v39, v59;
	v62 =	vmul.f32 $1.442695020e+00, v34;
	v34 =	vld [tilespmem:$0x1F0];
	v33 =	vsel vm15, $0x3F800000, v33  }
0xa0: {  	[tilespmem:$0x480] =	vst v12;
	v48 =	vadd.f32 $1.000000000e+00, v38;
	v3 =	vsel vm4, $0xF149F2CA, v39;
	v39 =	vld [tilespmem:$0x270];
	v12 =	vsel vm4, $0x0, v33  }
0xa1: {  	[tilespmem:$0x400] =	vst v6;
	v40 =	vld [tilespmem:$0x2F0];
	vm5 =	veq.f32 v12, $1.000000000e+00;
	vm6 =	veq.f32 v12, $2.000000000e+00;
	vm7 =	veq.f32 v12, $3.000000000e+00  }
0xa2: {  	[tilespmem:$0x580] =	vst v10;
	v10 =	vsel vm5, $0xF149F2CA, v63;
	v31 =	vsel vm6, $0xF149F2CA, v41;
	v41 =	vld [tilespmem:$0x370];
	v63 =	vmax.f32 v37, v47  }
0xa3: {  	[tilespmem:$0x680] =	vst v6;
	(erf) = vrcp.f32 v48;
	v33 =	vsel vm7, $0xF149F2CA, v42;
	v42 =	vld [tilespmem:$0x3F0];
	v48 =	vmax.f32 v63, v49  }
0xa4: {  	[tilespmem:$0x700] =	vst v6;
	(erf) = vpow2.f32 v62;
	vm8 =	veq.f32 v12, $4.000000000e+00;
	v52 =	vmax.f32 v48, v34  }
0xa5: {  	[tilespmem:$0x780] =	vst v6;
	vm9 =	veq.f32 v12, $5.000000000e+00;
	v6 =	vsel vm8, $0xF149F2CA, v43;
	v43 =	vmax.f32 v52, v39  }
0xa6: {  	[tilespmem:$0x640] =	vst v0;
	vm10 =	veq.f32 v12, $6.000000000e+00;
	v53 =	vmax.f32 v3, v10;
	v43 =	vmax.f32 v43, v40  }
0xa7: {  	[tilespmem:$0x510] =	vst v4;
	vm11 =	veq.f32 v12, $7.000000000e+00;
	v54 =	vmax.f32 v53, v31;
	v43 =	vmax.f32 v43, v41  }
0xa8: {  	[tilespmem:$0x490] =	vst v11;
	v11 =	vsel vm9, $0xF149F2CA, v44;
	v4 =	vmax.f32 v54, v33;
	v55 =	vmax.f32 v43, v42  }
0xa9: {  	[tilespmem:$0x650] =	vst v0;
	v44 =	vsel vm10, $0xF149F2CA, v45;
	v4 =	vmax.f32 v4, v6;
	vm12 =	vge.f32 v42, v55  }
0xaa: {  	[tilespmem:$0x410] =	vst v8;
	v4 =	vmax.f32 v4, v11;
	vm13 =	vge.f32 v41, v55;
	v56 =	vsel vm12, $0x40E00000, v2  }
0xab: {  	[tilespmem:$0x690] =	vst v8;
	v43 =	vsel vm11, $0xF149F2CA, v46;
	vm14 =	vge.f32 v40, v55;
	v45 =	vsel vm13, $0x40C00000, v56  }
0xac: {  	[tilespmem:$0x710] =	vst v8;
	v4 =	vmax.f32 v4, v44;
	vm15 =	vge.f32 v39, v55;
	v45 =	vsel vm14, $0x40A00000, v45  }
0xad: {  	[tilespmem:$0x790] =	vst v8;
	v8 =	vpop (erf);
	v4 =	vmax.f32 v4, v43;
	vm4 =	vge.f32 v34, v55;
	v45 =	vsel vm15, $0x40800000, v45  }
0xae: {  	[tilespmem:$0x520] =	vst v5;
	v57 =	vpop (erf);
	vm5 =	vge.f32 v49, v55;
	v35 =	vsub.f32 v4, v59;
	v60 =	vsel vm4, $0x40400000, v45  }
0xaf: {  	[tilespmem:$0x420] =	vst v14;
	vm6 =	vge.f32 v47, v55;
	v58 =	vadd.f32 $1.000000000e+00, v57;
	v61 =	vsel vm5, $0x40000000, v60  }
0xb0: {  	[tilespmem:$0x6A0] =	vst v14;
	vm7 =	vge.f32 v37, v55;
	v59 =	vmul.f32 $1.442695020e+00, v35;
	v5 =	vsel vm6, $0x3F800000, v61  }
0xb1: {  	[tilespmem:$0x720] =	vst v14;
	v18 =	vmul.f32 v36, v18;
	(erf) = vrcp.f32 v58;
	v5 =	vsel vm7, $0x0, v5  }
0xb2: {  	[tilespmem:$0x7A0] =	vst v14;
	vm8 =	vge.f32 v17, v24;
	(erf) = vpow2.f32 v59;
	vm9 =	veq.f32 v5, $1.000000000e+00  }
0xb3: {  	[tilespmem:$0x4B0] =	vst v18;
	v14 =	vsel vm7, $0xF149F2CA, v37;
	vm10 =	veq.f32 v5, $2.000000000e+00;
	v18 =	vsel vm9, $0xF149F2CA, v47  }
0xb4: {  	[tilespmem:$0x530] =	vst v7;
	vm11 =	veq.f32 v5, $3.000000000e+00;
	v7 =	vsel vm10, $0xF149F2CA, v49;
	v45 =	vmax.f32 v14, v18  }
0xb5: {  	[tilespmem:$0x660] =	vst v0;
	vm12 =	veq.f32 v5, $4.000000000e+00;
	v46 =	vsel vm11, $0xF149F2CA, v34;
	v24 =	vmax.f32 v45, v7  }
0xb6: {  	[tilespmem:$0x670] =	vst v0;
	vm13 =	veq.f32 v5, $5.000000000e+00;
	v47 =	vsel vm12, $0xF149F2CA, v39;
	v24 =	vmax.f32 v24, v46  }
0xb7: {  	[tilespmem:$0x590] =	vst v9;
	vm14 =	veq.f32 v5, $6.000000000e+00;
	v48 =	vsel vm13, $0xF149F2CA, v40;
	v24 =	vmax.f32 v24, v47  }
0xb8: {  	[tilespmem:$0x5A0] =	vst v15;
	vm15 =	veq.f32 v5, $7.000000000e+00;
	v50 =	vsel vm14, $0xF149F2CA, v41;
	v24 =	vmax.f32 v24, v48  }
0xb9: {  	[tilespmem:$0x4A0] =	vst v16;
	v51 =	vsel vm15, $0xF149F2CA, v42;
	v24 =	vmax.f32 v24, v50  }
0xba: {  	[tilespmem:$0x540] =	vst v13;
	v49 =	vpop (erf);
	v24 =	vmax.f32 v24, v51  }
0xbb: {  	[tilespmem:$0x5B0] =	vst v21;
	v52 =	vpop (erf);
	v9 =	vsub.f32 v24, v55  }
0xbc: {  	[tilespmem:$0x550] =	vst v19;
	v53 =	vadd.f32 $1.000000000e+00, v52  }
0xbd: {  	[tilespmem:$0x430] =	vst v36;
	v9 =	vmul.f32 $1.442695020e+00, v9  }
0xbe: {  	[tilespmem:$0x6B0] =	vst v36;
	(erf) = vrcp.f32 v53  }
0xbf: {  	[tilespmem:$0x730] =	vst v36;
	(erf) = vpow2.f32 v9  }
0xc0: {  	[tilespmem:$0x7B0] =	vst v36  }
0xc1: {  	[tilespmem:$0x560] =	vst v12  }
0xc2: {  	[tilespmem:$0x440] =	vst v8  }
0xc3: {  	v62 =	vsel vm0, $0x3F800000, v32;
	[tilespmem:$0x6C0] =	vst v8;
	vm4 =	vge.f32 v30, v28  }
0xc4: {  	v63 =	vmul.f32 v8, v38;
	[tilespmem:$0x740] =	vst v8;
	vm5 =	vge.f32 v29, v28;
	v54 =	vsel vm4, $0x40E00000, v2  }
0xc5: {  	v15 =	vsel vm8, $0x0, v62;
	[tilespmem:$0x7C0] =	vst v8;
	vm6 =	vge.f32 v27, v28;
	v13 =	vsel vm5, $0x40C00000, v54  }
0xc6: {  	[tilespmem:$0x5C0] =	vst v15;
	vm7 =	vge.f32 v26, v28;
	v13 =	vsel vm6, $0x40A00000, v13  }
0xc7: {  	vm8 =	vge.f32 v25, v28;
	[tilespmem:$0x4C0] =	vst v63;
	v13 =	vsel vm7, $0x40800000, v13;
	vm7 =	vge.f32 v3, v4;
	v60 =	vpop (erf)  }
0xc8: {  	[tilespmem:$0x570] =	vst v5;
	vm9 =	vge.f32 v23, v28;
	vm10 =	vge.f32 v22, v28;
	vm11 =	vge.f32 v20, v28;
	v3 =	vpop (erf)  }
0xc9: {  	vm12 =	vge.f32 v43, v4;
	[tilespmem:$0x450] =	vst v49;
	v55 =	vsel vm8, $0x40400000, v13;
	v62 =	vadd.f32 $1.000000000e+00, v3  }
0xca: {  	vm13 =	vge.f32 v44, v4;
	v56 =	vmul.f32 v49, v57;
	[tilespmem:$0x6D0] =	vst v49;
	v57 =	vsel vm9, $0x40000000, v55  }
0xcb: {  	v58 =	vsel vm12, $0x40E00000, v2;
	[tilespmem:$0x750] =	vst v49;
	v8 =	vsel vm10, $0x3F800000, v57;
	(erf) = vrcp.f32 v62  }
0xcc: {  	vm14 =	vge.f32 v11, v4;
	v59 =	vsel vm13, $0x40C00000, v58;
	[tilespmem:$0x7D0] =	vst v49;
	v8 =	vsel vm11, $0x0, v8  }
0xcd: {  	vm15 =	vge.f32 v6, v4;
	[tilespmem:$0x5D0] =	vst v8;
	v8 =	vsel vm14, $0x40A00000, v59  }
0xce: {  	vm4 =	vge.f32 v33, v4;
	[tilespmem:$0x4D0] =	vst v56;
	v8 =	vsel vm15, $0x40800000, v8  }
0xcf: {  	vm5 =	vge.f32 v31, v4;
	v8 =	vsel vm4, $0x40400000, v8;
	[tilespmem:$0x460] =	vst v60  }
0xd0: {  	vm6 =	vge.f32 v10, v4;
	vm8 =	vge.f32 v51, v24;
	v8 =	vsel vm5, $0x40000000, v8;
	[tilespmem:$0x6E0] =	vst v60  }
0xd1: {  	v63 =	vsel vm8, $0x40E00000, v2;
	v8 =	vsel vm6, $0x3F800000, v8;
	[tilespmem:$0x760] =	vst v60  }
0xd2: {  	vm9 =	vge.f32 v50, v24;
	v61 =	vmul.f32 v60, v52;
	v4 =	vsel vm7, $0x0, v8;
	[tilespmem:$0x7E0] =	vst v60  }
0xd3: {  	vm10 =	vge.f32 v48, v24;
	[tilespmem:$0x5E0] =	vst v4;
	v4 =	vsel vm9, $0x40C00000, v63  }
0xd4: {  	vm11 =	vge.f32 v47, v24;
	[tilespmem:$0x4E0] =	vst v61;
	v4 =	vsel vm10, $0x40A00000, v4;
	v8 =	vpop (erf)  }
0xd5: {  	vm12 =	vge.f32 v46, v24;
	v4 =	vsel vm11, $0x40800000, v4;
	[tilespmem:$0x470] =	vst v8  }
0xd6: {  	vm13 =	vge.f32 v7, v24;
	v4 =	vsel vm12, $0x40400000, v4;
	[tilespmem:$0x6F0] =	vst v8  }
0xd7: {  	vm14 =	vge.f32 v18, v24;
	v4 =	vsel vm13, $0x40000000, v4;
	v3 =	vmul.f32 v8, v3;
	[tilespmem:$0x770] =	vst v8  }
0xd8: {  	vm15 =	vge.f32 v14, v24;
	v4 =	vsel vm14, $0x3F800000, v4;
	[tilespmem:$0x7F0] =	vst v8  }
0xd9: {  	p0 =	sne.s32 s5, $0x1;
	[tilespmem:$0x4F0] =	vst v3;
	v3 =	vsel vm15, $0x0, v4  }
.Ltmp0:
0xda: {  	[tilespmem:$0x5F0] =	vst v3;
	(pc) =	sbr.rel @p0 .LBB2_1-.Ltmp0, $4  }
0xdb: {  	[hbm4b:s4+s2] =	stream.linear.scatter [tilespmem:s7], [sflag:$0x1], $0x400, $0x38;
	[tilespmem:$0x800] =	vst v63  }
0xdc: {  	_ =	swait.ge [sflag:s6], $0x400  }
0xdd: {  	[sflag:s6] =	ssyncset.done $0x0  }
0xde: {  	s5 =	sadd.s32 $0xFFFFFFFF, s5;
	[sflag:s6] =	ssyncadd.s32 $0xFFFFFC00  }
0xdf: {  	_ =	sfence.sel $0x180000  }
0xe0: {  	[bflag:$0x0] =	sbarrier.arrive $0xFFFF  }
0xe1: {  	p0 =	sne.s32 s1, $0x0;
	_ =	strace $0x90000047  }
0xe2: {  	s0 =	sadd.s32 @!p0 $0x100000, s0;
	[bflag:$0x2] =	sbarrier.arrive $0xFFFF  }
0xe3: {  	[sflag:s0] =	ssyncadd.tile.s32 @!p0 $0x1;
	_ =	shalt  }
.Lfunc_end2:
_tile_overlayer_lowered:
.L_overlay_start_2:
0xe4: {  	(tag) =	ssettag $0x2  }
0xe5: {  	s0 =	rddreg [dreg:$0x0];
	s2 =	stileid.u32  }
0xe6: {  	s1 =	rddreg [dreg:$0x1];
	p0 =	sne.s32 s2, $0x0  }
0xe7: {  	s3 =	rddreg [dreg:$0x2];
	[bflag:$0x3] =	sbarrier.arrive $0xFFFF;
	s2 =	simm.s32 @!p0 $0x1C01  }
0xe8: {  	[timem:s3], [sflag:s2] =	dma.local @!p0 [hbm:s0], s1  }
0xe9: {  	s0 =	simm.s32 @!p0 $0x1  }
0xea: {  	_ =	swait.ge @!p0 [sflag:s0], s1  }
0xeb: {  	s1 =	ssub.s32 @!p0 $0x0, s1;
	[sflag:s0] =	ssyncset.done @!p0 $0x0  }
0xec: {  	[sflag:s0] =	ssyncadd.s32 @!p0 s1  }
0xed: {  	[bflag:$0x3] =	sbarrier.arrive $0xFFFF  }
0xee: {  	_ =	shalt  }

</sc_bundles>
